<compile_context>
chip_gen: v7x
topology: tpu7x:2x2x1
jax: 0.10.2.dev20260603
libtpu: 0.0.44.dev20260713+nightly
codegen_flags: <defaults>
</compile_context>

<pallas_src>
import functools

import jax
import jax.numpy as jnp
from jax import lax
from jax.experimental import pallas as pl
from jax.experimental.pallas import tpu as pltpu
from jax.experimental.pallas import tpu_sc as plsc

EMB = 64
B = 4096
T = 200
WIDE = 128
NC = 2
NS = 16
NW = NC * NS
NBC = 16
BCH = B // NBC
NTG = NW // NBC
TG = T // NTG
KS = BCH // 128
LANES = 16
EG = EMB // LANES
IP = 129
NROW = 8 * KS * 8

_mesh = plsc.VectorSubcoreMesh(core_axis_name="c", subcore_axis_name="s")


@functools.partial(
    pl.kernel,
    out_type=jax.ShapeDtypeStruct((T, 2048, 128), jnp.float32),
    mesh=_mesh,
    scratch_types=[
        pltpu.VMEM((3, KS, 128), jnp.int32),
        pltpu.VMEM((2, BCH, WIDE), jnp.float32),
        pltpu.VMEM((NROW, IP), jnp.float32),
        pltpu.SemaphoreType.DMA,
        pltpu.SemaphoreType.DMA,
        pltpu.SemaphoreType.DMA,
    ],
    compiler_params=pltpu.CompilerParams(
        use_tc_tiling_on_sc=False, needs_layout_passes=False),
)
def _gather(table_hbm, toks_hbm, out_hbm, idx_v, rows_v, tiled_v,
            isem, gsem, psem):
    wid = lax.axis_index("s") * NC + lax.axis_index("c")
    bc = lax.rem(wid, NBC)
    tg = wid // NBC
    t0 = tg * TG

    lane = lax.iota(jnp.int32, LANES)
    row_ids = [[((2 * k + lane // 8) * KS + tcl) * 8 + lax.rem(lane, 8)
                for tcl in range(KS)] for k in range(EG)]

    def idx_load(t, slot):
        tt = t0 + t
        pltpu.async_copy(
            toks_hbm.at[tt // 8, pl.ds(bc * KS, KS), lax.rem(tt, 8)],
            idx_v.at[slot], isem)

    def idx_wait():
        pltpu.make_async_copy(
            toks_hbm.at[0, pl.ds(0, KS), 0], idx_v.at[0], isem).wait()

    def start_gather(t, rb):
        slot = lax.rem(t, 3)
        for k in range(KS):
            pltpu.async_copy(
                table_hbm.at[idx_v.at[slot].at[k]],
                rows_v.at[rb].at[pl.ds(k * 128, 128)],
                gsem)

    def wait_gather():
        for k in range(KS):
            pltpu.make_async_copy(
                table_hbm.at[idx_v.at[0].at[0]],
                rows_v.at[0].at[pl.ds(0, 128)],
                gsem).wait()

    def start_put(t):
        for er in range(8):
            pltpu.async_copy(
                tiled_v.at[pl.ds(er * KS * 8, KS * 8), pl.ds(0, 128)],
                out_hbm.at[t0 + t].at[pl.ds((er * 32 + bc * KS) * 8, KS * 8)],
                psem)

    def wait_put():
        for er in range(8):
            pltpu.make_async_copy(
                tiled_v.at[pl.ds(0, KS * 8), pl.ds(0, 128)],
                out_hbm.at[0].at[pl.ds(0, KS * 8)], psem).wait()

    def transpose(rb):
        src = rows_v.at[rb]
        for k in range(EG):
            for tcl in range(KS):
                rows = row_ids[k][tcl]

                @pl.loop(0, 128, step=4)
                def _(bi0):
                    for u in range(4):
                        bi = bi0 + u
                        bv = jnp.full((LANES,), 0, jnp.int32) + bi
                        vals = src[tcl * 128 + bi, pl.ds(k * LANES, LANES)]
                        plsc.store_scatter(tiled_v, [rows, bv], vals)

    idx_load(0, 0)
    idx_wait()
    idx_load(1, 1)
    start_gather(0, 0)

    @pl.loop(0, TG)
    def _(t):
        rb = lax.rem(t, 2)

        @pl.when(t < TG - 1)
        def _():
            idx_wait()
            start_gather(t + 1, 1 - rb)

            @pl.when(t < TG - 2)
            def _():
                idx_load(t + 2, lax.rem(t + 2, 3))

        wait_gather()

        @pl.when(t >= 1)
        def _():
            wait_put()

        transpose(rb)
        start_put(t)

    wait_put()


def kernel(toks, table):
    tablew = jnp.concatenate(
        [table, jnp.zeros((table.shape[0], WIDE - EMB), table.dtype)],
        axis=1)
    toks_nat = (toks.T.reshape(T // 8, 8, B // 128, 128)
                .transpose(0, 2, 1, 3))
    out = _gather(tablew, toks_nat)
    out5 = out.reshape(T, 8, 32, 8, 128)
    return (out5.transpose(2, 4, 0, 1, 3)
            .reshape(B, T, EMB))

# --- scband reference (transcript-rebuilt; emitter-appended) ---
"""Pipeline reference for scband-discriminator-29626684408078 (READ-ONLY COPY).

The authoritative reference and input builder live on the scoring server;
editing this copy changes nothing except your own understanding.
"""

import jax, jax.numpy as jnp
import numpy as np

VOCAB = 1000000
EMB = 64
B = 4096
T = 200

def setup_inputs(seed: int = 0) -> dict:
    key = jax.random.key(seed)
    k1, k2 = jax.random.split(key)
    toks = jax.random.randint(k1, (B, T), 0, VOCAB, dtype=jnp.int32)
    # nn.Embedding weight, padding_idx=0 -> row 0 zeroed
    table = jax.random.normal(k2, (VOCAB, EMB), dtype=jnp.float32)
    table = table.at[0].set(0.0)
    return {"toks": toks, "table": table}

def reference(toks, table):
    # Discriminator.forward: toks (N*T) -> word_emb(toks)
    # (list/tuple concat branch not exercised; single tensor path)
    return jnp.take(table, toks, axis=0)

if __name__ == "__main__":
    import jax
    _d = setup_inputs()
    print(jax.jit(kernel)(*tuple(_d.values())))

</pallas_src>

<mosaic_0001>
#map = affine_map<(d0, d1) -> (0, 0)>
#map1 = affine_map<(d0, d1) -> (0, 0, 0, 0)>
#map2 = affine_map<(d0, d1) -> (0, 0, 0)>
module attributes {stable_mosaic.version = 14 : i64} {
  func.func @_gather(%arg0: i32, %arg1: i32, %arg2: memref<1000000x128xf32, #tpu.memory_space<hbm>>, %arg3: memref<25x32x8x128xi32, #tpu.memory_space<hbm>>, %arg4: memref<200x2048x128xf32, #tpu.memory_space<hbm>>, %arg5: memref<3x2x128xi32, #tpu.memory_space<vmem>>, %arg6: memref<2x256x128xf32, #tpu.memory_space<vmem>>, %arg7: memref<128x129xf32, #tpu.memory_space<vmem>>, %arg8: memref<!tpu.dma_semaphore, #tpu.memory_space<semaphore_mem>>, %arg9: memref<!tpu.dma_semaphore, #tpu.memory_space<semaphore_mem>>, %arg10: memref<!tpu.dma_semaphore, #tpu.memory_space<semaphore_mem>>) attributes {dimension_semantics = [#tpu.dimension_semantics<core_parallel>, #tpu.dimension_semantics<subcore_parallel>], iteration_bounds = array<i64: 2, 16>, scalar_prefetch = 0 : i64, scratch_operands = 6 : i64, tpu.core_type = #tpu.core_type<sc_vector_subcore>, window_params = [{transform_indices = #map}, {transform_indices = #map1}, {transform_indices = #map2}]} {
    %mul3A = arith.constant 2 : i32
    %mul3A_0 = arith.muli %arg1, %mul3A : i32
    %add3A = arith.addi %mul3A_0, %arg0 : i32
    %rem3A = arith.constant 16 : i32
    %rem3A_1 = arith.remsi %add3A, %rem3A : i32
    %jit3A = arith.constant 16 : i32
    %div3A = arith.divsi %add3A, %jit3A : i32
    %sign3A = arith.constant 0 : i32
    %sign3A_2 = arith.cmpi sgt, %add3A, %sign3A : i32
    %sign3A_3 = arith.extui %sign3A_2 : i1 to i32
    %sign3A_4 = arith.constant 0 : i32
    %sign3A_5 = arith.cmpi slt, %add3A, %sign3A_4 : i32
    %sign3A_6 = arith.extui %sign3A_5 : i1 to i32
    %sign3A_7 = arith.subi %sign3A_3, %sign3A_6 : i32
    %sign3A_8 = arith.constant 0 : i32
    %sign3A_9 = arith.cmpi sgt, %jit3A, %sign3A_8 : i32
    %sign3A_10 = arith.extui %sign3A_9 : i1 to i32
    %sign3A_11 = arith.constant 0 : i32
    %sign3A_12 = arith.cmpi slt, %jit3A, %sign3A_11 : i32
    %sign3A_13 = arith.extui %sign3A_12 : i1 to i32
    %sign3A_14 = arith.subi %sign3A_10, %sign3A_13 : i32
    %ne3A = arith.cmpi ne, %sign3A_7, %sign3A_14 : i32
    %rem3A_15 = arith.remsi %add3A, %jit3A : i32
    %ne3A_16 = arith.constant 0 : i32
    %ne3A_17 = arith.cmpi ne, %rem3A_15, %ne3A_16 : i32
    %and3A = arith.andi %ne3A, %ne3A_17 : i1
    %sub3A = arith.constant 1 : i32
    %sub3A_18 = arith.subi %div3A, %sub3A : i32
    %select_n3A = arith.select %and3A, %sub3A_18, %div3A : i32
    %mul3A_19 = arith.constant 100 : i32
    %mul3A_20 = arith.muli %select_n3A, %mul3A_19 : i32
    %iota3A = tpu.iota {dimensions = array<i32: 0>} : vector<16xi32>
    %jit3A_21 = arith.constant 8 : i32
    %div3A_22 = vector.broadcast %jit3A_21 : i32 to vector<16xi32>
    %div3A_23 = arith.divsi %iota3A, %div3A_22 : vector<16xi32>
    %sign3A_24 = arith.constant 0 : i32
    %sign3A_25 = vector.broadcast %sign3A_24 : i32 to vector<16xi32>
    %sign3A_26 = arith.cmpi sgt, %iota3A, %sign3A_25 : vector<16xi32>
    %sign3A_27 = arith.extui %sign3A_26 : vector<16xi1> to vector<16xi32>
    %sign3A_28 = arith.constant 0 : i32
    %sign3A_29 = vector.broadcast %sign3A_28 : i32 to vector<16xi32>
    %sign3A_30 = arith.cmpi slt, %iota3A, %sign3A_29 : vector<16xi32>
    %sign3A_31 = arith.extui %sign3A_30 : vector<16xi1> to vector<16xi32>
    %sign3A_32 = arith.subi %sign3A_27, %sign3A_31 : vector<16xi32>
    %sign3A_33 = arith.constant 0 : i32
    %sign3A_34 = arith.cmpi sgt, %jit3A_21, %sign3A_33 : i32
    %sign3A_35 = arith.extui %sign3A_34 : i1 to i32
    %sign3A_36 = arith.constant 0 : i32
    %sign3A_37 = arith.cmpi slt, %jit3A_21, %sign3A_36 : i32
    %sign3A_38 = arith.extui %sign3A_37 : i1 to i32
    %sign3A_39 = arith.subi %sign3A_35, %sign3A_38 : i32
    %ne3A_40 = vector.broadcast %sign3A_39 : i32 to vector<16xi32>
    %ne3A_41 = arith.cmpi ne, %sign3A_32, %ne3A_40 : vector<16xi32>
    %rem3A_42 = vector.broadcast %jit3A_21 : i32 to vector<16xi32>
    %rem3A_43 = arith.remsi %iota3A, %rem3A_42 : vector<16xi32>
    %ne3A_44 = arith.constant 0 : i32
    %ne3A_45 = vector.broadcast %ne3A_44 : i32 to vector<16xi32>
    %ne3A_46 = arith.cmpi ne, %rem3A_43, %ne3A_45 : vector<16xi32>
    %and3A_47 = arith.andi %ne3A_41, %ne3A_46 : vector<16xi1>
    %sub3A_48 = arith.constant 1 : i32
    %sub3A_49 = vector.broadcast %sub3A_48 : i32 to vector<16xi32>
    %sub3A_50 = arith.subi %div3A_23, %sub3A_49 : vector<16xi32>
    %select_n3A_51 = arith.select %and3A_47, %sub3A_50, %div3A_23 : vector<16xi1>, vector<16xi32>
    %add3A_52 = arith.constant 0 : i32
    %add3A_53 = vector.broadcast %add3A_52 : i32 to vector<16xi32>
    %add3A_54 = arith.addi %add3A_53, %select_n3A_51 : vector<16xi32>
    %mul3A_55 = arith.constant 2 : i32
    %mul3A_56 = vector.broadcast %mul3A_55 : i32 to vector<16xi32>
    %mul3A_57 = arith.muli %add3A_54, %mul3A_56 : vector<16xi32>
    %add3A_58 = arith.constant 0 : i32
    %add3A_59 = vector.broadcast %add3A_58 : i32 to vector<16xi32>
    %add3A_60 = arith.addi %mul3A_57, %add3A_59 : vector<16xi32>
    %mul3A_61 = arith.constant 8 : i32
    %mul3A_62 = vector.broadcast %mul3A_61 : i32 to vector<16xi32>
    %mul3A_63 = arith.muli %add3A_60, %mul3A_62 : vector<16xi32>
    %rem3A_64 = arith.constant 8 : i32
    %rem3A_65 = vector.broadcast %rem3A_64 : i32 to vector<16xi32>
    %rem3A_66 = arith.remsi %iota3A, %rem3A_65 : vector<16xi32>
    %add3A_67 = arith.addi %mul3A_63, %rem3A_66 : vector<16xi32>
    %jit3A_68 = arith.constant 8 : i32
    %div3A_69 = vector.broadcast %jit3A_68 : i32 to vector<16xi32>
    %div3A_70 = arith.divsi %iota3A, %div3A_69 : vector<16xi32>
    %sign3A_71 = arith.constant 0 : i32
    %sign3A_72 = vector.broadcast %sign3A_71 : i32 to vector<16xi32>
    %sign3A_73 = arith.cmpi sgt, %iota3A, %sign3A_72 : vector<16xi32>
    %sign3A_74 = arith.extui %sign3A_73 : vector<16xi1> to vector<16xi32>
    %sign3A_75 = arith.constant 0 : i32
    %sign3A_76 = vector.broadcast %sign3A_75 : i32 to vector<16xi32>
    %sign3A_77 = arith.cmpi slt, %iota3A, %sign3A_76 : vector<16xi32>
    %sign3A_78 = arith.extui %sign3A_77 : vector<16xi1> to vector<16xi32>
    %sign3A_79 = arith.subi %sign3A_74, %sign3A_78 : vector<16xi32>
    %sign3A_80 = arith.constant 0 : i32
    %sign3A_81 = arith.cmpi sgt, %jit3A_68, %sign3A_80 : i32
    %sign3A_82 = arith.extui %sign3A_81 : i1 to i32
    %sign3A_83 = arith.constant 0 : i32
    %sign3A_84 = arith.cmpi slt, %jit3A_68, %sign3A_83 : i32
    %sign3A_85 = arith.extui %sign3A_84 : i1 to i32
    %sign3A_86 = arith.subi %sign3A_82, %sign3A_85 : i32
    %ne3A_87 = vector.broadcast %sign3A_86 : i32 to vector<16xi32>
    %ne3A_88 = arith.cmpi ne, %sign3A_79, %ne3A_87 : vector<16xi32>
    %rem3A_89 = vector.broadcast %jit3A_68 : i32 to vector<16xi32>
    %rem3A_90 = arith.remsi %iota3A, %rem3A_89 : vector<16xi32>
    %ne3A_91 = arith.constant 0 : i32
    %ne3A_92 = vector.broadcast %ne3A_91 : i32 to vector<16xi32>
    %ne3A_93 = arith.cmpi ne, %rem3A_90, %ne3A_92 : vector<16xi32>
    %and3A_94 = arith.andi %ne3A_88, %ne3A_93 : vector<16xi1>
    %sub3A_95 = arith.constant 1 : i32
    %sub3A_96 = vector.broadcast %sub3A_95 : i32 to vector<16xi32>
    %sub3A_97 = arith.subi %div3A_70, %sub3A_96 : vector<16xi32>
    %select_n3A_98 = arith.select %and3A_94, %sub3A_97, %div3A_70 : vector<16xi1>, vector<16xi32>
    %add3A_99 = arith.constant 0 : i32
    %add3A_100 = vector.broadcast %add3A_99 : i32 to vector<16xi32>
    %add3A_101 = arith.addi %add3A_100, %select_n3A_98 : vector<16xi32>
    %mul3A_102 = arith.constant 2 : i32
    %mul3A_103 = vector.broadcast %mul3A_102 : i32 to vector<16xi32>
    %mul3A_104 = arith.muli %add3A_101, %mul3A_103 : vector<16xi32>
    %add3A_105 = arith.constant 1 : i32
    %add3A_106 = vector.broadcast %add3A_105 : i32 to vector<16xi32>
    %add3A_107 = arith.addi %mul3A_104, %add3A_106 : vector<16xi32>
    %mul3A_108 = arith.constant 8 : i32
    %mul3A_109 = vector.broadcast %mul3A_108 : i32 to vector<16xi32>
    %mul3A_110 = arith.muli %add3A_107, %mul3A_109 : vector<16xi32>
    %rem3A_111 = arith.constant 8 : i32
    %rem3A_112 = vector.broadcast %rem3A_111 : i32 to vector<16xi32>
    %rem3A_113 = arith.remsi %iota3A, %rem3A_112 : vector<16xi32>
    %add3A_114 = arith.addi %mul3A_110, %rem3A_113 : vector<16xi32>
    %jit3A_115 = arith.constant 8 : i32
    %div3A_116 = vector.broadcast %jit3A_115 : i32 to vector<16xi32>
    %div3A_117 = arith.divsi %iota3A, %div3A_116 : vector<16xi32>
    %sign3A_118 = arith.constant 0 : i32
    %sign3A_119 = vector.broadcast %sign3A_118 : i32 to vector<16xi32>
    %sign3A_120 = arith.cmpi sgt, %iota3A, %sign3A_119 : vector<16xi32>
    %sign3A_121 = arith.extui %sign3A_120 : vector<16xi1> to vector<16xi32>
    %sign3A_122 = arith.constant 0 : i32
    %sign3A_123 = vector.broadcast %sign3A_122 : i32 to vector<16xi32>
    %sign3A_124 = arith.cmpi slt, %iota3A, %sign3A_123 : vector<16xi32>
    %sign3A_125 = arith.extui %sign3A_124 : vector<16xi1> to vector<16xi32>
    %sign3A_126 = arith.subi %sign3A_121, %sign3A_125 : vector<16xi32>
    %sign3A_127 = arith.constant 0 : i32
    %sign3A_128 = arith.cmpi sgt, %jit3A_115, %sign3A_127 : i32
    %sign3A_129 = arith.extui %sign3A_128 : i1 to i32
    %sign3A_130 = arith.constant 0 : i32
    %sign3A_131 = arith.cmpi slt, %jit3A_115, %sign3A_130 : i32
    %sign3A_132 = arith.extui %sign3A_131 : i1 to i32
    %sign3A_133 = arith.subi %sign3A_129, %sign3A_132 : i32
    %ne3A_134 = vector.broadcast %sign3A_133 : i32 to vector<16xi32>
    %ne3A_135 = arith.cmpi ne, %sign3A_126, %ne3A_134 : vector<16xi32>
    %rem3A_136 = vector.broadcast %jit3A_115 : i32 to vector<16xi32>
    %rem3A_137 = arith.remsi %iota3A, %rem3A_136 : vector<16xi32>
    %ne3A_138 = arith.constant 0 : i32
    %ne3A_139 = vector.broadcast %ne3A_138 : i32 to vector<16xi32>
    %ne3A_140 = arith.cmpi ne, %rem3A_137, %ne3A_139 : vector<16xi32>
    %and3A_141 = arith.andi %ne3A_135, %ne3A_140 : vector<16xi1>
    %sub3A_142 = arith.constant 1 : i32
    %sub3A_143 = vector.broadcast %sub3A_142 : i32 to vector<16xi32>
    %sub3A_144 = arith.subi %div3A_117, %sub3A_143 : vector<16xi32>
    %select_n3A_145 = arith.select %and3A_141, %sub3A_144, %div3A_117 : vector<16xi1>, vector<16xi32>
    %add3A_146 = arith.constant 2 : i32
    %add3A_147 = vector.broadcast %add3A_146 : i32 to vector<16xi32>
    %add3A_148 = arith.addi %add3A_147, %select_n3A_145 : vector<16xi32>
    %mul3A_149 = arith.constant 2 : i32
    %mul3A_150 = vector.broadcast %mul3A_149 : i32 to vector<16xi32>
    %mul3A_151 = arith.muli %add3A_148, %mul3A_150 : vector<16xi32>
    %add3A_152 = arith.constant 0 : i32
    %add3A_153 = vector.broadcast %add3A_152 : i32 to vector<16xi32>
    %add3A_154 = arith.addi %mul3A_151, %add3A_153 : vector<16xi32>
    %mul3A_155 = arith.constant 8 : i32
    %mul3A_156 = vector.broadcast %mul3A_155 : i32 to vector<16xi32>
    %mul3A_157 = arith.muli %add3A_154, %mul3A_156 : vector<16xi32>
    %rem3A_158 = arith.constant 8 : i32
    %rem3A_159 = vector.broadcast %rem3A_158 : i32 to vector<16xi32>
    %rem3A_160 = arith.remsi %iota3A, %rem3A_159 : vector<16xi32>
    %add3A_161 = arith.addi %mul3A_157, %rem3A_160 : vector<16xi32>
    %jit3A_162 = arith.constant 8 : i32
    %div3A_163 = vector.broadcast %jit3A_162 : i32 to vector<16xi32>
    %div3A_164 = arith.divsi %iota3A, %div3A_163 : vector<16xi32>
    %sign3A_165 = arith.constant 0 : i32
    %sign3A_166 = vector.broadcast %sign3A_165 : i32 to vector<16xi32>
    %sign3A_167 = arith.cmpi sgt, %iota3A, %sign3A_166 : vector<16xi32>
    %sign3A_168 = arith.extui %sign3A_167 : vector<16xi1> to vector<16xi32>
    %sign3A_169 = arith.constant 0 : i32
    %sign3A_170 = vector.broadcast %sign3A_169 : i32 to vector<16xi32>
    %sign3A_171 = arith.cmpi slt, %iota3A, %sign3A_170 : vector<16xi32>
    %sign3A_172 = arith.extui %sign3A_171 : vector<16xi1> to vector<16xi32>
    %sign3A_173 = arith.subi %sign3A_168, %sign3A_172 : vector<16xi32>
    %sign3A_174 = arith.constant 0 : i32
    %sign3A_175 = arith.cmpi sgt, %jit3A_162, %sign3A_174 : i32
    %sign3A_176 = arith.extui %sign3A_175 : i1 to i32
    %sign3A_177 = arith.constant 0 : i32
    %sign3A_178 = arith.cmpi slt, %jit3A_162, %sign3A_177 : i32
    %sign3A_179 = arith.extui %sign3A_178 : i1 to i32
    %sign3A_180 = arith.subi %sign3A_176, %sign3A_179 : i32
    %ne3A_181 = vector.broadcast %sign3A_180 : i32 to vector<16xi32>
    %ne3A_182 = arith.cmpi ne, %sign3A_173, %ne3A_181 : vector<16xi32>
    %rem3A_183 = vector.broadcast %jit3A_162 : i32 to vector<16xi32>
    %rem3A_184 = arith.remsi %iota3A, %rem3A_183 : vector<16xi32>
    %ne3A_185 = arith.constant 0 : i32
    %ne3A_186 = vector.broadcast %ne3A_185 : i32 to vector<16xi32>
    %ne3A_187 = arith.cmpi ne, %rem3A_184, %ne3A_186 : vector<16xi32>
    %and3A_188 = arith.andi %ne3A_182, %ne3A_187 : vector<16xi1>
    %sub3A_189 = arith.constant 1 : i32
    %sub3A_190 = vector.broadcast %sub3A_189 : i32 to vector<16xi32>
    %sub3A_191 = arith.subi %div3A_164, %sub3A_190 : vector<16xi32>
    %select_n3A_192 = arith.select %and3A_188, %sub3A_191, %div3A_164 : vector<16xi1>, vector<16xi32>
    %add3A_193 = arith.constant 2 : i32
    %add3A_194 = vector.broadcast %add3A_193 : i32 to vector<16xi32>
    %add3A_195 = arith.addi %add3A_194, %select_n3A_192 : vector<16xi32>
    %mul3A_196 = arith.constant 2 : i32
    %mul3A_197 = vector.broadcast %mul3A_196 : i32 to vector<16xi32>
    %mul3A_198 = arith.muli %add3A_195, %mul3A_197 : vector<16xi32>
    %add3A_199 = arith.constant 1 : i32
    %add3A_200 = vector.broadcast %add3A_199 : i32 to vector<16xi32>
    %add3A_201 = arith.addi %mul3A_198, %add3A_200 : vector<16xi32>
    %mul3A_202 = arith.constant 8 : i32
    %mul3A_203 = vector.broadcast %mul3A_202 : i32 to vector<16xi32>
    %mul3A_204 = arith.muli %add3A_201, %mul3A_203 : vector<16xi32>
    %rem3A_205 = arith.constant 8 : i32
    %rem3A_206 = vector.broadcast %rem3A_205 : i32 to vector<16xi32>
    %rem3A_207 = arith.remsi %iota3A, %rem3A_206 : vector<16xi32>
    %add3A_208 = arith.addi %mul3A_204, %rem3A_207 : vector<16xi32>
    %jit3A_209 = arith.constant 8 : i32
    %div3A_210 = vector.broadcast %jit3A_209 : i32 to vector<16xi32>
    %div3A_211 = arith.divsi %iota3A, %div3A_210 : vector<16xi32>
    %sign3A_212 = arith.constant 0 : i32
    %sign3A_213 = vector.broadcast %sign3A_212 : i32 to vector<16xi32>
    %sign3A_214 = arith.cmpi sgt, %iota3A, %sign3A_213 : vector<16xi32>
    %sign3A_215 = arith.extui %sign3A_214 : vector<16xi1> to vector<16xi32>
    %sign3A_216 = arith.constant 0 : i32
    %sign3A_217 = vector.broadcast %sign3A_216 : i32 to vector<16xi32>
    %sign3A_218 = arith.cmpi slt, %iota3A, %sign3A_217 : vector<16xi32>
    %sign3A_219 = arith.extui %sign3A_218 : vector<16xi1> to vector<16xi32>
    %sign3A_220 = arith.subi %sign3A_215, %sign3A_219 : vector<16xi32>
    %sign3A_221 = arith.constant 0 : i32
    %sign3A_222 = arith.cmpi sgt, %jit3A_209, %sign3A_221 : i32
    %sign3A_223 = arith.extui %sign3A_222 : i1 to i32
    %sign3A_224 = arith.constant 0 : i32
    %sign3A_225 = arith.cmpi slt, %jit3A_209, %sign3A_224 : i32
    %sign3A_226 = arith.extui %sign3A_225 : i1 to i32
    %sign3A_227 = arith.subi %sign3A_223, %sign3A_226 : i32
    %ne3A_228 = vector.broadcast %sign3A_227 : i32 to vector<16xi32>
    %ne3A_229 = arith.cmpi ne, %sign3A_220, %ne3A_228 : vector<16xi32>
    %rem3A_230 = vector.broadcast %jit3A_209 : i32 to vector<16xi32>
    %rem3A_231 = arith.remsi %iota3A, %rem3A_230 : vector<16xi32>
    %ne3A_232 = arith.constant 0 : i32
    %ne3A_233 = vector.broadcast %ne3A_232 : i32 to vector<16xi32>
    %ne3A_234 = arith.cmpi ne, %rem3A_231, %ne3A_233 : vector<16xi32>
    %and3A_235 = arith.andi %ne3A_229, %ne3A_234 : vector<16xi1>
    %sub3A_236 = arith.constant 1 : i32
    %sub3A_237 = vector.broadcast %sub3A_236 : i32 to vector<16xi32>
    %sub3A_238 = arith.subi %div3A_211, %sub3A_237 : vector<16xi32>
    %select_n3A_239 = arith.select %and3A_235, %sub3A_238, %div3A_211 : vector<16xi1>, vector<16xi32>
    %add3A_240 = arith.constant 4 : i32
    %add3A_241 = vector.broadcast %add3A_240 : i32 to vector<16xi32>
    %add3A_242 = arith.addi %add3A_241, %select_n3A_239 : vector<16xi32>
    %mul3A_243 = arith.constant 2 : i32
    %mul3A_244 = vector.broadcast %mul3A_243 : i32 to vector<16xi32>
    %mul3A_245 = arith.muli %add3A_242, %mul3A_244 : vector<16xi32>
    %add3A_246 = arith.constant 0 : i32
    %add3A_247 = vector.broadcast %add3A_246 : i32 to vector<16xi32>
    %add3A_248 = arith.addi %mul3A_245, %add3A_247 : vector<16xi32>
    %mul3A_249 = arith.constant 8 : i32
    %mul3A_250 = vector.broadcast %mul3A_249 : i32 to vector<16xi32>
    %mul3A_251 = arith.muli %add3A_248, %mul3A_250 : vector<16xi32>
    %rem3A_252 = arith.constant 8 : i32
    %rem3A_253 = vector.broadcast %rem3A_252 : i32 to vector<16xi32>
    %rem3A_254 = arith.remsi %iota3A, %rem3A_253 : vector<16xi32>
    %add3A_255 = arith.addi %mul3A_251, %rem3A_254 : vector<16xi32>
    %jit3A_256 = arith.constant 8 : i32
    %div3A_257 = vector.broadcast %jit3A_256 : i32 to vector<16xi32>
    %div3A_258 = arith.divsi %iota3A, %div3A_257 : vector<16xi32>
    %sign3A_259 = arith.constant 0 : i32
    %sign3A_260 = vector.broadcast %sign3A_259 : i32 to vector<16xi32>
    %sign3A_261 = arith.cmpi sgt, %iota3A, %sign3A_260 : vector<16xi32>
    %sign3A_262 = arith.extui %sign3A_261 : vector<16xi1> to vector<16xi32>
    %sign3A_263 = arith.constant 0 : i32
    %sign3A_264 = vector.broadcast %sign3A_263 : i32 to vector<16xi32>
    %sign3A_265 = arith.cmpi slt, %iota3A, %sign3A_264 : vector<16xi32>
    %sign3A_266 = arith.extui %sign3A_265 : vector<16xi1> to vector<16xi32>
    %sign3A_267 = arith.subi %sign3A_262, %sign3A_266 : vector<16xi32>
    %sign3A_268 = arith.constant 0 : i32
    %sign3A_269 = arith.cmpi sgt, %jit3A_256, %sign3A_268 : i32
    %sign3A_270 = arith.extui %sign3A_269 : i1 to i32
    %sign3A_271 = arith.constant 0 : i32
    %sign3A_272 = arith.cmpi slt, %jit3A_256, %sign3A_271 : i32
    %sign3A_273 = arith.extui %sign3A_272 : i1 to i32
    %sign3A_274 = arith.subi %sign3A_270, %sign3A_273 : i32
    %ne3A_275 = vector.broadcast %sign3A_274 : i32 to vector<16xi32>
    %ne3A_276 = arith.cmpi ne, %sign3A_267, %ne3A_275 : vector<16xi32>
    %rem3A_277 = vector.broadcast %jit3A_256 : i32 to vector<16xi32>
    %rem3A_278 = arith.remsi %iota3A, %rem3A_277 : vector<16xi32>
    %ne3A_279 = arith.constant 0 : i32
    %ne3A_280 = vector.broadcast %ne3A_279 : i32 to vector<16xi32>
    %ne3A_281 = arith.cmpi ne, %rem3A_278, %ne3A_280 : vector<16xi32>
    %and3A_282 = arith.andi %ne3A_276, %ne3A_281 : vector<16xi1>
    %sub3A_283 = arith.constant 1 : i32
    %sub3A_284 = vector.broadcast %sub3A_283 : i32 to vector<16xi32>
    %sub3A_285 = arith.subi %div3A_258, %sub3A_284 : vector<16xi32>
    %select_n3A_286 = arith.select %and3A_282, %sub3A_285, %div3A_258 : vector<16xi1>, vector<16xi32>
    %add3A_287 = arith.constant 4 : i32
    %add3A_288 = vector.broadcast %add3A_287 : i32 to vector<16xi32>
    %add3A_289 = arith.addi %add3A_288, %select_n3A_286 : vector<16xi32>
    %mul3A_290 = arith.constant 2 : i32
    %mul3A_291 = vector.broadcast %mul3A_290 : i32 to vector<16xi32>
    %mul3A_292 = arith.muli %add3A_289, %mul3A_291 : vector<16xi32>
    %add3A_293 = arith.constant 1 : i32
    %add3A_294 = vector.broadcast %add3A_293 : i32 to vector<16xi32>
    %add3A_295 = arith.addi %mul3A_292, %add3A_294 : vector<16xi32>
    %mul3A_296 = arith.constant 8 : i32
    %mul3A_297 = vector.broadcast %mul3A_296 : i32 to vector<16xi32>
    %mul3A_298 = arith.muli %add3A_295, %mul3A_297 : vector<16xi32>
    %rem3A_299 = arith.constant 8 : i32
    %rem3A_300 = vector.broadcast %rem3A_299 : i32 to vector<16xi32>
    %rem3A_301 = arith.remsi %iota3A, %rem3A_300 : vector<16xi32>
    %add3A_302 = arith.addi %mul3A_298, %rem3A_301 : vector<16xi32>
    %jit3A_303 = arith.constant 8 : i32
    %div3A_304 = vector.broadcast %jit3A_303 : i32 to vector<16xi32>
    %div3A_305 = arith.divsi %iota3A, %div3A_304 : vector<16xi32>
    %sign3A_306 = arith.constant 0 : i32
    %sign3A_307 = vector.broadcast %sign3A_306 : i32 to vector<16xi32>
    %sign3A_308 = arith.cmpi sgt, %iota3A, %sign3A_307 : vector<16xi32>
    %sign3A_309 = arith.extui %sign3A_308 : vector<16xi1> to vector<16xi32>
    %sign3A_310 = arith.constant 0 : i32
    %sign3A_311 = vector.broadcast %sign3A_310 : i32 to vector<16xi32>
    %sign3A_312 = arith.cmpi slt, %iota3A, %sign3A_311 : vector<16xi32>
    %sign3A_313 = arith.extui %sign3A_312 : vector<16xi1> to vector<16xi32>
    %sign3A_314 = arith.subi %sign3A_309, %sign3A_313 : vector<16xi32>
    %sign3A_315 = arith.constant 0 : i32
    %sign3A_316 = arith.cmpi sgt, %jit3A_303, %sign3A_315 : i32
    %sign3A_317 = arith.extui %sign3A_316 : i1 to i32
    %sign3A_318 = arith.constant 0 : i32
    %sign3A_319 = arith.cmpi slt, %jit3A_303, %sign3A_318 : i32
    %sign3A_320 = arith.extui %sign3A_319 : i1 to i32
    %sign3A_321 = arith.subi %sign3A_317, %sign3A_320 : i32
    %ne3A_322 = vector.broadcast %sign3A_321 : i32 to vector<16xi32>
    %ne3A_323 = arith.cmpi ne, %sign3A_314, %ne3A_322 : vector<16xi32>
    %rem3A_324 = vector.broadcast %jit3A_303 : i32 to vector<16xi32>
    %rem3A_325 = arith.remsi %iota3A, %rem3A_324 : vector<16xi32>
    %ne3A_326 = arith.constant 0 : i32
    %ne3A_327 = vector.broadcast %ne3A_326 : i32 to vector<16xi32>
    %ne3A_328 = arith.cmpi ne, %rem3A_325, %ne3A_327 : vector<16xi32>
    %and3A_329 = arith.andi %ne3A_323, %ne3A_328 : vector<16xi1>
    %sub3A_330 = arith.constant 1 : i32
    %sub3A_331 = vector.broadcast %sub3A_330 : i32 to vector<16xi32>
    %sub3A_332 = arith.subi %div3A_305, %sub3A_331 : vector<16xi32>
    %select_n3A_333 = arith.select %and3A_329, %sub3A_332, %div3A_305 : vector<16xi1>, vector<16xi32>
    %add3A_334 = arith.constant 6 : i32
    %add3A_335 = vector.broadcast %add3A_334 : i32 to vector<16xi32>
    %add3A_336 = arith.addi %add3A_335, %select_n3A_333 : vector<16xi32>
    %mul3A_337 = arith.constant 2 : i32
    %mul3A_338 = vector.broadcast %mul3A_337 : i32 to vector<16xi32>
    %mul3A_339 = arith.muli %add3A_336, %mul3A_338 : vector<16xi32>
    %add3A_340 = arith.constant 0 : i32
    %add3A_341 = vector.broadcast %add3A_340 : i32 to vector<16xi32>
    %add3A_342 = arith.addi %mul3A_339, %add3A_341 : vector<16xi32>
    %mul3A_343 = arith.constant 8 : i32
    %mul3A_344 = vector.broadcast %mul3A_343 : i32 to vector<16xi32>
    %mul3A_345 = arith.muli %add3A_342, %mul3A_344 : vector<16xi32>
    %rem3A_346 = arith.constant 8 : i32
    %rem3A_347 = vector.broadcast %rem3A_346 : i32 to vector<16xi32>
    %rem3A_348 = arith.remsi %iota3A, %rem3A_347 : vector<16xi32>
    %add3A_349 = arith.addi %mul3A_345, %rem3A_348 : vector<16xi32>
    %jit3A_350 = arith.constant 8 : i32
    %div3A_351 = vector.broadcast %jit3A_350 : i32 to vector<16xi32>
    %div3A_352 = arith.divsi %iota3A, %div3A_351 : vector<16xi32>
    %sign3A_353 = arith.constant 0 : i32
    %sign3A_354 = vector.broadcast %sign3A_353 : i32 to vector<16xi32>
    %sign3A_355 = arith.cmpi sgt, %iota3A, %sign3A_354 : vector<16xi32>
    %sign3A_356 = arith.extui %sign3A_355 : vector<16xi1> to vector<16xi32>
    %sign3A_357 = arith.constant 0 : i32
    %sign3A_358 = vector.broadcast %sign3A_357 : i32 to vector<16xi32>
    %sign3A_359 = arith.cmpi slt, %iota3A, %sign3A_358 : vector<16xi32>
    %sign3A_360 = arith.extui %sign3A_359 : vector<16xi1> to vector<16xi32>
    %sign3A_361 = arith.subi %sign3A_356, %sign3A_360 : vector<16xi32>
    %sign3A_362 = arith.constant 0 : i32
    %sign3A_363 = arith.cmpi sgt, %jit3A_350, %sign3A_362 : i32
    %sign3A_364 = arith.extui %sign3A_363 : i1 to i32
    %sign3A_365 = arith.constant 0 : i32
    %sign3A_366 = arith.cmpi slt, %jit3A_350, %sign3A_365 : i32
    %sign3A_367 = arith.extui %sign3A_366 : i1 to i32
    %sign3A_368 = arith.subi %sign3A_364, %sign3A_367 : i32
    %ne3A_369 = vector.broadcast %sign3A_368 : i32 to vector<16xi32>
    %ne3A_370 = arith.cmpi ne, %sign3A_361, %ne3A_369 : vector<16xi32>
    %rem3A_371 = vector.broadcast %jit3A_350 : i32 to vector<16xi32>
    %rem3A_372 = arith.remsi %iota3A, %rem3A_371 : vector<16xi32>
    %ne3A_373 = arith.constant 0 : i32
    %ne3A_374 = vector.broadcast %ne3A_373 : i32 to vector<16xi32>
    %ne3A_375 = arith.cmpi ne, %rem3A_372, %ne3A_374 : vector<16xi32>
    %and3A_376 = arith.andi %ne3A_370, %ne3A_375 : vector<16xi1>
    %sub3A_377 = arith.constant 1 : i32
    %sub3A_378 = vector.broadcast %sub3A_377 : i32 to vector<16xi32>
    %sub3A_379 = arith.subi %div3A_352, %sub3A_378 : vector<16xi32>
    %select_n3A_380 = arith.select %and3A_376, %sub3A_379, %div3A_352 : vector<16xi1>, vector<16xi32>
    %add3A_381 = arith.constant 6 : i32
    %add3A_382 = vector.broadcast %add3A_381 : i32 to vector<16xi32>
    %add3A_383 = arith.addi %add3A_382, %select_n3A_380 : vector<16xi32>
    %mul3A_384 = arith.constant 2 : i32
    %mul3A_385 = vector.broadcast %mul3A_384 : i32 to vector<16xi32>
    %mul3A_386 = arith.muli %add3A_383, %mul3A_385 : vector<16xi32>
    %add3A_387 = arith.constant 1 : i32
    %add3A_388 = vector.broadcast %add3A_387 : i32 to vector<16xi32>
    %add3A_389 = arith.addi %mul3A_386, %add3A_388 : vector<16xi32>
    %mul3A_390 = arith.constant 8 : i32
    %mul3A_391 = vector.broadcast %mul3A_390 : i32 to vector<16xi32>
    %mul3A_392 = arith.muli %add3A_389, %mul3A_391 : vector<16xi32>
    %rem3A_393 = arith.constant 8 : i32
    %rem3A_394 = vector.broadcast %rem3A_393 : i32 to vector<16xi32>
    %rem3A_395 = arith.remsi %iota3A, %rem3A_394 : vector<16xi32>
    %add3A_396 = arith.addi %mul3A_392, %rem3A_395 : vector<16xi32>
    %add3A_397 = arith.constant 0 : i32
    %add3A_398 = arith.addi %mul3A_20, %add3A_397 : i32
    %jit3A_399 = arith.constant 8 : i32
    %div3A_400 = arith.divsi %add3A_398, %jit3A_399 : i32
    %sign3A_401 = arith.constant 0 : i32
    %sign3A_402 = arith.cmpi sgt, %add3A_398, %sign3A_401 : i32
    %sign3A_403 = arith.extui %sign3A_402 : i1 to i32
    %sign3A_404 = arith.constant 0 : i32
    %sign3A_405 = arith.cmpi slt, %add3A_398, %sign3A_404 : i32
    %sign3A_406 = arith.extui %sign3A_405 : i1 to i32
    %sign3A_407 = arith.subi %sign3A_403, %sign3A_406 : i32
    %sign3A_408 = arith.constant 0 : i32
    %sign3A_409 = arith.cmpi sgt, %jit3A_399, %sign3A_408 : i32
    %sign3A_410 = arith.extui %sign3A_409 : i1 to i32
    %sign3A_411 = arith.constant 0 : i32
    %sign3A_412 = arith.cmpi slt, %jit3A_399, %sign3A_411 : i32
    %sign3A_413 = arith.extui %sign3A_412 : i1 to i32
    %sign3A_414 = arith.subi %sign3A_410, %sign3A_413 : i32
    %ne3A_415 = arith.cmpi ne, %sign3A_407, %sign3A_414 : i32
    %rem3A_416 = arith.remsi %add3A_398, %jit3A_399 : i32
    %ne3A_417 = arith.constant 0 : i32
    %ne3A_418 = arith.cmpi ne, %rem3A_416, %ne3A_417 : i32
    %and3A_419 = arith.andi %ne3A_415, %ne3A_418 : i1
    %sub3A_420 = arith.constant 1 : i32
    %sub3A_421 = arith.subi %div3A_400, %sub3A_420 : i32
    %select_n3A_422 = arith.select %and3A_419, %sub3A_421, %div3A_400 : i32
    %mul3A_423 = arith.constant 2 : i32
    %mul3A_424 = arith.muli %rem3A_1, %mul3A_423 : i32
    %rem3A_425 = arith.constant 8 : i32
    %rem3A_426 = arith.remsi %add3A_398, %rem3A_425 : i32
    %dma_start3A = arith.constant 0 : i32
    %dma_start3A_427 = arith.constant 0 : i32
    %dma_start3A_428 = arith.constant 0 : i32
    %dma_start3A_429 = tpu.memref_slice %arg5[%dma_start3A, %dma_start3A_427, %dma_start3A_428] : memref<3x2x128xi32, #tpu.memory_space<vmem>> -> memref<1x2x128xi32, #tpu.memory_space<vmem>>
    %dma_start3A_430 = tpu.memref_squeeze %dma_start3A_429 : memref<1x2x128xi32, #tpu.memory_space<vmem>> -> memref<2x128xi32, #tpu.memory_space<vmem>>
    %dma_start3A_431 = arith.constant 0 : i32
    %dma_start3A_432 = tpu.memref_slice %arg3[%select_n3A_422, %mul3A_424, %rem3A_426, %dma_start3A_431] : memref<25x32x8x128xi32, #tpu.memory_space<hbm>> -> memref<1x2x1x128xi32, #tpu.memory_space<hbm>>
    %dma_start3A_433 = tpu.memref_squeeze %dma_start3A_432 : memref<1x2x1x128xi32, #tpu.memory_space<hbm>> -> memref<2x128xi32, #tpu.memory_space<hbm>>
    %dma_start3A_434 = arith.constant 0 : i32
    %dma_start3A_435 = arith.constant 0 : i32
    %dma_start3A_436 = tpu.memref_slice %arg5[%dma_start3A, %dma_start3A_434, %dma_start3A_435] : memref<3x2x128xi32, #tpu.memory_space<vmem>> -> memref<1x2x128xi32, #tpu.memory_space<vmem>>
    %dma_start3A_437 = tpu.memref_squeeze %dma_start3A_436 : memref<1x2x128xi32, #tpu.memory_space<vmem>> -> memref<2x128xi32, #tpu.memory_space<vmem>>
    %dma_start3A_438 = arith.constant 0 : i32
    %dma_start3A_439 = tpu.memref_slice %arg3[%select_n3A_422, %mul3A_424, %rem3A_426, %dma_start3A_438] : memref<25x32x8x128xi32, #tpu.memory_space<hbm>> -> memref<1x2x1x128xi32, #tpu.memory_space<hbm>>
    %dma_start3A_440 = tpu.memref_squeeze %dma_start3A_439 : memref<1x2x1x128xi32, #tpu.memory_space<hbm>> -> memref<2x128xi32, #tpu.memory_space<hbm>>
    tpu.enqueue_dma source(%dma_start3A_440 : memref<2x128xi32, #tpu.memory_space<hbm>>) target(%dma_start3A_437 : memref<2x128xi32, #tpu.memory_space<vmem>>) target_semaphore(%arg8 : memref<!tpu.dma_semaphore, #tpu.memory_space<semaphore_mem>>)
    %dma_wait3A = arith.constant 0 : i32
    %dma_wait3A_441 = arith.constant 0 : i32
    %dma_wait3A_442 = arith.constant 0 : i32
    %dma_wait3A_443 = arith.constant 0 : i32
    %dma_wait3A_444 = arith.constant 0 : i32
    %dma_wait3A_445 = tpu.memref_slice %arg5[%dma_wait3A_442, %dma_wait3A_443, %dma_wait3A_444] : memref<3x2x128xi32, #tpu.memory_space<vmem>> -> memref<1x2x128xi32, #tpu.memory_space<vmem>>
    %dma_wait3A_446 = tpu.memref_squeeze %dma_wait3A_445 : memref<1x2x128xi32, #tpu.memory_space<vmem>> -> memref<2x128xi32, #tpu.memory_space<vmem>>
    %dma_wait3A_447 = arith.constant 0 : i32
    %dma_wait3A_448 = arith.constant 0 : i32
    %dma_wait3A_449 = tpu.memref_slice %arg3[%dma_wait3A, %dma_wait3A_447, %dma_wait3A_441, %dma_wait3A_448] : memref<25x32x8x128xi32, #tpu.memory_space<hbm>> -> memref<1x2x1x128xi32, #tpu.memory_space<hbm>>
    %dma_wait3A_450 = tpu.memref_squeeze %dma_wait3A_449 : memref<1x2x1x128xi32, #tpu.memory_space<hbm>> -> memref<2x128xi32, #tpu.memory_space<hbm>>
    %dma_wait3A_451 = arith.constant 0 : i32
    %dma_wait3A_452 = arith.constant 0 : i32
    %dma_wait3A_453 = tpu.memref_slice %arg5[%dma_wait3A_442, %dma_wait3A_451, %dma_wait3A_452] : memref<3x2x128xi32, #tpu.memory_space<vmem>> -> memref<1x2x128xi32, #tpu.memory_space<vmem>>
    %dma_wait3A_454 = tpu.memref_squeeze %dma_wait3A_453 : memref<1x2x128xi32, #tpu.memory_space<vmem>> -> memref<2x128xi32, #tpu.memory_space<vmem>>
    %dma_wait3A_455 = arith.constant 0 : i32
    %dma_wait3A_456 = arith.constant 0 : i32
    %dma_wait3A_457 = tpu.memref_slice %arg3[%dma_wait3A, %dma_wait3A_455, %dma_wait3A_441, %dma_wait3A_456] : memref<25x32x8x128xi32, #tpu.memory_space<hbm>> -> memref<1x2x1x128xi32, #tpu.memory_space<hbm>>
    %dma_wait3A_458 = tpu.memref_squeeze %dma_wait3A_457 : memref<1x2x1x128xi32, #tpu.memory_space<hbm>> -> memref<2x128xi32, #tpu.memory_space<hbm>>
    tpu.wait_dma2 semaphore(%arg8 : memref<!tpu.dma_semaphore, #tpu.memory_space<semaphore_mem>>) src(%dma_wait3A_458 : memref<2x128xi32, #tpu.memory_space<hbm>>) dst(%dma_wait3A_454 : memref<2x128xi32, #tpu.memory_space<vmem>>)
    %add3A_459 = arith.constant 1 : i32
    %add3A_460 = arith.addi %mul3A_20, %add3A_459 : i32
    %jit3A_461 = arith.constant 8 : i32
    %div3A_462 = arith.divsi %add3A_460, %jit3A_461 : i32
    %sign3A_463 = arith.constant 0 : i32
    %sign3A_464 = arith.cmpi sgt, %add3A_460, %sign3A_463 : i32
    %sign3A_465 = arith.extui %sign3A_464 : i1 to i32
    %sign3A_466 = arith.constant 0 : i32
    %sign3A_467 = arith.cmpi slt, %add3A_460, %sign3A_466 : i32
    %sign3A_468 = arith.extui %sign3A_467 : i1 to i32
    %sign3A_469 = arith.subi %sign3A_465, %sign3A_468 : i32
    %sign3A_470 = arith.constant 0 : i32
    %sign3A_471 = arith.cmpi sgt, %jit3A_461, %sign3A_470 : i32
    %sign3A_472 = arith.extui %sign3A_471 : i1 to i32
    %sign3A_473 = arith.constant 0 : i32
    %sign3A_474 = arith.cmpi slt, %jit3A_461, %sign3A_473 : i32
    %sign3A_475 = arith.extui %sign3A_474 : i1 to i32
    %sign3A_476 = arith.subi %sign3A_472, %sign3A_475 : i32
    %ne3A_477 = arith.cmpi ne, %sign3A_469, %sign3A_476 : i32
    %rem3A_478 = arith.remsi %add3A_460, %jit3A_461 : i32
    %ne3A_479 = arith.constant 0 : i32
    %ne3A_480 = arith.cmpi ne, %rem3A_478, %ne3A_479 : i32
    %and3A_481 = arith.andi %ne3A_477, %ne3A_480 : i1
    %sub3A_482 = arith.constant 1 : i32
    %sub3A_483 = arith.subi %div3A_462, %sub3A_482 : i32
    %select_n3A_484 = arith.select %and3A_481, %sub3A_483, %div3A_462 : i32
    %mul3A_485 = arith.constant 2 : i32
    %mul3A_486 = arith.muli %rem3A_1, %mul3A_485 : i32
    %rem3A_487 = arith.constant 8 : i32
    %rem3A_488 = arith.remsi %add3A_460, %rem3A_487 : i32
    %dma_start3A_489 = arith.constant 1 : i32
    %dma_start3A_490 = arith.constant 0 : i32
    %dma_start3A_491 = arith.constant 0 : i32
    %dma_start3A_492 = tpu.memref_slice %arg5[%dma_start3A_489, %dma_start3A_490, %dma_start3A_491] : memref<3x2x128xi32, #tpu.memory_space<vmem>> -> memref<1x2x128xi32, #tpu.memory_space<vmem>>
    %dma_start3A_493 = tpu.memref_squeeze %dma_start3A_492 : memref<1x2x128xi32, #tpu.memory_space<vmem>> -> memref<2x128xi32, #tpu.memory_space<vmem>>
    %dma_start3A_494 = arith.constant 0 : i32
    %dma_start3A_495 = tpu.memref_slice %arg3[%select_n3A_484, %mul3A_486, %rem3A_488, %dma_start3A_494] : memref<25x32x8x128xi32, #tpu.memory_space<hbm>> -> memref<1x2x1x128xi32, #tpu.memory_space<hbm>>
    %dma_start3A_496 = tpu.memref_squeeze %dma_start3A_495 : memref<1x2x1x128xi32, #tpu.memory_space<hbm>> -> memref<2x128xi32, #tpu.memory_space<hbm>>
    %dma_start3A_497 = arith.constant 0 : i32
    %dma_start3A_498 = arith.constant 0 : i32
    %dma_start3A_499 = tpu.memref_slice %arg5[%dma_start3A_489, %dma_start3A_497, %dma_start3A_498] : memref<3x2x128xi32, #tpu.memory_space<vmem>> -> memref<1x2x128xi32, #tpu.memory_space<vmem>>
    %dma_start3A_500 = tpu.memref_squeeze %dma_start3A_499 : memref<1x2x128xi32, #tpu.memory_space<vmem>> -> memref<2x128xi32, #tpu.memory_space<vmem>>
    %dma_start3A_501 = arith.constant 0 : i32
    %dma_start3A_502 = tpu.memref_slice %arg3[%select_n3A_484, %mul3A_486, %rem3A_488, %dma_start3A_501] : memref<25x32x8x128xi32, #tpu.memory_space<hbm>> -> memref<1x2x1x128xi32, #tpu.memory_space<hbm>>
    %dma_start3A_503 = tpu.memref_squeeze %dma_start3A_502 : memref<1x2x1x128xi32, #tpu.memory_space<hbm>> -> memref<2x128xi32, #tpu.memory_space<hbm>>
    tpu.enqueue_dma source(%dma_start3A_503 : memref<2x128xi32, #tpu.memory_space<hbm>>) target(%dma_start3A_500 : memref<2x128xi32, #tpu.memory_space<vmem>>) target_semaphore(%arg8 : memref<!tpu.dma_semaphore, #tpu.memory_space<semaphore_mem>>)
    %rem3A_504 = arith.constant 0 : i32
    %rem3A_505 = arith.constant 3 : i32
    %rem3A_506 = arith.remsi %rem3A_504, %rem3A_505 : i32
    %dma_start3A_507 = arith.constant 0 : i32
    %dma_start3A_508 = arith.constant 0 : i32
    %dma_start3A_509 = arith.constant 0 : i32
    %dma_start3A_510 = arith.constant 0 : i32
    %dma_start3A_511 = tpu.memref_slice %arg6[%dma_start3A_508, %dma_start3A_509, %dma_start3A_510] : memref<2x256x128xf32, #tpu.memory_space<vmem>> -> memref<1x256x128xf32, #tpu.memory_space<vmem>>
    %dma_start3A_512 = tpu.memref_squeeze %dma_start3A_511 : memref<1x256x128xf32, #tpu.memory_space<vmem>> -> memref<256x128xf32, #tpu.memory_space<vmem>>
    %dma_start3A_513 = arith.constant 0 : i32
    %dma_start3A_514 = arith.constant 0 : i32
    %dma_start3A_515 = tpu.memref_slice %dma_start3A_512[%dma_start3A_513, %dma_start3A_514] : memref<256x128xf32, #tpu.memory_space<vmem>> -> memref<128x128xf32, #tpu.memory_space<vmem>>
    %dma_start3A_516 = arith.constant 0 : i32
    %dma_start3A_517 = arith.constant 0 : i32
    %dma_start3A_518 = tpu.memref_slice %arg5[%rem3A_506, %dma_start3A_516, %dma_start3A_517] : memref<3x2x128xi32, #tpu.memory_space<vmem>> -> memref<1x2x128xi32, #tpu.memory_space<vmem>>
    %dma_start3A_519 = tpu.memref_squeeze %dma_start3A_518 : memref<1x2x128xi32, #tpu.memory_space<vmem>> -> memref<2x128xi32, #tpu.memory_space<vmem>>
    %dma_start3A_520 = arith.constant 0 : i32
    %dma_start3A_521 = tpu.memref_slice %dma_start3A_519[%dma_start3A_507, %dma_start3A_520] : memref<2x128xi32, #tpu.memory_space<vmem>> -> memref<1x128xi32, #tpu.memory_space<vmem>>
    %dma_start3A_522 = tpu.memref_squeeze %dma_start3A_521 : memref<1x128xi32, #tpu.memory_space<vmem>> -> memref<128xi32, #tpu.memory_space<vmem>>
    %dma_start3A_523 = arith.constant 0 : i32
    %dma_start3A_524 = arith.constant 0 : i32
    %dma_start3A_525 = tpu.memref_slice %arg2[%dma_start3A_523, %dma_start3A_524] : memref<1000000x128xf32, #tpu.memory_space<hbm>> -> memref<1000000x128xf32, #tpu.memory_space<hbm>>
    tpu.enqueue_indirect_dma source(%dma_start3A_525 : memref<1000000x128xf32, #tpu.memory_space<hbm>>) target(%dma_start3A_515 : memref<128x128xf32, #tpu.memory_space<vmem>>) offsets(%dma_start3A_522 : memref<128xi32, #tpu.memory_space<vmem>>) semaphore(%arg9 : memref<!tpu.dma_semaphore, #tpu.memory_space<semaphore_mem>>)
    %dma_start3A_526 = arith.constant 1 : i32
    %dma_start3A_527 = arith.constant 0 : i32
    %dma_start3A_528 = arith.constant 0 : i32
    %dma_start3A_529 = arith.constant 0 : i32
    %dma_start3A_530 = tpu.memref_slice %arg6[%dma_start3A_527, %dma_start3A_528, %dma_start3A_529] : memref<2x256x128xf32, #tpu.memory_space<vmem>> -> memref<1x256x128xf32, #tpu.memory_space<vmem>>
    %dma_start3A_531 = tpu.memref_squeeze %dma_start3A_530 : memref<1x256x128xf32, #tpu.memory_space<vmem>> -> memref<256x128xf32, #tpu.memory_space<vmem>>
    %dma_start3A_532 = arith.constant 128 : i32
    %dma_start3A_533 = arith.constant 0 : i32
    %dma_start3A_534 = tpu.memref_slice %dma_start3A_531[%dma_start3A_532, %dma_start3A_533] : memref<256x128xf32, #tpu.memory_space<vmem>> -> memref<128x128xf32, #tpu.memory_space<vmem>>
    %dma_start3A_535 = arith.constant 0 : i32
    %dma_start3A_536 = arith.constant 0 : i32
    %dma_start3A_537 = tpu.memref_slice %arg5[%rem3A_506, %dma_start3A_535, %dma_start3A_536] : memref<3x2x128xi32, #tpu.memory_space<vmem>> -> memref<1x2x128xi32, #tpu.memory_space<vmem>>
    %dma_start3A_538 = tpu.memref_squeeze %dma_start3A_537 : memref<1x2x128xi32, #tpu.memory_space<vmem>> -> memref<2x128xi32, #tpu.memory_space<vmem>>
    %dma_start3A_539 = arith.constant 0 : i32
    %dma_start3A_540 = tpu.memref_slice %dma_start3A_538[%dma_start3A_526, %dma_start3A_539] : memref<2x128xi32, #tpu.memory_space<vmem>> -> memref<1x128xi32, #tpu.memory_space<vmem>>
    %dma_start3A_541 = tpu.memref_squeeze %dma_start3A_540 : memref<1x128xi32, #tpu.memory_space<vmem>> -> memref<128xi32, #tpu.memory_space<vmem>>
    %dma_start3A_542 = arith.constant 0 : i32
    %dma_start3A_543 = arith.constant 0 : i32
    %dma_start3A_544 = tpu.memref_slice %arg2[%dma_start3A_542, %dma_start3A_543] : memref<1000000x128xf32, #tpu.memory_space<hbm>> -> memref<1000000x128xf32, #tpu.memory_space<hbm>>
    tpu.enqueue_indirect_dma source(%dma_start3A_544 : memref<1000000x128xf32, #tpu.memory_space<hbm>>) target(%dma_start3A_534 : memref<128x128xf32, #tpu.memory_space<vmem>>) offsets(%dma_start3A_541 : memref<128xi32, #tpu.memory_space<vmem>>) semaphore(%arg9 : memref<!tpu.dma_semaphore, #tpu.memory_space<semaphore_mem>>)
    %scan3A = arith.constant 0 : i32
    %scan3A_545 = arith.constant 100 : i32
    %scan3A_546 = arith.addi %scan3A, %scan3A_545 : i32
    %scan3A_547 = arith.constant 1 : i32
    scf.for %scan3A_717 = %scan3A to %scan3A_546 step %scan3A_547  : i32 {
      %mul3A_718 = arith.constant 1 : i32
      %mul3A_719 = arith.muli %scan3A_717, %mul3A_718 : i32
      %add3A_720 = arith.constant 0 : i32
      %add3A_721 = arith.addi %add3A_720, %mul3A_719 : i32
      %rem3A_722 = arith.constant 2 : i32
      %rem3A_723 = arith.remsi %add3A_721, %rem3A_722 : i32
      %lt3A = arith.constant 99 : i32
      %lt3A_724 = arith.cmpi slt, %add3A_721, %lt3A : i32
      %convert_element_type3A = arith.extui %lt3A_724 : i1 to i32
      %cond3A = arith.constant 0 : i32
      %cond3A_725 = arith.cmpi ne, %convert_element_type3A, %cond3A : i32
      scf.if %cond3A_725 {
        %dma_wait3A_1010 = arith.constant 0 : i32
        %dma_wait3A_1011 = arith.constant 0 : i32
        %dma_wait3A_1012 = arith.constant 0 : i32
        %dma_wait3A_1013 = arith.constant 0 : i32
        %dma_wait3A_1014 = arith.constant 0 : i32
        %dma_wait3A_1015 = tpu.memref_slice %arg5[%dma_wait3A_1012, %dma_wait3A_1013, %dma_wait3A_1014] : memref<3x2x128xi32, #tpu.memory_space<vmem>> -> memref<1x2x128xi32, #tpu.memory_space<vmem>>
        %dma_wait3A_1016 = tpu.memref_squeeze %dma_wait3A_1015 : memref<1x2x128xi32, #tpu.memory_space<vmem>> -> memref<2x128xi32, #tpu.memory_space<vmem>>
        %dma_wait3A_1017 = arith.constant 0 : i32
        %dma_wait3A_1018 = arith.constant 0 : i32
        %dma_wait3A_1019 = tpu.memref_slice %arg3[%dma_wait3A_1010, %dma_wait3A_1017, %dma_wait3A_1011, %dma_wait3A_1018] : memref<25x32x8x128xi32, #tpu.memory_space<hbm>> -> memref<1x2x1x128xi32, #tpu.memory_space<hbm>>
        %dma_wait3A_1020 = tpu.memref_squeeze %dma_wait3A_1019 : memref<1x2x1x128xi32, #tpu.memory_space<hbm>> -> memref<2x128xi32, #tpu.memory_space<hbm>>
        %dma_wait3A_1021 = arith.constant 0 : i32
        %dma_wait3A_1022 = arith.constant 0 : i32
        %dma_wait3A_1023 = tpu.memref_slice %arg5[%dma_wait3A_1012, %dma_wait3A_1021, %dma_wait3A_1022] : memref<3x2x128xi32, #tpu.memory_space<vmem>> -> memref<1x2x128xi32, #tpu.memory_space<vmem>>
        %dma_wait3A_1024 = tpu.memref_squeeze %dma_wait3A_1023 : memref<1x2x128xi32, #tpu.memory_space<vmem>> -> memref<2x128xi32, #tpu.memory_space<vmem>>
        %dma_wait3A_1025 = arith.constant 0 : i32
        %dma_wait3A_1026 = arith.constant 0 : i32
        %dma_wait3A_1027 = tpu.memref_slice %arg3[%dma_wait3A_1010, %dma_wait3A_1025, %dma_wait3A_1011, %dma_wait3A_1026] : memref<25x32x8x128xi32, #tpu.memory_space<hbm>> -> memref<1x2x1x128xi32, #tpu.memory_space<hbm>>
        %dma_wait3A_1028 = tpu.memref_squeeze %dma_wait3A_1027 : memref<1x2x1x128xi32, #tpu.memory_space<hbm>> -> memref<2x128xi32, #tpu.memory_space<hbm>>
        tpu.wait_dma2 semaphore(%arg8 : memref<!tpu.dma_semaphore, #tpu.memory_space<semaphore_mem>>) src(%dma_wait3A_1028 : memref<2x128xi32, #tpu.memory_space<hbm>>) dst(%dma_wait3A_1024 : memref<2x128xi32, #tpu.memory_space<vmem>>)
        %add3A_1029 = arith.constant 1 : i32
        %add3A_1030 = arith.addi %add3A_721, %add3A_1029 : i32
        %sub3A_1031 = arith.constant 1 : i32
        %sub3A_1032 = arith.subi %sub3A_1031, %rem3A_723 : i32
        %rem3A_1033 = arith.constant 3 : i32
        %rem3A_1034 = arith.remsi %add3A_1030, %rem3A_1033 : i32
        %dma_start3A_1035 = arith.constant 0 : i32
        %dma_start3A_1036 = arith.constant 0 : i32
        %dma_start3A_1037 = arith.constant 0 : i32
        %dma_start3A_1038 = tpu.memref_slice %arg6[%sub3A_1032, %dma_start3A_1036, %dma_start3A_1037] : memref<2x256x128xf32, #tpu.memory_space<vmem>> -> memref<1x256x128xf32, #tpu.memory_space<vmem>>
        %dma_start3A_1039 = tpu.memref_squeeze %dma_start3A_1038 : memref<1x256x128xf32, #tpu.memory_space<vmem>> -> memref<256x128xf32, #tpu.memory_space<vmem>>
        %dma_start3A_1040 = arith.constant 0 : i32
        %dma_start3A_1041 = arith.constant 0 : i32
        %dma_start3A_1042 = tpu.memref_slice %dma_start3A_1039[%dma_start3A_1040, %dma_start3A_1041] : memref<256x128xf32, #tpu.memory_space<vmem>> -> memref<128x128xf32, #tpu.memory_space<vmem>>
        %dma_start3A_1043 = arith.constant 0 : i32
        %dma_start3A_1044 = arith.constant 0 : i32
        %dma_start3A_1045 = tpu.memref_slice %arg5[%rem3A_1034, %dma_start3A_1043, %dma_start3A_1044] : memref<3x2x128xi32, #tpu.memory_space<vmem>> -> memref<1x2x128xi32, #tpu.memory_space<vmem>>
        %dma_start3A_1046 = tpu.memref_squeeze %dma_start3A_1045 : memref<1x2x128xi32, #tpu.memory_space<vmem>> -> memref<2x128xi32, #tpu.memory_space<vmem>>
        %dma_start3A_1047 = arith.constant 0 : i32
        %dma_start3A_1048 = tpu.memref_slice %dma_start3A_1046[%dma_start3A_1035, %dma_start3A_1047] : memref<2x128xi32, #tpu.memory_space<vmem>> -> memref<1x128xi32, #tpu.memory_space<vmem>>
        %dma_start3A_1049 = tpu.memref_squeeze %dma_start3A_1048 : memref<1x128xi32, #tpu.memory_space<vmem>> -> memref<128xi32, #tpu.memory_space<vmem>>
        %dma_start3A_1050 = arith.constant 0 : i32
        %dma_start3A_1051 = arith.constant 0 : i32
        %dma_start3A_1052 = tpu.memref_slice %arg2[%dma_start3A_1050, %dma_start3A_1051] : memref<1000000x128xf32, #tpu.memory_space<hbm>> -> memref<1000000x128xf32, #tpu.memory_space<hbm>>
        tpu.enqueue_indirect_dma source(%dma_start3A_1052 : memref<1000000x128xf32, #tpu.memory_space<hbm>>) target(%dma_start3A_1042 : memref<128x128xf32, #tpu.memory_space<vmem>>) offsets(%dma_start3A_1049 : memref<128xi32, #tpu.memory_space<vmem>>) semaphore(%arg9 : memref<!tpu.dma_semaphore, #tpu.memory_space<semaphore_mem>>)
        %dma_start3A_1053 = arith.constant 1 : i32
        %dma_start3A_1054 = arith.constant 0 : i32
        %dma_start3A_1055 = arith.constant 0 : i32
        %dma_start3A_1056 = tpu.memref_slice %arg6[%sub3A_1032, %dma_start3A_1054, %dma_start3A_1055] : memref<2x256x128xf32, #tpu.memory_space<vmem>> -> memref<1x256x128xf32, #tpu.memory_space<vmem>>
        %dma_start3A_1057 = tpu.memref_squeeze %dma_start3A_1056 : memref<1x256x128xf32, #tpu.memory_space<vmem>> -> memref<256x128xf32, #tpu.memory_space<vmem>>
        %dma_start3A_1058 = arith.constant 128 : i32
        %dma_start3A_1059 = arith.constant 0 : i32
        %dma_start3A_1060 = tpu.memref_slice %dma_start3A_1057[%dma_start3A_1058, %dma_start3A_1059] : memref<256x128xf32, #tpu.memory_space<vmem>> -> memref<128x128xf32, #tpu.memory_space<vmem>>
        %dma_start3A_1061 = arith.constant 0 : i32
        %dma_start3A_1062 = arith.constant 0 : i32
        %dma_start3A_1063 = tpu.memref_slice %arg5[%rem3A_1034, %dma_start3A_1061, %dma_start3A_1062] : memref<3x2x128xi32, #tpu.memory_space<vmem>> -> memref<1x2x128xi32, #tpu.memory_space<vmem>>
        %dma_start3A_1064 = tpu.memref_squeeze %dma_start3A_1063 : memref<1x2x128xi32, #tpu.memory_space<vmem>> -> memref<2x128xi32, #tpu.memory_space<vmem>>
        %dma_start3A_1065 = arith.constant 0 : i32
        %dma_start3A_1066 = tpu.memref_slice %dma_start3A_1064[%dma_start3A_1053, %dma_start3A_1065] : memref<2x128xi32, #tpu.memory_space<vmem>> -> memref<1x128xi32, #tpu.memory_space<vmem>>
        %dma_start3A_1067 = tpu.memref_squeeze %dma_start3A_1066 : memref<1x128xi32, #tpu.memory_space<vmem>> -> memref<128xi32, #tpu.memory_space<vmem>>
        %dma_start3A_1068 = arith.constant 0 : i32
        %dma_start3A_1069 = arith.constant 0 : i32
        %dma_start3A_1070 = tpu.memref_slice %arg2[%dma_start3A_1068, %dma_start3A_1069] : memref<1000000x128xf32, #tpu.memory_space<hbm>> -> memref<1000000x128xf32, #tpu.memory_space<hbm>>
        tpu.enqueue_indirect_dma source(%dma_start3A_1070 : memref<1000000x128xf32, #tpu.memory_space<hbm>>) target(%dma_start3A_1060 : memref<128x128xf32, #tpu.memory_space<vmem>>) offsets(%dma_start3A_1067 : memref<128xi32, #tpu.memory_space<vmem>>) semaphore(%arg9 : memref<!tpu.dma_semaphore, #tpu.memory_space<semaphore_mem>>)
        %lt3A_1071 = arith.constant 98 : i32
        %lt3A_1072 = arith.cmpi slt, %add3A_721, %lt3A_1071 : i32
        %convert_element_type3A_1073 = arith.extui %lt3A_1072 : i1 to i32
        %cond3A_1074 = arith.constant 0 : i32
        %cond3A_1075 = arith.cmpi ne, %convert_element_type3A_1073, %cond3A_1074 : i32
        scf.if %cond3A_1075 {
          %add3A_1076 = arith.constant 2 : i32
          %add3A_1077 = arith.addi %add3A_721, %add3A_1076 : i32
          %add3A_1078 = arith.constant 2 : i32
          %add3A_1079 = arith.addi %add3A_721, %add3A_1078 : i32
          %rem3A_1080 = arith.constant 3 : i32
          %rem3A_1081 = arith.remsi %add3A_1079, %rem3A_1080 : i32
          %add3A_1082 = arith.addi %mul3A_20, %add3A_1077 : i32
          %jit3A_1083 = arith.constant 8 : i32
          %div3A_1084 = arith.divsi %add3A_1082, %jit3A_1083 : i32
          %sign3A_1085 = arith.constant 0 : i32
          %sign3A_1086 = arith.cmpi sgt, %add3A_1082, %sign3A_1085 : i32
          %sign3A_1087 = arith.extui %sign3A_1086 : i1 to i32
          %sign3A_1088 = arith.constant 0 : i32
          %sign3A_1089 = arith.cmpi slt, %add3A_1082, %sign3A_1088 : i32
          %sign3A_1090 = arith.extui %sign3A_1089 : i1 to i32
          %sign3A_1091 = arith.subi %sign3A_1087, %sign3A_1090 : i32
          %sign3A_1092 = arith.constant 0 : i32
          %sign3A_1093 = arith.cmpi sgt, %jit3A_1083, %sign3A_1092 : i32
          %sign3A_1094 = arith.extui %sign3A_1093 : i1 to i32
          %sign3A_1095 = arith.constant 0 : i32
          %sign3A_1096 = arith.cmpi slt, %jit3A_1083, %sign3A_1095 : i32
          %sign3A_1097 = arith.extui %sign3A_1096 : i1 to i32
          %sign3A_1098 = arith.subi %sign3A_1094, %sign3A_1097 : i32
          %ne3A_1099 = arith.cmpi ne, %sign3A_1091, %sign3A_1098 : i32
          %rem3A_1100 = arith.remsi %add3A_1082, %jit3A_1083 : i32
          %ne3A_1101 = arith.constant 0 : i32
          %ne3A_1102 = arith.cmpi ne, %rem3A_1100, %ne3A_1101 : i32
          %and3A_1103 = arith.andi %ne3A_1099, %ne3A_1102 : i1
          %sub3A_1104 = arith.constant 1 : i32
          %sub3A_1105 = arith.subi %div3A_1084, %sub3A_1104 : i32
          %select_n3A_1106 = arith.select %and3A_1103, %sub3A_1105, %div3A_1084 : i32
          %mul3A_1107 = arith.constant 2 : i32
          %mul3A_1108 = arith.muli %rem3A_1, %mul3A_1107 : i32
          %rem3A_1109 = arith.constant 8 : i32
          %rem3A_1110 = arith.remsi %add3A_1082, %rem3A_1109 : i32
          %dma_start3A_1111 = arith.constant 0 : i32
          %dma_start3A_1112 = arith.constant 0 : i32
          %dma_start3A_1113 = tpu.memref_slice %arg5[%rem3A_1081, %dma_start3A_1111, %dma_start3A_1112] : memref<3x2x128xi32, #tpu.memory_space<vmem>> -> memref<1x2x128xi32, #tpu.memory_space<vmem>>
          %dma_start3A_1114 = tpu.memref_squeeze %dma_start3A_1113 : memref<1x2x128xi32, #tpu.memory_space<vmem>> -> memref<2x128xi32, #tpu.memory_space<vmem>>
          %dma_start3A_1115 = arith.constant 0 : i32
          %dma_start3A_1116 = tpu.memref_slice %arg3[%select_n3A_1106, %mul3A_1108, %rem3A_1110, %dma_start3A_1115] : memref<25x32x8x128xi32, #tpu.memory_space<hbm>> -> memref<1x2x1x128xi32, #tpu.memory_space<hbm>>
          %dma_start3A_1117 = tpu.memref_squeeze %dma_start3A_1116 : memref<1x2x1x128xi32, #tpu.memory_space<hbm>> -> memref<2x128xi32, #tpu.memory_space<hbm>>
          %dma_start3A_1118 = arith.constant 0 : i32
          %dma_start3A_1119 = arith.constant 0 : i32
          %dma_start3A_1120 = tpu.memref_slice %arg5[%rem3A_1081, %dma_start3A_1118, %dma_start3A_1119] : memref<3x2x128xi32, #tpu.memory_space<vmem>> -> memref<1x2x128xi32, #tpu.memory_space<vmem>>
          %dma_start3A_1121 = tpu.memref_squeeze %dma_start3A_1120 : memref<1x2x128xi32, #tpu.memory_space<vmem>> -> memref<2x128xi32, #tpu.memory_space<vmem>>
          %dma_start3A_1122 = arith.constant 0 : i32
          %dma_start3A_1123 = tpu.memref_slice %arg3[%select_n3A_1106, %mul3A_1108, %rem3A_1110, %dma_start3A_1122] : memref<25x32x8x128xi32, #tpu.memory_space<hbm>> -> memref<1x2x1x128xi32, #tpu.memory_space<hbm>>
          %dma_start3A_1124 = tpu.memref_squeeze %dma_start3A_1123 : memref<1x2x1x128xi32, #tpu.memory_space<hbm>> -> memref<2x128xi32, #tpu.memory_space<hbm>>
          tpu.enqueue_dma source(%dma_start3A_1124 : memref<2x128xi32, #tpu.memory_space<hbm>>) target(%dma_start3A_1121 : memref<2x128xi32, #tpu.memory_space<vmem>>) target_semaphore(%arg8 : memref<!tpu.dma_semaphore, #tpu.memory_space<semaphore_mem>>)
        } else {
        }
      } else {
      }
      %dma_wait3A_726 = arith.constant 0 : i32
      %dma_wait3A_727 = arith.constant 0 : i32
      %dma_wait3A_728 = arith.constant 0 : i32
      %dma_wait3A_729 = arith.constant 0 : i32
      %dma_wait3A_730 = arith.constant 0 : i32
      %dma_wait3A_731 = tpu.memref_slice %arg6[%dma_wait3A_728, %dma_wait3A_729, %dma_wait3A_730] : memref<2x256x128xf32, #tpu.memory_space<vmem>> -> memref<1x256x128xf32, #tpu.memory_space<vmem>>
      %dma_wait3A_732 = tpu.memref_squeeze %dma_wait3A_731 : memref<1x256x128xf32, #tpu.memory_space<vmem>> -> memref<256x128xf32, #tpu.memory_space<vmem>>
      %dma_wait3A_733 = arith.constant 0 : i32
      %dma_wait3A_734 = arith.constant 0 : i32
      %dma_wait3A_735 = tpu.memref_slice %dma_wait3A_732[%dma_wait3A_733, %dma_wait3A_734] : memref<256x128xf32, #tpu.memory_space<vmem>> -> memref<128x128xf32, #tpu.memory_space<vmem>>
      %dma_wait3A_736 = arith.constant 0 : i32
      %dma_wait3A_737 = arith.constant 0 : i32
      %dma_wait3A_738 = tpu.memref_slice %arg5[%dma_wait3A_726, %dma_wait3A_736, %dma_wait3A_737] : memref<3x2x128xi32, #tpu.memory_space<vmem>> -> memref<1x2x128xi32, #tpu.memory_space<vmem>>
      %dma_wait3A_739 = tpu.memref_squeeze %dma_wait3A_738 : memref<1x2x128xi32, #tpu.memory_space<vmem>> -> memref<2x128xi32, #tpu.memory_space<vmem>>
      %dma_wait3A_740 = arith.constant 0 : i32
      %dma_wait3A_741 = tpu.memref_slice %dma_wait3A_739[%dma_wait3A_727, %dma_wait3A_740] : memref<2x128xi32, #tpu.memory_space<vmem>> -> memref<1x128xi32, #tpu.memory_space<vmem>>
      %dma_wait3A_742 = tpu.memref_squeeze %dma_wait3A_741 : memref<1x128xi32, #tpu.memory_space<vmem>> -> memref<128xi32, #tpu.memory_space<vmem>>
      %dma_wait3A_743 = arith.constant 0 : i32
      %dma_wait3A_744 = arith.constant 0 : i32
      %dma_wait3A_745 = tpu.memref_slice %arg2[%dma_wait3A_743, %dma_wait3A_744] : memref<1000000x128xf32, #tpu.memory_space<hbm>> -> memref<1000000x128xf32, #tpu.memory_space<hbm>>
      tpu.wait_indirect_dma semaphore(%arg9 : memref<!tpu.dma_semaphore, #tpu.memory_space<semaphore_mem>>) src(%dma_wait3A_745 : memref<1000000x128xf32, #tpu.memory_space<hbm>>) dst(%dma_wait3A_735 : memref<128x128xf32, #tpu.memory_space<vmem>>)
      %dma_wait3A_746 = arith.constant 0 : i32
      %dma_wait3A_747 = arith.constant 0 : i32
      %dma_wait3A_748 = arith.constant 0 : i32
      %dma_wait3A_749 = arith.constant 0 : i32
      %dma_wait3A_750 = arith.constant 0 : i32
      %dma_wait3A_751 = tpu.memref_slice %arg6[%dma_wait3A_748, %dma_wait3A_749, %dma_wait3A_750] : memref<2x256x128xf32, #tpu.memory_space<vmem>> -> memref<1x256x128xf32, #tpu.memory_space<vmem>>
      %dma_wait3A_752 = tpu.memref_squeeze %dma_wait3A_751 : memref<1x256x128xf32, #tpu.memory_space<vmem>> -> memref<256x128xf32, #tpu.memory_space<vmem>>
      %dma_wait3A_753 = arith.constant 0 : i32
      %dma_wait3A_754 = arith.constant 0 : i32
      %dma_wait3A_755 = tpu.memref_slice %dma_wait3A_752[%dma_wait3A_753, %dma_wait3A_754] : memref<256x128xf32, #tpu.memory_space<vmem>> -> memref<128x128xf32, #tpu.memory_space<vmem>>
      %dma_wait3A_756 = arith.constant 0 : i32
      %dma_wait3A_757 = arith.constant 0 : i32
      %dma_wait3A_758 = tpu.memref_slice %arg5[%dma_wait3A_746, %dma_wait3A_756, %dma_wait3A_757] : memref<3x2x128xi32, #tpu.memory_space<vmem>> -> memref<1x2x128xi32, #tpu.memory_space<vmem>>
      %dma_wait3A_759 = tpu.memref_squeeze %dma_wait3A_758 : memref<1x2x128xi32, #tpu.memory_space<vmem>> -> memref<2x128xi32, #tpu.memory_space<vmem>>
      %dma_wait3A_760 = arith.constant 0 : i32
      %dma_wait3A_761 = tpu.memref_slice %dma_wait3A_759[%dma_wait3A_747, %dma_wait3A_760] : memref<2x128xi32, #tpu.memory_space<vmem>> -> memref<1x128xi32, #tpu.memory_space<vmem>>
      %dma_wait3A_762 = tpu.memref_squeeze %dma_wait3A_761 : memref<1x128xi32, #tpu.memory_space<vmem>> -> memref<128xi32, #tpu.memory_space<vmem>>
      %dma_wait3A_763 = arith.constant 0 : i32
      %dma_wait3A_764 = arith.constant 0 : i32
      %dma_wait3A_765 = tpu.memref_slice %arg2[%dma_wait3A_763, %dma_wait3A_764] : memref<1000000x128xf32, #tpu.memory_space<hbm>> -> memref<1000000x128xf32, #tpu.memory_space<hbm>>
      tpu.wait_indirect_dma semaphore(%arg9 : memref<!tpu.dma_semaphore, #tpu.memory_space<semaphore_mem>>) src(%dma_wait3A_765 : memref<1000000x128xf32, #tpu.memory_space<hbm>>) dst(%dma_wait3A_755 : memref<128x128xf32, #tpu.memory_space<vmem>>)
      %ge3A = arith.constant 1 : i32
      %ge3A_766 = arith.cmpi sge, %add3A_721, %ge3A : i32
      %convert_element_type3A_767 = arith.extui %ge3A_766 : i1 to i32
      %cond3A_768 = arith.constant 0 : i32
      %cond3A_769 = arith.cmpi ne, %convert_element_type3A_767, %cond3A_768 : i32
      scf.if %cond3A_769 {
        %dma_wait3A_1010 = arith.constant 0 : i32
        %dma_wait3A_1011 = arith.constant 0 : i32
        %dma_wait3A_1012 = arith.constant 0 : i32
        %dma_wait3A_1013 = tpu.memref_slice %arg7[%dma_wait3A_1011, %dma_wait3A_1012] : memref<128x129xf32, #tpu.memory_space<vmem>> -> memref<16x128xf32, #tpu.memory_space<vmem>>
        %dma_wait3A_1014 = arith.constant 0 : i32
        %dma_wait3A_1015 = arith.constant 0 : i32
        %dma_wait3A_1016 = tpu.memref_slice %arg4[%dma_wait3A_1010, %dma_wait3A_1014, %dma_wait3A_1015] : memref<200x2048x128xf32, #tpu.memory_space<hbm>> -> memref<1x2048x128xf32, #tpu.memory_space<hbm>>
        %dma_wait3A_1017 = tpu.memref_squeeze %dma_wait3A_1016 : memref<1x2048x128xf32, #tpu.memory_space<hbm>> -> memref<2048x128xf32, #tpu.memory_space<hbm>>
        %dma_wait3A_1018 = arith.constant 0 : i32
        %dma_wait3A_1019 = arith.constant 0 : i32
        %dma_wait3A_1020 = tpu.memref_slice %dma_wait3A_1017[%dma_wait3A_1018, %dma_wait3A_1019] : memref<2048x128xf32, #tpu.memory_space<hbm>> -> memref<16x128xf32, #tpu.memory_space<hbm>>
        %dma_wait3A_1021 = arith.constant 0 : i32
        %dma_wait3A_1022 = arith.constant 0 : i32
        %dma_wait3A_1023 = tpu.memref_slice %arg4[%dma_wait3A_1010, %dma_wait3A_1021, %dma_wait3A_1022] : memref<200x2048x128xf32, #tpu.memory_space<hbm>> -> memref<1x2048x128xf32, #tpu.memory_space<hbm>>
        %dma_wait3A_1024 = tpu.memref_squeeze %dma_wait3A_1023 : memref<1x2048x128xf32, #tpu.memory_space<hbm>> -> memref<2048x128xf32, #tpu.memory_space<hbm>>
        %dma_wait3A_1025 = arith.constant 0 : i32
        %dma_wait3A_1026 = arith.constant 0 : i32
        %dma_wait3A_1027 = tpu.memref_slice %dma_wait3A_1024[%dma_wait3A_1025, %dma_wait3A_1026] : memref<2048x128xf32, #tpu.memory_space<hbm>> -> memref<16x128xf32, #tpu.memory_space<hbm>>
        %dma_wait3A_1028 = arith.constant 0 : i32
        %dma_wait3A_1029 = arith.constant 0 : i32
        %dma_wait3A_1030 = tpu.memref_slice %arg7[%dma_wait3A_1028, %dma_wait3A_1029] : memref<128x129xf32, #tpu.memory_space<vmem>> -> memref<16x128xf32, #tpu.memory_space<vmem>>
        tpu.wait_dma2 semaphore(%arg10 : memref<!tpu.dma_semaphore, #tpu.memory_space<semaphore_mem>>) src(%dma_wait3A_1030 : memref<16x128xf32, #tpu.memory_space<vmem>>) dst(%dma_wait3A_1027 : memref<16x128xf32, #tpu.memory_space<hbm>>)
        %dma_wait3A_1031 = arith.constant 0 : i32
        %dma_wait3A_1032 = arith.constant 0 : i32
        %dma_wait3A_1033 = arith.constant 0 : i32
        %dma_wait3A_1034 = tpu.memref_slice %arg7[%dma_wait3A_1032, %dma_wait3A_1033] : memref<128x129xf32, #tpu.memory_space<vmem>> -> memref<16x128xf32, #tpu.memory_space<vmem>>
        %dma_wait3A_1035 = arith.constant 0 : i32
        %dma_wait3A_1036 = arith.constant 0 : i32
        %dma_wait3A_1037 = tpu.memref_slice %arg4[%dma_wait3A_1031, %dma_wait3A_1035, %dma_wait3A_1036] : memref<200x2048x128xf32, #tpu.memory_space<hbm>> -> memref<1x2048x128xf32, #tpu.memory_space<hbm>>
        %dma_wait3A_1038 = tpu.memref_squeeze %dma_wait3A_1037 : memref<1x2048x128xf32, #tpu.memory_space<hbm>> -> memref<2048x128xf32, #tpu.memory_space<hbm>>
        %dma_wait3A_1039 = arith.constant 0 : i32
        %dma_wait3A_1040 = arith.constant 0 : i32
        %dma_wait3A_1041 = tpu.memref_slice %dma_wait3A_1038[%dma_wait3A_1039, %dma_wait3A_1040] : memref<2048x128xf32, #tpu.memory_space<hbm>> -> memref<16x128xf32, #tpu.memory_space<hbm>>
        %dma_wait3A_1042 = arith.constant 0 : i32
        %dma_wait3A_1043 = arith.constant 0 : i32
        %dma_wait3A_1044 = tpu.memref_slice %arg4[%dma_wait3A_1031, %dma_wait3A_1042, %dma_wait3A_1043] : memref<200x2048x128xf32, #tpu.memory_space<hbm>> -> memref<1x2048x128xf32, #tpu.memory_space<hbm>>
        %dma_wait3A_1045 = tpu.memref_squeeze %dma_wait3A_1044 : memref<1x2048x128xf32, #tpu.memory_space<hbm>> -> memref<2048x128xf32, #tpu.memory_space<hbm>>
        %dma_wait3A_1046 = arith.constant 0 : i32
        %dma_wait3A_1047 = arith.constant 0 : i32
        %dma_wait3A_1048 = tpu.memref_slice %dma_wait3A_1045[%dma_wait3A_1046, %dma_wait3A_1047] : memref<2048x128xf32, #tpu.memory_space<hbm>> -> memref<16x128xf32, #tpu.memory_space<hbm>>
        %dma_wait3A_1049 = arith.constant 0 : i32
        %dma_wait3A_1050 = arith.constant 0 : i32
        %dma_wait3A_1051 = tpu.memref_slice %arg7[%dma_wait3A_1049, %dma_wait3A_1050] : memref<128x129xf32, #tpu.memory_space<vmem>> -> memref<16x128xf32, #tpu.memory_space<vmem>>
        tpu.wait_dma2 semaphore(%arg10 : memref<!tpu.dma_semaphore, #tpu.memory_space<semaphore_mem>>) src(%dma_wait3A_1051 : memref<16x128xf32, #tpu.memory_space<vmem>>) dst(%dma_wait3A_1048 : memref<16x128xf32, #tpu.memory_space<hbm>>)
        %dma_wait3A_1052 = arith.constant 0 : i32
        %dma_wait3A_1053 = arith.constant 0 : i32
        %dma_wait3A_1054 = arith.constant 0 : i32
        %dma_wait3A_1055 = tpu.memref_slice %arg7[%dma_wait3A_1053, %dma_wait3A_1054] : memref<128x129xf32, #tpu.memory_space<vmem>> -> memref<16x128xf32, #tpu.memory_space<vmem>>
        %dma_wait3A_1056 = arith.constant 0 : i32
        %dma_wait3A_1057 = arith.constant 0 : i32
        %dma_wait3A_1058 = tpu.memref_slice %arg4[%dma_wait3A_1052, %dma_wait3A_1056, %dma_wait3A_1057] : memref<200x2048x128xf32, #tpu.memory_space<hbm>> -> memref<1x2048x128xf32, #tpu.memory_space<hbm>>
        %dma_wait3A_1059 = tpu.memref_squeeze %dma_wait3A_1058 : memref<1x2048x128xf32, #tpu.memory_space<hbm>> -> memref<2048x128xf32, #tpu.memory_space<hbm>>
        %dma_wait3A_1060 = arith.constant 0 : i32
        %dma_wait3A_1061 = arith.constant 0 : i32
        %dma_wait3A_1062 = tpu.memref_slice %dma_wait3A_1059[%dma_wait3A_1060, %dma_wait3A_1061] : memref<2048x128xf32, #tpu.memory_space<hbm>> -> memref<16x128xf32, #tpu.memory_space<hbm>>
        %dma_wait3A_1063 = arith.constant 0 : i32
        %dma_wait3A_1064 = arith.constant 0 : i32
        %dma_wait3A_1065 = tpu.memref_slice %arg4[%dma_wait3A_1052, %dma_wait3A_1063, %dma_wait3A_1064] : memref<200x2048x128xf32, #tpu.memory_space<hbm>> -> memref<1x2048x128xf32, #tpu.memory_space<hbm>>
        %dma_wait3A_1066 = tpu.memref_squeeze %dma_wait3A_1065 : memref<1x2048x128xf32, #tpu.memory_space<hbm>> -> memref<2048x128xf32, #tpu.memory_space<hbm>>
        %dma_wait3A_1067 = arith.constant 0 : i32
        %dma_wait3A_1068 = arith.constant 0 : i32
        %dma_wait3A_1069 = tpu.memref_slice %dma_wait3A_1066[%dma_wait3A_1067, %dma_wait3A_1068] : memref<2048x128xf32, #tpu.memory_space<hbm>> -> memref<16x128xf32, #tpu.memory_space<hbm>>
        %dma_wait3A_1070 = arith.constant 0 : i32
        %dma_wait3A_1071 = arith.constant 0 : i32
        %dma_wait3A_1072 = tpu.memref_slice %arg7[%dma_wait3A_1070, %dma_wait3A_1071] : memref<128x129xf32, #tpu.memory_space<vmem>> -> memref<16x128xf32, #tpu.memory_space<vmem>>
        tpu.wait_dma2 semaphore(%arg10 : memref<!tpu.dma_semaphore, #tpu.memory_space<semaphore_mem>>) src(%dma_wait3A_1072 : memref<16x128xf32, #tpu.memory_space<vmem>>) dst(%dma_wait3A_1069 : memref<16x128xf32, #tpu.memory_space<hbm>>)
        %dma_wait3A_1073 = arith.constant 0 : i32
        %dma_wait3A_1074 = arith.constant 0 : i32
        %dma_wait3A_1075 = arith.constant 0 : i32
        %dma_wait3A_1076 = tpu.memref_slice %arg7[%dma_wait3A_1074, %dma_wait3A_1075] : memref<128x129xf32, #tpu.memory_space<vmem>> -> memref<16x128xf32, #tpu.memory_space<vmem>>
        %dma_wait3A_1077 = arith.constant 0 : i32
        %dma_wait3A_1078 = arith.constant 0 : i32
        %dma_wait3A_1079 = tpu.memref_slice %arg4[%dma_wait3A_1073, %dma_wait3A_1077, %dma_wait3A_1078] : memref<200x2048x128xf32, #tpu.memory_space<hbm>> -> memref<1x2048x128xf32, #tpu.memory_space<hbm>>
        %dma_wait3A_1080 = tpu.memref_squeeze %dma_wait3A_1079 : memref<1x2048x128xf32, #tpu.memory_space<hbm>> -> memref<2048x128xf32, #tpu.memory_space<hbm>>
        %dma_wait3A_1081 = arith.constant 0 : i32
        %dma_wait3A_1082 = arith.constant 0 : i32
        %dma_wait3A_1083 = tpu.memref_slice %dma_wait3A_1080[%dma_wait3A_1081, %dma_wait3A_1082] : memref<2048x128xf32, #tpu.memory_space<hbm>> -> memref<16x128xf32, #tpu.memory_space<hbm>>
        %dma_wait3A_1084 = arith.constant 0 : i32
        %dma_wait3A_1085 = arith.constant 0 : i32
        %dma_wait3A_1086 = tpu.memref_slice %arg4[%dma_wait3A_1073, %dma_wait3A_1084, %dma_wait3A_1085] : memref<200x2048x128xf32, #tpu.memory_space<hbm>> -> memref<1x2048x128xf32, #tpu.memory_space<hbm>>
        %dma_wait3A_1087 = tpu.memref_squeeze %dma_wait3A_1086 : memref<1x2048x128xf32, #tpu.memory_space<hbm>> -> memref<2048x128xf32, #tpu.memory_space<hbm>>
        %dma_wait3A_1088 = arith.constant 0 : i32
        %dma_wait3A_1089 = arith.constant 0 : i32
        %dma_wait3A_1090 = tpu.memref_slice %dma_wait3A_1087[%dma_wait3A_1088, %dma_wait3A_1089] : memref<2048x128xf32, #tpu.memory_space<hbm>> -> memref<16x128xf32, #tpu.memory_space<hbm>>
        %dma_wait3A_1091 = arith.constant 0 : i32
        %dma_wait3A_1092 = arith.constant 0 : i32
        %dma_wait3A_1093 = tpu.memref_slice %arg7[%dma_wait3A_1091, %dma_wait3A_1092] : memref<128x129xf32, #tpu.memory_space<vmem>> -> memref<16x128xf32, #tpu.memory_space<vmem>>
        tpu.wait_dma2 semaphore(%arg10 : memref<!tpu.dma_semaphore, #tpu.memory_space<semaphore_mem>>) src(%dma_wait3A_1093 : memref<16x128xf32, #tpu.memory_space<vmem>>) dst(%dma_wait3A_1090 : memref<16x128xf32, #tpu.memory_space<hbm>>)
        %dma_wait3A_1094 = arith.constant 0 : i32
        %dma_wait3A_1095 = arith.constant 0 : i32
        %dma_wait3A_1096 = arith.constant 0 : i32
        %dma_wait3A_1097 = tpu.memref_slice %arg7[%dma_wait3A_1095, %dma_wait3A_1096] : memref<128x129xf32, #tpu.memory_space<vmem>> -> memref<16x128xf32, #tpu.memory_space<vmem>>
        %dma_wait3A_1098 = arith.constant 0 : i32
        %dma_wait3A_1099 = arith.constant 0 : i32
        %dma_wait3A_1100 = tpu.memref_slice %arg4[%dma_wait3A_1094, %dma_wait3A_1098, %dma_wait3A_1099] : memref<200x2048x128xf32, #tpu.memory_space<hbm>> -> memref<1x2048x128xf32, #tpu.memory_space<hbm>>
        %dma_wait3A_1101 = tpu.memref_squeeze %dma_wait3A_1100 : memref<1x2048x128xf32, #tpu.memory_space<hbm>> -> memref<2048x128xf32, #tpu.memory_space<hbm>>
        %dma_wait3A_1102 = arith.constant 0 : i32
        %dma_wait3A_1103 = arith.constant 0 : i32
        %dma_wait3A_1104 = tpu.memref_slice %dma_wait3A_1101[%dma_wait3A_1102, %dma_wait3A_1103] : memref<2048x128xf32, #tpu.memory_space<hbm>> -> memref<16x128xf32, #tpu.memory_space<hbm>>
        %dma_wait3A_1105 = arith.constant 0 : i32
        %dma_wait3A_1106 = arith.constant 0 : i32
        %dma_wait3A_1107 = tpu.memref_slice %arg4[%dma_wait3A_1094, %dma_wait3A_1105, %dma_wait3A_1106] : memref<200x2048x128xf32, #tpu.memory_space<hbm>> -> memref<1x2048x128xf32, #tpu.memory_space<hbm>>
        %dma_wait3A_1108 = tpu.memref_squeeze %dma_wait3A_1107 : memref<1x2048x128xf32, #tpu.memory_space<hbm>> -> memref<2048x128xf32, #tpu.memory_space<hbm>>
        %dma_wait3A_1109 = arith.constant 0 : i32
        %dma_wait3A_1110 = arith.constant 0 : i32
        %dma_wait3A_1111 = tpu.memref_slice %dma_wait3A_1108[%dma_wait3A_1109, %dma_wait3A_1110] : memref<2048x128xf32, #tpu.memory_space<hbm>> -> memref<16x128xf32, #tpu.memory_space<hbm>>
        %dma_wait3A_1112 = arith.constant 0 : i32
        %dma_wait3A_1113 = arith.constant 0 : i32
        %dma_wait3A_1114 = tpu.memref_slice %arg7[%dma_wait3A_1112, %dma_wait3A_1113] : memref<128x129xf32, #tpu.memory_space<vmem>> -> memref<16x128xf32, #tpu.memory_space<vmem>>
        tpu.wait_dma2 semaphore(%arg10 : memref<!tpu.dma_semaphore, #tpu.memory_space<semaphore_mem>>) src(%dma_wait3A_1114 : memref<16x128xf32, #tpu.memory_space<vmem>>) dst(%dma_wait3A_1111 : memref<16x128xf32, #tpu.memory_space<hbm>>)
        %dma_wait3A_1115 = arith.constant 0 : i32
        %dma_wait3A_1116 = arith.constant 0 : i32
        %dma_wait3A_1117 = arith.constant 0 : i32
        %dma_wait3A_1118 = tpu.memref_slice %arg7[%dma_wait3A_1116, %dma_wait3A_1117] : memref<128x129xf32, #tpu.memory_space<vmem>> -> memref<16x128xf32, #tpu.memory_space<vmem>>
        %dma_wait3A_1119 = arith.constant 0 : i32
        %dma_wait3A_1120 = arith.constant 0 : i32
        %dma_wait3A_1121 = tpu.memref_slice %arg4[%dma_wait3A_1115, %dma_wait3A_1119, %dma_wait3A_1120] : memref<200x2048x128xf32, #tpu.memory_space<hbm>> -> memref<1x2048x128xf32, #tpu.memory_space<hbm>>
        %dma_wait3A_1122 = tpu.memref_squeeze %dma_wait3A_1121 : memref<1x2048x128xf32, #tpu.memory_space<hbm>> -> memref<2048x128xf32, #tpu.memory_space<hbm>>
        %dma_wait3A_1123 = arith.constant 0 : i32
        %dma_wait3A_1124 = arith.constant 0 : i32
        %dma_wait3A_1125 = tpu.memref_slice %dma_wait3A_1122[%dma_wait3A_1123, %dma_wait3A_1124] : memref<2048x128xf32, #tpu.memory_space<hbm>> -> memref<16x128xf32, #tpu.memory_space<hbm>>
        %dma_wait3A_1126 = arith.constant 0 : i32
        %dma_wait3A_1127 = arith.constant 0 : i32
        %dma_wait3A_1128 = tpu.memref_slice %arg4[%dma_wait3A_1115, %dma_wait3A_1126, %dma_wait3A_1127] : memref<200x2048x128xf32, #tpu.memory_space<hbm>> -> memref<1x2048x128xf32, #tpu.memory_space<hbm>>
        %dma_wait3A_1129 = tpu.memref_squeeze %dma_wait3A_1128 : memref<1x2048x128xf32, #tpu.memory_space<hbm>> -> memref<2048x128xf32, #tpu.memory_space<hbm>>
        %dma_wait3A_1130 = arith.constant 0 : i32
        %dma_wait3A_1131 = arith.constant 0 : i32
        %dma_wait3A_1132 = tpu.memref_slice %dma_wait3A_1129[%dma_wait3A_1130, %dma_wait3A_1131] : memref<2048x128xf32, #tpu.memory_space<hbm>> -> memref<16x128xf32, #tpu.memory_space<hbm>>
        %dma_wait3A_1133 = arith.constant 0 : i32
        %dma_wait3A_1134 = arith.constant 0 : i32
        %dma_wait3A_1135 = tpu.memref_slice %arg7[%dma_wait3A_1133, %dma_wait3A_1134] : memref<128x129xf32, #tpu.memory_space<vmem>> -> memref<16x128xf32, #tpu.memory_space<vmem>>
        tpu.wait_dma2 semaphore(%arg10 : memref<!tpu.dma_semaphore, #tpu.memory_space<semaphore_mem>>) src(%dma_wait3A_1135 : memref<16x128xf32, #tpu.memory_space<vmem>>) dst(%dma_wait3A_1132 : memref<16x128xf32, #tpu.memory_space<hbm>>)
        %dma_wait3A_1136 = arith.constant 0 : i32
        %dma_wait3A_1137 = arith.constant 0 : i32
        %dma_wait3A_1138 = arith.constant 0 : i32
        %dma_wait3A_1139 = tpu.memref_slice %arg7[%dma_wait3A_1137, %dma_wait3A_1138] : memref<128x129xf32, #tpu.memory_space<vmem>> -> memref<16x128xf32, #tpu.memory_space<vmem>>
        %dma_wait3A_1140 = arith.constant 0 : i32
        %dma_wait3A_1141 = arith.constant 0 : i32
        %dma_wait3A_1142 = tpu.memref_slice %arg4[%dma_wait3A_1136, %dma_wait3A_1140, %dma_wait3A_1141] : memref<200x2048x128xf32, #tpu.memory_space<hbm>> -> memref<1x2048x128xf32, #tpu.memory_space<hbm>>
        %dma_wait3A_1143 = tpu.memref_squeeze %dma_wait3A_1142 : memref<1x2048x128xf32, #tpu.memory_space<hbm>> -> memref<2048x128xf32, #tpu.memory_space<hbm>>
        %dma_wait3A_1144 = arith.constant 0 : i32
        %dma_wait3A_1145 = arith.constant 0 : i32
        %dma_wait3A_1146 = tpu.memref_slice %dma_wait3A_1143[%dma_wait3A_1144, %dma_wait3A_1145] : memref<2048x128xf32, #tpu.memory_space<hbm>> -> memref<16x128xf32, #tpu.memory_space<hbm>>
        %dma_wait3A_1147 = arith.constant 0 : i32
        %dma_wait3A_1148 = arith.constant 0 : i32
        %dma_wait3A_1149 = tpu.memref_slice %arg4[%dma_wait3A_1136, %dma_wait3A_1147, %dma_wait3A_1148] : memref<200x2048x128xf32, #tpu.memory_space<hbm>> -> memref<1x2048x128xf32, #tpu.memory_space<hbm>>
        %dma_wait3A_1150 = tpu.memref_squeeze %dma_wait3A_1149 : memref<1x2048x128xf32, #tpu.memory_space<hbm>> -> memref<2048x128xf32, #tpu.memory_space<hbm>>
        %dma_wait3A_1151 = arith.constant 0 : i32
        %dma_wait3A_1152 = arith.constant 0 : i32
        %dma_wait3A_1153 = tpu.memref_slice %dma_wait3A_1150[%dma_wait3A_1151, %dma_wait3A_1152] : memref<2048x128xf32, #tpu.memory_space<hbm>> -> memref<16x128xf32, #tpu.memory_space<hbm>>
        %dma_wait3A_1154 = arith.constant 0 : i32
        %dma_wait3A_1155 = arith.constant 0 : i32
        %dma_wait3A_1156 = tpu.memref_slice %arg7[%dma_wait3A_1154, %dma_wait3A_1155] : memref<128x129xf32, #tpu.memory_space<vmem>> -> memref<16x128xf32, #tpu.memory_space<vmem>>
        tpu.wait_dma2 semaphore(%arg10 : memref<!tpu.dma_semaphore, #tpu.memory_space<semaphore_mem>>) src(%dma_wait3A_1156 : memref<16x128xf32, #tpu.memory_space<vmem>>) dst(%dma_wait3A_1153 : memref<16x128xf32, #tpu.memory_space<hbm>>)
        %dma_wait3A_1157 = arith.constant 0 : i32
        %dma_wait3A_1158 = arith.constant 0 : i32
        %dma_wait3A_1159 = arith.constant 0 : i32
        %dma_wait3A_1160 = tpu.memref_slice %arg7[%dma_wait3A_1158, %dma_wait3A_1159] : memref<128x129xf32, #tpu.memory_space<vmem>> -> memref<16x128xf32, #tpu.memory_space<vmem>>
        %dma_wait3A_1161 = arith.constant 0 : i32
        %dma_wait3A_1162 = arith.constant 0 : i32
        %dma_wait3A_1163 = tpu.memref_slice %arg4[%dma_wait3A_1157, %dma_wait3A_1161, %dma_wait3A_1162] : memref<200x2048x128xf32, #tpu.memory_space<hbm>> -> memref<1x2048x128xf32, #tpu.memory_space<hbm>>
        %dma_wait3A_1164 = tpu.memref_squeeze %dma_wait3A_1163 : memref<1x2048x128xf32, #tpu.memory_space<hbm>> -> memref<2048x128xf32, #tpu.memory_space<hbm>>
        %dma_wait3A_1165 = arith.constant 0 : i32
        %dma_wait3A_1166 = arith.constant 0 : i32
        %dma_wait3A_1167 = tpu.memref_slice %dma_wait3A_1164[%dma_wait3A_1165, %dma_wait3A_1166] : memref<2048x128xf32, #tpu.memory_space<hbm>> -> memref<16x128xf32, #tpu.memory_space<hbm>>
        %dma_wait3A_1168 = arith.constant 0 : i32
        %dma_wait3A_1169 = arith.constant 0 : i32
        %dma_wait3A_1170 = tpu.memref_slice %arg4[%dma_wait3A_1157, %dma_wait3A_1168, %dma_wait3A_1169] : memref<200x2048x128xf32, #tpu.memory_space<hbm>> -> memref<1x2048x128xf32, #tpu.memory_space<hbm>>
        %dma_wait3A_1171 = tpu.memref_squeeze %dma_wait3A_1170 : memref<1x2048x128xf32, #tpu.memory_space<hbm>> -> memref<2048x128xf32, #tpu.memory_space<hbm>>
        %dma_wait3A_1172 = arith.constant 0 : i32
        %dma_wait3A_1173 = arith.constant 0 : i32
        %dma_wait3A_1174 = tpu.memref_slice %dma_wait3A_1171[%dma_wait3A_1172, %dma_wait3A_1173] : memref<2048x128xf32, #tpu.memory_space<hbm>> -> memref<16x128xf32, #tpu.memory_space<hbm>>
        %dma_wait3A_1175 = arith.constant 0 : i32
        %dma_wait3A_1176 = arith.constant 0 : i32
        %dma_wait3A_1177 = tpu.memref_slice %arg7[%dma_wait3A_1175, %dma_wait3A_1176] : memref<128x129xf32, #tpu.memory_space<vmem>> -> memref<16x128xf32, #tpu.memory_space<vmem>>
        tpu.wait_dma2 semaphore(%arg10 : memref<!tpu.dma_semaphore, #tpu.memory_space<semaphore_mem>>) src(%dma_wait3A_1177 : memref<16x128xf32, #tpu.memory_space<vmem>>) dst(%dma_wait3A_1174 : memref<16x128xf32, #tpu.memory_space<hbm>>)
      } else {
      }
      %scan3A_770 = arith.constant 0 : i32
      %scan3A_771 = arith.constant 32 : i32
      %scan3A_772 = arith.addi %scan3A_770, %scan3A_771 : i32
      %scan3A_773 = arith.constant 1 : i32
      scf.for %scan3A_1010 = %scan3A_770 to %scan3A_772 step %scan3A_773  : i32 {
        %mul3A_1011 = arith.constant 4 : i32
        %mul3A_1012 = arith.muli %scan3A_1010, %mul3A_1011 : i32
        %add3A_1013 = arith.constant 0 : i32
        %add3A_1014 = arith.addi %add3A_1013, %mul3A_1012 : i32
        %add3A_1015 = arith.constant 0 : i32
        %add3A_1016 = arith.addi %add3A_1014, %add3A_1015 : i32
        %broadcast_in_dim3A = arith.constant 0 : i32
        %broadcast_in_dim3A_1017 = vector.broadcast %broadcast_in_dim3A : i32 to vector<16xi32>
        %add3A_1018 = vector.broadcast %add3A_1016 : i32 to vector<16xi32>
        %add3A_1019 = arith.addi %broadcast_in_dim3A_1017, %add3A_1018 : vector<16xi32>
        %add3A_1020 = arith.constant 0 : i32
        %add3A_1021 = arith.addi %add3A_1020, %add3A_1016 : i32
        %get3A = arith.constant 0 : i32
        %get3A_1022 = arith.constant 0 : i32
        %get3A_1023 = tpu.memref_slice %arg6[%rem3A_723, %get3A, %get3A_1022] : memref<2x256x128xf32, #tpu.memory_space<vmem>> -> memref<1x256x128xf32, #tpu.memory_space<vmem>>
        %get3A_1024 = tpu.memref_squeeze %get3A_1023 : memref<1x256x128xf32, #tpu.memory_space<vmem>> -> memref<256x128xf32, #tpu.memory_space<vmem>>
        %get3A_1025 = arith.index_cast %add3A_1021 : i32 to index
        %get3A_1026 = arith.constant 0 : index
        %get3A_1027 = tpu.vector_load %get3A_1024[%get3A_1025, %get3A_1026] {strides = array<i32>} : memref<256x128xf32, #tpu.memory_space<vmem>>, vector<16xf32>,
        tpu.vector_store_idx %arg7[%add3A_67, %add3A_1019], %get3A_1027 : memref<128x129xf32, #tpu.memory_space<vmem>>[vector<16xi32>, vector<16xi32>], vector<16xf32>,
        %add3A_1028 = arith.constant 1 : i32
        %add3A_1029 = arith.addi %add3A_1014, %add3A_1028 : i32
        %broadcast_in_dim3A_1030 = arith.constant 0 : i32
        %broadcast_in_dim3A_1031 = vector.broadcast %broadcast_in_dim3A_1030 : i32 to vector<16xi32>
        %add3A_1032 = vector.broadcast %add3A_1029 : i32 to vector<16xi32>
        %add3A_1033 = arith.addi %broadcast_in_dim3A_1031, %add3A_1032 : vector<16xi32>
        %add3A_1034 = arith.constant 0 : i32
        %add3A_1035 = arith.addi %add3A_1034, %add3A_1029 : i32
        %get3A_1036 = arith.constant 0 : i32
        %get3A_1037 = arith.constant 0 : i32
        %get3A_1038 = tpu.memref_slice %arg6[%rem3A_723, %get3A_1036, %get3A_1037] : memref<2x256x128xf32, #tpu.memory_space<vmem>> -> memref<1x256x128xf32, #tpu.memory_space<vmem>>
        %get3A_1039 = tpu.memref_squeeze %get3A_1038 : memref<1x256x128xf32, #tpu.memory_space<vmem>> -> memref<256x128xf32, #tpu.memory_space<vmem>>
        %get3A_1040 = arith.index_cast %add3A_1035 : i32 to index
        %get3A_1041 = arith.constant 0 : index
        %get3A_1042 = tpu.vector_load %get3A_1039[%get3A_1040, %get3A_1041] {strides = array<i32>} : memref<256x128xf32, #tpu.memory_space<vmem>>, vector<16xf32>,
        tpu.vector_store_idx %arg7[%add3A_67, %add3A_1033], %get3A_1042 : memref<128x129xf32, #tpu.memory_space<vmem>>[vector<16xi32>, vector<16xi32>], vector<16xf32>,
        %add3A_1043 = arith.constant 2 : i32
        %add3A_1044 = arith.addi %add3A_1014, %add3A_1043 : i32
        %broadcast_in_dim3A_1045 = arith.constant 0 : i32
        %broadcast_in_dim3A_1046 = vector.broadcast %broadcast_in_dim3A_1045 : i32 to vector<16xi32>
        %add3A_1047 = vector.broadcast %add3A_1044 : i32 to vector<16xi32>
        %add3A_1048 = arith.addi %broadcast_in_dim3A_1046, %add3A_1047 : vector<16xi32>
        %add3A_1049 = arith.constant 0 : i32
        %add3A_1050 = arith.addi %add3A_1049, %add3A_1044 : i32
        %get3A_1051 = arith.constant 0 : i32
        %get3A_1052 = arith.constant 0 : i32
        %get3A_1053 = tpu.memref_slice %arg6[%rem3A_723, %get3A_1051, %get3A_1052] : memref<2x256x128xf32, #tpu.memory_space<vmem>> -> memref<1x256x128xf32, #tpu.memory_space<vmem>>
        %get3A_1054 = tpu.memref_squeeze %get3A_1053 : memref<1x256x128xf32, #tpu.memory_space<vmem>> -> memref<256x128xf32, #tpu.memory_space<vmem>>
        %get3A_1055 = arith.index_cast %add3A_1050 : i32 to index
        %get3A_1056 = arith.constant 0 : index
        %get3A_1057 = tpu.vector_load %get3A_1054[%get3A_1055, %get3A_1056] {strides = array<i32>} : memref<256x128xf32, #tpu.memory_space<vmem>>, vector<16xf32>,
        tpu.vector_store_idx %arg7[%add3A_67, %add3A_1048], %get3A_1057 : memref<128x129xf32, #tpu.memory_space<vmem>>[vector<16xi32>, vector<16xi32>], vector<16xf32>,
        %add3A_1058 = arith.constant 3 : i32
        %add3A_1059 = arith.addi %add3A_1014, %add3A_1058 : i32
        %broadcast_in_dim3A_1060 = arith.constant 0 : i32
        %broadcast_in_dim3A_1061 = vector.broadcast %broadcast_in_dim3A_1060 : i32 to vector<16xi32>
        %add3A_1062 = vector.broadcast %add3A_1059 : i32 to vector<16xi32>
        %add3A_1063 = arith.addi %broadcast_in_dim3A_1061, %add3A_1062 : vector<16xi32>
        %add3A_1064 = arith.constant 0 : i32
        %add3A_1065 = arith.addi %add3A_1064, %add3A_1059 : i32
        %get3A_1066 = arith.constant 0 : i32
        %get3A_1067 = arith.constant 0 : i32
        %get3A_1068 = tpu.memref_slice %arg6[%rem3A_723, %get3A_1066, %get3A_1067] : memref<2x256x128xf32, #tpu.memory_space<vmem>> -> memref<1x256x128xf32, #tpu.memory_space<vmem>>
        %get3A_1069 = tpu.memref_squeeze %get3A_1068 : memref<1x256x128xf32, #tpu.memory_space<vmem>> -> memref<256x128xf32, #tpu.memory_space<vmem>>
        %get3A_1070 = arith.index_cast %add3A_1065 : i32 to index
        %get3A_1071 = arith.constant 0 : index
        %get3A_1072 = tpu.vector_load %get3A_1069[%get3A_1070, %get3A_1071] {strides = array<i32>} : memref<256x128xf32, #tpu.memory_space<vmem>>, vector<16xf32>,
        tpu.vector_store_idx %arg7[%add3A_67, %add3A_1063], %get3A_1072 : memref<128x129xf32, #tpu.memory_space<vmem>>[vector<16xi32>, vector<16xi32>], vector<16xf32>,
      }
      %scan3A_774 = arith.constant 32 : i32
      %scan3A_775 = arith.constant 0 : i32
      %scan3A_776 = arith.constant 32 : i32
      %scan3A_777 = arith.addi %scan3A_775, %scan3A_776 : i32
      %scan3A_778 = arith.constant 1 : i32
      scf.for %scan3A_1010 = %scan3A_775 to %scan3A_777 step %scan3A_778  : i32 {
        %mul3A_1011 = arith.constant 4 : i32
        %mul3A_1012 = arith.muli %scan3A_1010, %mul3A_1011 : i32
        %add3A_1013 = arith.constant 0 : i32
        %add3A_1014 = arith.addi %add3A_1013, %mul3A_1012 : i32
        %add3A_1015 = arith.constant 0 : i32
        %add3A_1016 = arith.addi %add3A_1014, %add3A_1015 : i32
        %broadcast_in_dim3A = arith.constant 0 : i32
        %broadcast_in_dim3A_1017 = vector.broadcast %broadcast_in_dim3A : i32 to vector<16xi32>
        %add3A_1018 = vector.broadcast %add3A_1016 : i32 to vector<16xi32>
        %add3A_1019 = arith.addi %broadcast_in_dim3A_1017, %add3A_1018 : vector<16xi32>
        %add3A_1020 = arith.constant 128 : i32
        %add3A_1021 = arith.addi %add3A_1020, %add3A_1016 : i32
        %get3A = arith.constant 0 : i32
        %get3A_1022 = arith.constant 0 : i32
        %get3A_1023 = tpu.memref_slice %arg6[%rem3A_723, %get3A, %get3A_1022] : memref<2x256x128xf32, #tpu.memory_space<vmem>> -> memref<1x256x128xf32, #tpu.memory_space<vmem>>
        %get3A_1024 = tpu.memref_squeeze %get3A_1023 : memref<1x256x128xf32, #tpu.memory_space<vmem>> -> memref<256x128xf32, #tpu.memory_space<vmem>>
        %get3A_1025 = arith.index_cast %add3A_1021 : i32 to index
        %get3A_1026 = arith.constant 0 : index
        %get3A_1027 = tpu.vector_load %get3A_1024[%get3A_1025, %get3A_1026] {strides = array<i32>} : memref<256x128xf32, #tpu.memory_space<vmem>>, vector<16xf32>,
        tpu.vector_store_idx %arg7[%add3A_114, %add3A_1019], %get3A_1027 : memref<128x129xf32, #tpu.memory_space<vmem>>[vector<16xi32>, vector<16xi32>], vector<16xf32>,
        %add3A_1028 = arith.constant 1 : i32
        %add3A_1029 = arith.addi %add3A_1014, %add3A_1028 : i32
        %broadcast_in_dim3A_1030 = arith.constant 0 : i32
        %broadcast_in_dim3A_1031 = vector.broadcast %broadcast_in_dim3A_1030 : i32 to vector<16xi32>
        %add3A_1032 = vector.broadcast %add3A_1029 : i32 to vector<16xi32>
        %add3A_1033 = arith.addi %broadcast_in_dim3A_1031, %add3A_1032 : vector<16xi32>
        %add3A_1034 = arith.constant 128 : i32
        %add3A_1035 = arith.addi %add3A_1034, %add3A_1029 : i32
        %get3A_1036 = arith.constant 0 : i32
        %get3A_1037 = arith.constant 0 : i32
        %get3A_1038 = tpu.memref_slice %arg6[%rem3A_723, %get3A_1036, %get3A_1037] : memref<2x256x128xf32, #tpu.memory_space<vmem>> -> memref<1x256x128xf32, #tpu.memory_space<vmem>>
        %get3A_1039 = tpu.memref_squeeze %get3A_1038 : memref<1x256x128xf32, #tpu.memory_space<vmem>> -> memref<256x128xf32, #tpu.memory_space<vmem>>
        %get3A_1040 = arith.index_cast %add3A_1035 : i32 to index
        %get3A_1041 = arith.constant 0 : index
        %get3A_1042 = tpu.vector_load %get3A_1039[%get3A_1040, %get3A_1041] {strides = array<i32>} : memref<256x128xf32, #tpu.memory_space<vmem>>, vector<16xf32>,
        tpu.vector_store_idx %arg7[%add3A_114, %add3A_1033], %get3A_1042 : memref<128x129xf32, #tpu.memory_space<vmem>>[vector<16xi32>, vector<16xi32>], vector<16xf32>,
        %add3A_1043 = arith.constant 2 : i32
        %add3A_1044 = arith.addi %add3A_1014, %add3A_1043 : i32
        %broadcast_in_dim3A_1045 = arith.constant 0 : i32
        %broadcast_in_dim3A_1046 = vector.broadcast %broadcast_in_dim3A_1045 : i32 to vector<16xi32>
        %add3A_1047 = vector.broadcast %add3A_1044 : i32 to vector<16xi32>
        %add3A_1048 = arith.addi %broadcast_in_dim3A_1046, %add3A_1047 : vector<16xi32>
        %add3A_1049 = arith.constant 128 : i32
        %add3A_1050 = arith.addi %add3A_1049, %add3A_1044 : i32
        %get3A_1051 = arith.constant 0 : i32
        %get3A_1052 = arith.constant 0 : i32
        %get3A_1053 = tpu.memref_slice %arg6[%rem3A_723, %get3A_1051, %get3A_1052] : memref<2x256x128xf32, #tpu.memory_space<vmem>> -> memref<1x256x128xf32, #tpu.memory_space<vmem>>
        %get3A_1054 = tpu.memref_squeeze %get3A_1053 : memref<1x256x128xf32, #tpu.memory_space<vmem>> -> memref<256x128xf32, #tpu.memory_space<vmem>>
        %get3A_1055 = arith.index_cast %add3A_1050 : i32 to index
        %get3A_1056 = arith.constant 0 : index
        %get3A_1057 = tpu.vector_load %get3A_1054[%get3A_1055, %get3A_1056] {strides = array<i32>} : memref<256x128xf32, #tpu.memory_space<vmem>>, vector<16xf32>,
        tpu.vector_store_idx %arg7[%add3A_114, %add3A_1048], %get3A_1057 : memref<128x129xf32, #tpu.memory_space<vmem>>[vector<16xi32>, vector<16xi32>], vector<16xf32>,
        %add3A_1058 = arith.constant 3 : i32
        %add3A_1059 = arith.addi %add3A_1014, %add3A_1058 : i32
        %broadcast_in_dim3A_1060 = arith.constant 0 : i32
        %broadcast_in_dim3A_1061 = vector.broadcast %broadcast_in_dim3A_1060 : i32 to vector<16xi32>
        %add3A_1062 = vector.broadcast %add3A_1059 : i32 to vector<16xi32>
        %add3A_1063 = arith.addi %broadcast_in_dim3A_1061, %add3A_1062 : vector<16xi32>
        %add3A_1064 = arith.constant 128 : i32
        %add3A_1065 = arith.addi %add3A_1064, %add3A_1059 : i32
        %get3A_1066 = arith.constant 0 : i32
        %get3A_1067 = arith.constant 0 : i32
        %get3A_1068 = tpu.memref_slice %arg6[%rem3A_723, %get3A_1066, %get3A_1067] : memref<2x256x128xf32, #tpu.memory_space<vmem>> -> memref<1x256x128xf32, #tpu.memory_space<vmem>>
        %get3A_1069 = tpu.memref_squeeze %get3A_1068 : memref<1x256x128xf32, #tpu.memory_space<vmem>> -> memref<256x128xf32, #tpu.memory_space<vmem>>
        %get3A_1070 = arith.index_cast %add3A_1065 : i32 to index
        %get3A_1071 = arith.constant 0 : index
        %get3A_1072 = tpu.vector_load %get3A_1069[%get3A_1070, %get3A_1071] {strides = array<i32>} : memref<256x128xf32, #tpu.memory_space<vmem>>, vector<16xf32>,
        tpu.vector_store_idx %arg7[%add3A_114, %add3A_1063], %get3A_1072 : memref<128x129xf32, #tpu.memory_space<vmem>>[vector<16xi32>, vector<16xi32>], vector<16xf32>,
      }
      %scan3A_779 = arith.constant 32 : i32
      %scan3A_780 = arith.constant 0 : i32
      %scan3A_781 = arith.constant 32 : i32
      %scan3A_782 = arith.addi %scan3A_780, %scan3A_781 : i32
      %scan3A_783 = arith.constant 1 : i32
      scf.for %scan3A_1010 = %scan3A_780 to %scan3A_782 step %scan3A_783  : i32 {
        %mul3A_1011 = arith.constant 4 : i32
        %mul3A_1012 = arith.muli %scan3A_1010, %mul3A_1011 : i32
        %add3A_1013 = arith.constant 0 : i32
        %add3A_1014 = arith.addi %add3A_1013, %mul3A_1012 : i32
        %add3A_1015 = arith.constant 0 : i32
        %add3A_1016 = arith.addi %add3A_1014, %add3A_1015 : i32
        %broadcast_in_dim3A = arith.constant 0 : i32
        %broadcast_in_dim3A_1017 = vector.broadcast %broadcast_in_dim3A : i32 to vector<16xi32>
        %add3A_1018 = vector.broadcast %add3A_1016 : i32 to vector<16xi32>
        %add3A_1019 = arith.addi %broadcast_in_dim3A_1017, %add3A_1018 : vector<16xi32>
        %add3A_1020 = arith.constant 0 : i32
        %add3A_1021 = arith.addi %add3A_1020, %add3A_1016 : i32
        %get3A = arith.constant 0 : i32
        %get3A_1022 = arith.constant 0 : i32
        %get3A_1023 = tpu.memref_slice %arg6[%rem3A_723, %get3A, %get3A_1022] : memref<2x256x128xf32, #tpu.memory_space<vmem>> -> memref<1x256x128xf32, #tpu.memory_space<vmem>>
        %get3A_1024 = tpu.memref_squeeze %get3A_1023 : memref<1x256x128xf32, #tpu.memory_space<vmem>> -> memref<256x128xf32, #tpu.memory_space<vmem>>
        %get3A_1025 = arith.index_cast %add3A_1021 : i32 to index
        %get3A_1026 = arith.constant 16 : index
        %get3A_1027 = tpu.vector_load %get3A_1024[%get3A_1025, %get3A_1026] {strides = array<i32>} : memref<256x128xf32, #tpu.memory_space<vmem>>, vector<16xf32>,
        tpu.vector_store_idx %arg7[%add3A_161, %add3A_1019], %get3A_1027 : memref<128x129xf32, #tpu.memory_space<vmem>>[vector<16xi32>, vector<16xi32>], vector<16xf32>,
        %add3A_1028 = arith.constant 1 : i32
        %add3A_1029 = arith.addi %add3A_1014, %add3A_1028 : i32
        %broadcast_in_dim3A_1030 = arith.constant 0 : i32
        %broadcast_in_dim3A_1031 = vector.broadcast %broadcast_in_dim3A_1030 : i32 to vector<16xi32>
        %add3A_1032 = vector.broadcast %add3A_1029 : i32 to vector<16xi32>
        %add3A_1033 = arith.addi %broadcast_in_dim3A_1031, %add3A_1032 : vector<16xi32>
        %add3A_1034 = arith.constant 0 : i32
        %add3A_1035 = arith.addi %add3A_1034, %add3A_1029 : i32
        %get3A_1036 = arith.constant 0 : i32
        %get3A_1037 = arith.constant 0 : i32
        %get3A_1038 = tpu.memref_slice %arg6[%rem3A_723, %get3A_1036, %get3A_1037] : memref<2x256x128xf32, #tpu.memory_space<vmem>> -> memref<1x256x128xf32, #tpu.memory_space<vmem>>
        %get3A_1039 = tpu.memref_squeeze %get3A_1038 : memref<1x256x128xf32, #tpu.memory_space<vmem>> -> memref<256x128xf32, #tpu.memory_space<vmem>>
        %get3A_1040 = arith.index_cast %add3A_1035 : i32 to index
        %get3A_1041 = arith.constant 16 : index
        %get3A_1042 = tpu.vector_load %get3A_1039[%get3A_1040, %get3A_1041] {strides = array<i32>} : memref<256x128xf32, #tpu.memory_space<vmem>>, vector<16xf32>,
        tpu.vector_store_idx %arg7[%add3A_161, %add3A_1033], %get3A_1042 : memref<128x129xf32, #tpu.memory_space<vmem>>[vector<16xi32>, vector<16xi32>], vector<16xf32>,
        %add3A_1043 = arith.constant 2 : i32
        %add3A_1044 = arith.addi %add3A_1014, %add3A_1043 : i32
        %broadcast_in_dim3A_1045 = arith.constant 0 : i32
        %broadcast_in_dim3A_1046 = vector.broadcast %broadcast_in_dim3A_1045 : i32 to vector<16xi32>
        %add3A_1047 = vector.broadcast %add3A_1044 : i32 to vector<16xi32>
        %add3A_1048 = arith.addi %broadcast_in_dim3A_1046, %add3A_1047 : vector<16xi32>
        %add3A_1049 = arith.constant 0 : i32
        %add3A_1050 = arith.addi %add3A_1049, %add3A_1044 : i32
        %get3A_1051 = arith.constant 0 : i32
        %get3A_1052 = arith.constant 0 : i32
        %get3A_1053 = tpu.memref_slice %arg6[%rem3A_723, %get3A_1051, %get3A_1052] : memref<2x256x128xf32, #tpu.memory_space<vmem>> -> memref<1x256x128xf32, #tpu.memory_space<vmem>>
        %get3A_1054 = tpu.memref_squeeze %get3A_1053 : memref<1x256x128xf32, #tpu.memory_space<vmem>> -> memref<256x128xf32, #tpu.memory_space<vmem>>
        %get3A_1055 = arith.index_cast %add3A_1050 : i32 to index
        %get3A_1056 = arith.constant 16 : index
        %get3A_1057 = tpu.vector_load %get3A_1054[%get3A_1055, %get3A_1056] {strides = array<i32>} : memref<256x128xf32, #tpu.memory_space<vmem>>, vector<16xf32>,
        tpu.vector_store_idx %arg7[%add3A_161, %add3A_1048], %get3A_1057 : memref<128x129xf32, #tpu.memory_space<vmem>>[vector<16xi32>, vector<16xi32>], vector<16xf32>,
        %add3A_1058 = arith.constant 3 : i32
        %add3A_1059 = arith.addi %add3A_1014, %add3A_1058 : i32
        %broadcast_in_dim3A_1060 = arith.constant 0 : i32
        %broadcast_in_dim3A_1061 = vector.broadcast %broadcast_in_dim3A_1060 : i32 to vector<16xi32>
        %add3A_1062 = vector.broadcast %add3A_1059 : i32 to vector<16xi32>
        %add3A_1063 = arith.addi %broadcast_in_dim3A_1061, %add3A_1062 : vector<16xi32>
        %add3A_1064 = arith.constant 0 : i32
        %add3A_1065 = arith.addi %add3A_1064, %add3A_1059 : i32
        %get3A_1066 = arith.constant 0 : i32
        %get3A_1067 = arith.constant 0 : i32
        %get3A_1068 = tpu.memref_slice %arg6[%rem3A_723, %get3A_1066, %get3A_1067] : memref<2x256x128xf32, #tpu.memory_space<vmem>> -> memref<1x256x128xf32, #tpu.memory_space<vmem>>
        %get3A_1069 = tpu.memref_squeeze %get3A_1068 : memref<1x256x128xf32, #tpu.memory_space<vmem>> -> memref<256x128xf32, #tpu.memory_space<vmem>>
        %get3A_1070 = arith.index_cast %add3A_1065 : i32 to index
        %get3A_1071 = arith.constant 16 : index
        %get3A_1072 = tpu.vector_load %get3A_1069[%get3A_1070, %get3A_1071] {strides = array<i32>} : memref<256x128xf32, #tpu.memory_space<vmem>>, vector<16xf32>,
        tpu.vector_store_idx %arg7[%add3A_161, %add3A_1063], %get3A_1072 : memref<128x129xf32, #tpu.memory_space<vmem>>[vector<16xi32>, vector<16xi32>], vector<16xf32>,
      }
      %scan3A_784 = arith.constant 32 : i32
      %scan3A_785 = arith.constant 0 : i32
      %scan3A_786 = arith.constant 32 : i32
      %scan3A_787 = arith.addi %scan3A_785, %scan3A_786 : i32
      %scan3A_788 = arith.constant 1 : i32
      scf.for %scan3A_1010 = %scan3A_785 to %scan3A_787 step %scan3A_788  : i32 {
        %mul3A_1011 = arith.constant 4 : i32
        %mul3A_1012 = arith.muli %scan3A_1010, %mul3A_1011 : i32
        %add3A_1013 = arith.constant 0 : i32
        %add3A_1014 = arith.addi %add3A_1013, %mul3A_1012 : i32
        %add3A_1015 = arith.constant 0 : i32
        %add3A_1016 = arith.addi %add3A_1014, %add3A_1015 : i32
        %broadcast_in_dim3A = arith.constant 0 : i32
        %broadcast_in_dim3A_1017 = vector.broadcast %broadcast_in_dim3A : i32 to vector<16xi32>
        %add3A_1018 = vector.broadcast %add3A_1016 : i32 to vector<16xi32>
        %add3A_1019 = arith.addi %broadcast_in_dim3A_1017, %add3A_1018 : vector<16xi32>
        %add3A_1020 = arith.constant 128 : i32
        %add3A_1021 = arith.addi %add3A_1020, %add3A_1016 : i32
        %get3A = arith.constant 0 : i32
        %get3A_1022 = arith.constant 0 : i32
        %get3A_1023 = tpu.memref_slice %arg6[%rem3A_723, %get3A, %get3A_1022] : memref<2x256x128xf32, #tpu.memory_space<vmem>> -> memref<1x256x128xf32, #tpu.memory_space<vmem>>
        %get3A_1024 = tpu.memref_squeeze %get3A_1023 : memref<1x256x128xf32, #tpu.memory_space<vmem>> -> memref<256x128xf32, #tpu.memory_space<vmem>>
        %get3A_1025 = arith.index_cast %add3A_1021 : i32 to index
        %get3A_1026 = arith.constant 16 : index
        %get3A_1027 = tpu.vector_load %get3A_1024[%get3A_1025, %get3A_1026] {strides = array<i32>} : memref<256x128xf32, #tpu.memory_space<vmem>>, vector<16xf32>,
        tpu.vector_store_idx %arg7[%add3A_208, %add3A_1019], %get3A_1027 : memref<128x129xf32, #tpu.memory_space<vmem>>[vector<16xi32>, vector<16xi32>], vector<16xf32>,
        %add3A_1028 = arith.constant 1 : i32
        %add3A_1029 = arith.addi %add3A_1014, %add3A_1028 : i32
        %broadcast_in_dim3A_1030 = arith.constant 0 : i32
        %broadcast_in_dim3A_1031 = vector.broadcast %broadcast_in_dim3A_1030 : i32 to vector<16xi32>
        %add3A_1032 = vector.broadcast %add3A_1029 : i32 to vector<16xi32>
        %add3A_1033 = arith.addi %broadcast_in_dim3A_1031, %add3A_1032 : vector<16xi32>
        %add3A_1034 = arith.constant 128 : i32
        %add3A_1035 = arith.addi %add3A_1034, %add3A_1029 : i32
        %get3A_1036 = arith.constant 0 : i32
        %get3A_1037 = arith.constant 0 : i32
        %get3A_1038 = tpu.memref_slice %arg6[%rem3A_723, %get3A_1036, %get3A_1037] : memref<2x256x128xf32, #tpu.memory_space<vmem>> -> memref<1x256x128xf32, #tpu.memory_space<vmem>>
        %get3A_1039 = tpu.memref_squeeze %get3A_1038 : memref<1x256x128xf32, #tpu.memory_space<vmem>> -> memref<256x128xf32, #tpu.memory_space<vmem>>
        %get3A_1040 = arith.index_cast %add3A_1035 : i32 to index
        %get3A_1041 = arith.constant 16 : index
        %get3A_1042 = tpu.vector_load %get3A_1039[%get3A_1040, %get3A_1041] {strides = array<i32>} : memref<256x128xf32, #tpu.memory_space<vmem>>, vector<16xf32>,
        tpu.vector_store_idx %arg7[%add3A_208, %add3A_1033], %get3A_1042 : memref<128x129xf32, #tpu.memory_space<vmem>>[vector<16xi32>, vector<16xi32>], vector<16xf32>,
        %add3A_1043 = arith.constant 2 : i32
        %add3A_1044 = arith.addi %add3A_1014, %add3A_1043 : i32
        %broadcast_in_dim3A_1045 = arith.constant 0 : i32
        %broadcast_in_dim3A_1046 = vector.broadcast %broadcast_in_dim3A_1045 : i32 to vector<16xi32>
        %add3A_1047 = vector.broadcast %add3A_1044 : i32 to vector<16xi32>
        %add3A_1048 = arith.addi %broadcast_in_dim3A_1046, %add3A_1047 : vector<16xi32>
        %add3A_1049 = arith.constant 128 : i32
        %add3A_1050 = arith.addi %add3A_1049, %add3A_1044 : i32
        %get3A_1051 = arith.constant 0 : i32
        %get3A_1052 = arith.constant 0 : i32
        %get3A_1053 = tpu.memref_slice %arg6[%rem3A_723, %get3A_1051, %get3A_1052] : memref<2x256x128xf32, #tpu.memory_space<vmem>> -> memref<1x256x128xf32, #tpu.memory_space<vmem>>
        %get3A_1054 = tpu.memref_squeeze %get3A_1053 : memref<1x256x128xf32, #tpu.memory_space<vmem>> -> memref<256x128xf32, #tpu.memory_space<vmem>>
        %get3A_1055 = arith.index_cast %add3A_1050 : i32 to index
        %get3A_1056 = arith.constant 16 : index
        %get3A_1057 = tpu.vector_load %get3A_1054[%get3A_1055, %get3A_1056] {strides = array<i32>} : memref<256x128xf32, #tpu.memory_space<vmem>>, vector<16xf32>,
        tpu.vector_store_idx %arg7[%add3A_208, %add3A_1048], %get3A_1057 : memref<128x129xf32, #tpu.memory_space<vmem>>[vector<16xi32>, vector<16xi32>], vector<16xf32>,
        %add3A_1058 = arith.constant 3 : i32
        %add3A_1059 = arith.addi %add3A_1014, %add3A_1058 : i32
        %broadcast_in_dim3A_1060 = arith.constant 0 : i32
        %broadcast_in_dim3A_1061 = vector.broadcast %broadcast_in_dim3A_1060 : i32 to vector<16xi32>
        %add3A_1062 = vector.broadcast %add3A_1059 : i32 to vector<16xi32>
        %add3A_1063 = arith.addi %broadcast_in_dim3A_1061, %add3A_1062 : vector<16xi32>
        %add3A_1064 = arith.constant 128 : i32
        %add3A_1065 = arith.addi %add3A_1064, %add3A_1059 : i32
        %get3A_1066 = arith.constant 0 : i32
        %get3A_1067 = arith.constant 0 : i32
        %get3A_1068 = tpu.memref_slice %arg6[%rem3A_723, %get3A_1066, %get3A_1067] : memref<2x256x128xf32, #tpu.memory_space<vmem>> -> memref<1x256x128xf32, #tpu.memory_space<vmem>>
        %get3A_1069 = tpu.memref_squeeze %get3A_1068 : memref<1x256x128xf32, #tpu.memory_space<vmem>> -> memref<256x128xf32, #tpu.memory_space<vmem>>
        %get3A_1070 = arith.index_cast %add3A_1065 : i32 to index
        %get3A_1071 = arith.constant 16 : index
        %get3A_1072 = tpu.vector_load %get3A_1069[%get3A_1070, %get3A_1071] {strides = array<i32>} : memref<256x128xf32, #tpu.memory_space<vmem>>, vector<16xf32>,
        tpu.vector_store_idx %arg7[%add3A_208, %add3A_1063], %get3A_1072 : memref<128x129xf32, #tpu.memory_space<vmem>>[vector<16xi32>, vector<16xi32>], vector<16xf32>,
      }
      %scan3A_789 = arith.constant 32 : i32
      %scan3A_790 = arith.constant 0 : i32
      %scan3A_791 = arith.constant 32 : i32
      %scan3A_792 = arith.addi %scan3A_790, %scan3A_791 : i32
      %scan3A_793 = arith.constant 1 : i32
      scf.for %scan3A_1010 = %scan3A_790 to %scan3A_792 step %scan3A_793  : i32 {
        %mul3A_1011 = arith.constant 4 : i32
        %mul3A_1012 = arith.muli %scan3A_1010, %mul3A_1011 : i32
        %add3A_1013 = arith.constant 0 : i32
        %add3A_1014 = arith.addi %add3A_1013, %mul3A_1012 : i32
        %add3A_1015 = arith.constant 0 : i32
        %add3A_1016 = arith.addi %add3A_1014, %add3A_1015 : i32
        %broadcast_in_dim3A = arith.constant 0 : i32
        %broadcast_in_dim3A_1017 = vector.broadcast %broadcast_in_dim3A : i32 to vector<16xi32>
        %add3A_1018 = vector.broadcast %add3A_1016 : i32 to vector<16xi32>
        %add3A_1019 = arith.addi %broadcast_in_dim3A_1017, %add3A_1018 : vector<16xi32>
        %add3A_1020 = arith.constant 0 : i32
        %add3A_1021 = arith.addi %add3A_1020, %add3A_1016 : i32
        %get3A = arith.constant 0 : i32
        %get3A_1022 = arith.constant 0 : i32
        %get3A_1023 = tpu.memref_slice %arg6[%rem3A_723, %get3A, %get3A_1022] : memref<2x256x128xf32, #tpu.memory_space<vmem>> -> memref<1x256x128xf32, #tpu.memory_space<vmem>>
        %get3A_1024 = tpu.memref_squeeze %get3A_1023 : memref<1x256x128xf32, #tpu.memory_space<vmem>> -> memref<256x128xf32, #tpu.memory_space<vmem>>
        %get3A_1025 = arith.index_cast %add3A_1021 : i32 to index
        %get3A_1026 = arith.constant 32 : index
        %get3A_1027 = tpu.vector_load %get3A_1024[%get3A_1025, %get3A_1026] {strides = array<i32>} : memref<256x128xf32, #tpu.memory_space<vmem>>, vector<16xf32>,
        tpu.vector_store_idx %arg7[%add3A_255, %add3A_1019], %get3A_1027 : memref<128x129xf32, #tpu.memory_space<vmem>>[vector<16xi32>, vector<16xi32>], vector<16xf32>,
        %add3A_1028 = arith.constant 1 : i32
        %add3A_1029 = arith.addi %add3A_1014, %add3A_1028 : i32
        %broadcast_in_dim3A_1030 = arith.constant 0 : i32
        %broadcast_in_dim3A_1031 = vector.broadcast %broadcast_in_dim3A_1030 : i32 to vector<16xi32>
        %add3A_1032 = vector.broadcast %add3A_1029 : i32 to vector<16xi32>
        %add3A_1033 = arith.addi %broadcast_in_dim3A_1031, %add3A_1032 : vector<16xi32>
        %add3A_1034 = arith.constant 0 : i32
        %add3A_1035 = arith.addi %add3A_1034, %add3A_1029 : i32
        %get3A_1036 = arith.constant 0 : i32
        %get3A_1037 = arith.constant 0 : i32
        %get3A_1038 = tpu.memref_slice %arg6[%rem3A_723, %get3A_1036, %get3A_1037] : memref<2x256x128xf32, #tpu.memory_space<vmem>> -> memref<1x256x128xf32, #tpu.memory_space<vmem>>
        %get3A_1039 = tpu.memref_squeeze %get3A_1038 : memref<1x256x128xf32, #tpu.memory_space<vmem>> -> memref<256x128xf32, #tpu.memory_space<vmem>>
        %get3A_1040 = arith.index_cast %add3A_1035 : i32 to index
        %get3A_1041 = arith.constant 32 : index
        %get3A_1042 = tpu.vector_load %get3A_1039[%get3A_1040, %get3A_1041] {strides = array<i32>} : memref<256x128xf32, #tpu.memory_space<vmem>>, vector<16xf32>,
        tpu.vector_store_idx %arg7[%add3A_255, %add3A_1033], %get3A_1042 : memref<128x129xf32, #tpu.memory_space<vmem>>[vector<16xi32>, vector<16xi32>], vector<16xf32>,
        %add3A_1043 = arith.constant 2 : i32
        %add3A_1044 = arith.addi %add3A_1014, %add3A_1043 : i32
        %broadcast_in_dim3A_1045 = arith.constant 0 : i32
        %broadcast_in_dim3A_1046 = vector.broadcast %broadcast_in_dim3A_1045 : i32 to vector<16xi32>
        %add3A_1047 = vector.broadcast %add3A_1044 : i32 to vector<16xi32>
        %add3A_1048 = arith.addi %broadcast_in_dim3A_1046, %add3A_1047 : vector<16xi32>
        %add3A_1049 = arith.constant 0 : i32
        %add3A_1050 = arith.addi %add3A_1049, %add3A_1044 : i32
        %get3A_1051 = arith.constant 0 : i32
        %get3A_1052 = arith.constant 0 : i32
        %get3A_1053 = tpu.memref_slice %arg6[%rem3A_723, %get3A_1051, %get3A_1052] : memref<2x256x128xf32, #tpu.memory_space<vmem>> -> memref<1x256x128xf32, #tpu.memory_space<vmem>>
        %get3A_1054 = tpu.memref_squeeze %get3A_1053 : memref<1x256x128xf32, #tpu.memory_space<vmem>> -> memref<256x128xf32, #tpu.memory_space<vmem>>
        %get3A_1055 = arith.index_cast %add3A_1050 : i32 to index
        %get3A_1056 = arith.constant 32 : index
        %get3A_1057 = tpu.vector_load %get3A_1054[%get3A_1055, %get3A_1056] {strides = array<i32>} : memref<256x128xf32, #tpu.memory_space<vmem>>, vector<16xf32>,
        tpu.vector_store_idx %arg7[%add3A_255, %add3A_1048], %get3A_1057 : memref<128x129xf32, #tpu.memory_space<vmem>>[vector<16xi32>, vector<16xi32>], vector<16xf32>,
        %add3A_1058 = arith.constant 3 : i32
        %add3A_1059 = arith.addi %add3A_1014, %add3A_1058 : i32
        %broadcast_in_dim3A_1060 = arith.constant 0 : i32
        %broadcast_in_dim3A_1061 = vector.broadcast %broadcast_in_dim3A_1060 : i32 to vector<16xi32>
        %add3A_1062 = vector.broadcast %add3A_1059 : i32 to vector<16xi32>
        %add3A_1063 = arith.addi %broadcast_in_dim3A_1061, %add3A_1062 : vector<16xi32>
        %add3A_1064 = arith.constant 0 : i32
        %add3A_1065 = arith.addi %add3A_1064, %add3A_1059 : i32
        %get3A_1066 = arith.constant 0 : i32
        %get3A_1067 = arith.constant 0 : i32
        %get3A_1068 = tpu.memref_slice %arg6[%rem3A_723, %get3A_1066, %get3A_1067] : memref<2x256x128xf32, #tpu.memory_space<vmem>> -> memref<1x256x128xf32, #tpu.memory_space<vmem>>
        %get3A_1069 = tpu.memref_squeeze %get3A_1068 : memref<1x256x128xf32, #tpu.memory_space<vmem>> -> memref<256x128xf32, #tpu.memory_space<vmem>>
        %get3A_1070 = arith.index_cast %add3A_1065 : i32 to index
        %get3A_1071 = arith.constant 32 : index
        %get3A_1072 = tpu.vector_load %get3A_1069[%get3A_1070, %get3A_1071] {strides = array<i32>} : memref<256x128xf32, #tpu.memory_space<vmem>>, vector<16xf32>,
        tpu.vector_store_idx %arg7[%add3A_255, %add3A_1063], %get3A_1072 : memref<128x129xf32, #tpu.memory_space<vmem>>[vector<16xi32>, vector<16xi32>], vector<16xf32>,
      }
      %scan3A_794 = arith.constant 32 : i32
      %scan3A_795 = arith.constant 0 : i32
      %scan3A_796 = arith.constant 32 : i32
      %scan3A_797 = arith.addi %scan3A_795, %scan3A_796 : i32
      %scan3A_798 = arith.constant 1 : i32
      scf.for %scan3A_1010 = %scan3A_795 to %scan3A_797 step %scan3A_798  : i32 {
        %mul3A_1011 = arith.constant 4 : i32
        %mul3A_1012 = arith.muli %scan3A_1010, %mul3A_1011 : i32
        %add3A_1013 = arith.constant 0 : i32
        %add3A_1014 = arith.addi %add3A_1013, %mul3A_1012 : i32
        %add3A_1015 = arith.constant 0 : i32
        %add3A_1016 = arith.addi %add3A_1014, %add3A_1015 : i32
        %broadcast_in_dim3A = arith.constant 0 : i32
        %broadcast_in_dim3A_1017 = vector.broadcast %broadcast_in_dim3A : i32 to vector<16xi32>
        %add3A_1018 = vector.broadcast %add3A_1016 : i32 to vector<16xi32>
        %add3A_1019 = arith.addi %broadcast_in_dim3A_1017, %add3A_1018 : vector<16xi32>
        %add3A_1020 = arith.constant 128 : i32
        %add3A_1021 = arith.addi %add3A_1020, %add3A_1016 : i32
        %get3A = arith.constant 0 : i32
        %get3A_1022 = arith.constant 0 : i32
        %get3A_1023 = tpu.memref_slice %arg6[%rem3A_723, %get3A, %get3A_1022] : memref<2x256x128xf32, #tpu.memory_space<vmem>> -> memref<1x256x128xf32, #tpu.memory_space<vmem>>
        %get3A_1024 = tpu.memref_squeeze %get3A_1023 : memref<1x256x128xf32, #tpu.memory_space<vmem>> -> memref<256x128xf32, #tpu.memory_space<vmem>>
        %get3A_1025 = arith.index_cast %add3A_1021 : i32 to index
        %get3A_1026 = arith.constant 32 : index
        %get3A_1027 = tpu.vector_load %get3A_1024[%get3A_1025, %get3A_1026] {strides = array<i32>} : memref<256x128xf32, #tpu.memory_space<vmem>>, vector<16xf32>,
        tpu.vector_store_idx %arg7[%add3A_302, %add3A_1019], %get3A_1027 : memref<128x129xf32, #tpu.memory_space<vmem>>[vector<16xi32>, vector<16xi32>], vector<16xf32>,
        %add3A_1028 = arith.constant 1 : i32
        %add3A_1029 = arith.addi %add3A_1014, %add3A_1028 : i32
        %broadcast_in_dim3A_1030 = arith.constant 0 : i32
        %broadcast_in_dim3A_1031 = vector.broadcast %broadcast_in_dim3A_1030 : i32 to vector<16xi32>
        %add3A_1032 = vector.broadcast %add3A_1029 : i32 to vector<16xi32>
        %add3A_1033 = arith.addi %broadcast_in_dim3A_1031, %add3A_1032 : vector<16xi32>
        %add3A_1034 = arith.constant 128 : i32
        %add3A_1035 = arith.addi %add3A_1034, %add3A_1029 : i32
        %get3A_1036 = arith.constant 0 : i32
        %get3A_1037 = arith.constant 0 : i32
        %get3A_1038 = tpu.memref_slice %arg6[%rem3A_723, %get3A_1036, %get3A_1037] : memref<2x256x128xf32, #tpu.memory_space<vmem>> -> memref<1x256x128xf32, #tpu.memory_space<vmem>>
        %get3A_1039 = tpu.memref_squeeze %get3A_1038 : memref<1x256x128xf32, #tpu.memory_space<vmem>> -> memref<256x128xf32, #tpu.memory_space<vmem>>
        %get3A_1040 = arith.index_cast %add3A_1035 : i32 to index
        %get3A_1041 = arith.constant 32 : index
        %get3A_1042 = tpu.vector_load %get3A_1039[%get3A_1040, %get3A_1041] {strides = array<i32>} : memref<256x128xf32, #tpu.memory_space<vmem>>, vector<16xf32>,
        tpu.vector_store_idx %arg7[%add3A_302, %add3A_1033], %get3A_1042 : memref<128x129xf32, #tpu.memory_space<vmem>>[vector<16xi32>, vector<16xi32>], vector<16xf32>,
        %add3A_1043 = arith.constant 2 : i32
        %add3A_1044 = arith.addi %add3A_1014, %add3A_1043 : i32
        %broadcast_in_dim3A_1045 = arith.constant 0 : i32
        %broadcast_in_dim3A_1046 = vector.broadcast %broadcast_in_dim3A_1045 : i32 to vector<16xi32>
        %add3A_1047 = vector.broadcast %add3A_1044 : i32 to vector<16xi32>
        %add3A_1048 = arith.addi %broadcast_in_dim3A_1046, %add3A_1047 : vector<16xi32>
        %add3A_1049 = arith.constant 128 : i32
        %add3A_1050 = arith.addi %add3A_1049, %add3A_1044 : i32
        %get3A_1051 = arith.constant 0 : i32
        %get3A_1052 = arith.constant 0 : i32
        %get3A_1053 = tpu.memref_slice %arg6[%rem3A_723, %get3A_1051, %get3A_1052] : memref<2x256x128xf32, #tpu.memory_space<vmem>> -> memref<1x256x128xf32, #tpu.memory_space<vmem>>
        %get3A_1054 = tpu.memref_squeeze %get3A_1053 : memref<1x256x128xf32, #tpu.memory_space<vmem>> -> memref<256x128xf32, #tpu.memory_space<vmem>>
        %get3A_1055 = arith.index_cast %add3A_1050 : i32 to index
        %get3A_1056 = arith.constant 32 : index
        %get3A_1057 = tpu.vector_load %get3A_1054[%get3A_1055, %get3A_1056] {strides = array<i32>} : memref<256x128xf32, #tpu.memory_space<vmem>>, vector<16xf32>,
        tpu.vector_store_idx %arg7[%add3A_302, %add3A_1048], %get3A_1057 : memref<128x129xf32, #tpu.memory_space<vmem>>[vector<16xi32>, vector<16xi32>], vector<16xf32>,
        %add3A_1058 = arith.constant 3 : i32
        %add3A_1059 = arith.addi %add3A_1014, %add3A_1058 : i32
        %broadcast_in_dim3A_1060 = arith.constant 0 : i32
        %broadcast_in_dim3A_1061 = vector.broadcast %broadcast_in_dim3A_1060 : i32 to vector<16xi32>
        %add3A_1062 = vector.broadcast %add3A_1059 : i32 to vector<16xi32>
        %add3A_1063 = arith.addi %broadcast_in_dim3A_1061, %add3A_1062 : vector<16xi32>
        %add3A_1064 = arith.constant 128 : i32
        %add3A_1065 = arith.addi %add3A_1064, %add3A_1059 : i32
        %get3A_1066 = arith.constant 0 : i32
        %get3A_1067 = arith.constant 0 : i32
        %get3A_1068 = tpu.memref_slice %arg6[%rem3A_723, %get3A_1066, %get3A_1067] : memref<2x256x128xf32, #tpu.memory_space<vmem>> -> memref<1x256x128xf32, #tpu.memory_space<vmem>>
        %get3A_1069 = tpu.memref_squeeze %get3A_1068 : memref<1x256x128xf32, #tpu.memory_space<vmem>> -> memref<256x128xf32, #tpu.memory_space<vmem>>
        %get3A_1070 = arith.index_cast %add3A_1065 : i32 to index
        %get3A_1071 = arith.constant 32 : index
        %get3A_1072 = tpu.vector_load %get3A_1069[%get3A_1070, %get3A_1071] {strides = array<i32>} : memref<256x128xf32, #tpu.memory_space<vmem>>, vector<16xf32>,
        tpu.vector_store_idx %arg7[%add3A_302, %add3A_1063], %get3A_1072 : memref<128x129xf32, #tpu.memory_space<vmem>>[vector<16xi32>, vector<16xi32>], vector<16xf32>,
      }
      %scan3A_799 = arith.constant 32 : i32
      %scan3A_800 = arith.constant 0 : i32
      %scan3A_801 = arith.constant 32 : i32
      %scan3A_802 = arith.addi %scan3A_800, %scan3A_801 : i32
      %scan3A_803 = arith.constant 1 : i32
      scf.for %scan3A_1010 = %scan3A_800 to %scan3A_802 step %scan3A_803  : i32 {
        %mul3A_1011 = arith.constant 4 : i32
        %mul3A_1012 = arith.muli %scan3A_1010, %mul3A_1011 : i32
        %add3A_1013 = arith.constant 0 : i32
        %add3A_1014 = arith.addi %add3A_1013, %mul3A_1012 : i32
        %add3A_1015 = arith.constant 0 : i32
        %add3A_1016 = arith.addi %add3A_1014, %add3A_1015 : i32
        %broadcast_in_dim3A = arith.constant 0 : i32
        %broadcast_in_dim3A_1017 = vector.broadcast %broadcast_in_dim3A : i32 to vector<16xi32>
        %add3A_1018 = vector.broadcast %add3A_1016 : i32 to vector<16xi32>
        %add3A_1019 = arith.addi %broadcast_in_dim3A_1017, %add3A_1018 : vector<16xi32>
        %add3A_1020 = arith.constant 0 : i32
        %add3A_1021 = arith.addi %add3A_1020, %add3A_1016 : i32
        %get3A = arith.constant 0 : i32
        %get3A_1022 = arith.constant 0 : i32
        %get3A_1023 = tpu.memref_slice %arg6[%rem3A_723, %get3A, %get3A_1022] : memref<2x256x128xf32, #tpu.memory_space<vmem>> -> memref<1x256x128xf32, #tpu.memory_space<vmem>>
        %get3A_1024 = tpu.memref_squeeze %get3A_1023 : memref<1x256x128xf32, #tpu.memory_space<vmem>> -> memref<256x128xf32, #tpu.memory_space<vmem>>
        %get3A_1025 = arith.index_cast %add3A_1021 : i32 to index
        %get3A_1026 = arith.constant 48 : index
        %get3A_1027 = tpu.vector_load %get3A_1024[%get3A_1025, %get3A_1026] {strides = array<i32>} : memref<256x128xf32, #tpu.memory_space<vmem>>, vector<16xf32>,
        tpu.vector_store_idx %arg7[%add3A_349, %add3A_1019], %get3A_1027 : memref<128x129xf32, #tpu.memory_space<vmem>>[vector<16xi32>, vector<16xi32>], vector<16xf32>,
        %add3A_1028 = arith.constant 1 : i32
        %add3A_1029 = arith.addi %add3A_1014, %add3A_1028 : i32
        %broadcast_in_dim3A_1030 = arith.constant 0 : i32
        %broadcast_in_dim3A_1031 = vector.broadcast %broadcast_in_dim3A_1030 : i32 to vector<16xi32>
        %add3A_1032 = vector.broadcast %add3A_1029 : i32 to vector<16xi32>
        %add3A_1033 = arith.addi %broadcast_in_dim3A_1031, %add3A_1032 : vector<16xi32>
        %add3A_1034 = arith.constant 0 : i32
        %add3A_1035 = arith.addi %add3A_1034, %add3A_1029 : i32
        %get3A_1036 = arith.constant 0 : i32
        %get3A_1037 = arith.constant 0 : i32
        %get3A_1038 = tpu.memref_slice %arg6[%rem3A_723, %get3A_1036, %get3A_1037] : memref<2x256x128xf32, #tpu.memory_space<vmem>> -> memref<1x256x128xf32, #tpu.memory_space<vmem>>
        %get3A_1039 = tpu.memref_squeeze %get3A_1038 : memref<1x256x128xf32, #tpu.memory_space<vmem>> -> memref<256x128xf32, #tpu.memory_space<vmem>>
        %get3A_1040 = arith.index_cast %add3A_1035 : i32 to index
        %get3A_1041 = arith.constant 48 : index
        %get3A_1042 = tpu.vector_load %get3A_1039[%get3A_1040, %get3A_1041] {strides = array<i32>} : memref<256x128xf32, #tpu.memory_space<vmem>>, vector<16xf32>,
        tpu.vector_store_idx %arg7[%add3A_349, %add3A_1033], %get3A_1042 : memref<128x129xf32, #tpu.memory_space<vmem>>[vector<16xi32>, vector<16xi32>], vector<16xf32>,
        %add3A_1043 = arith.constant 2 : i32
        %add3A_1044 = arith.addi %add3A_1014, %add3A_1043 : i32
        %broadcast_in_dim3A_1045 = arith.constant 0 : i32
        %broadcast_in_dim3A_1046 = vector.broadcast %broadcast_in_dim3A_1045 : i32 to vector<16xi32>
        %add3A_1047 = vector.broadcast %add3A_1044 : i32 to vector<16xi32>
        %add3A_1048 = arith.addi %broadcast_in_dim3A_1046, %add3A_1047 : vector<16xi32>
        %add3A_1049 = arith.constant 0 : i32
        %add3A_1050 = arith.addi %add3A_1049, %add3A_1044 : i32
        %get3A_1051 = arith.constant 0 : i32
        %get3A_1052 = arith.constant 0 : i32
        %get3A_1053 = tpu.memref_slice %arg6[%rem3A_723, %get3A_1051, %get3A_1052] : memref<2x256x128xf32, #tpu.memory_space<vmem>> -> memref<1x256x128xf32, #tpu.memory_space<vmem>>
        %get3A_1054 = tpu.memref_squeeze %get3A_1053 : memref<1x256x128xf32, #tpu.memory_space<vmem>> -> memref<256x128xf32, #tpu.memory_space<vmem>>
        %get3A_1055 = arith.index_cast %add3A_1050 : i32 to index
        %get3A_1056 = arith.constant 48 : index
        %get3A_1057 = tpu.vector_load %get3A_1054[%get3A_1055, %get3A_1056] {strides = array<i32>} : memref<256x128xf32, #tpu.memory_space<vmem>>, vector<16xf32>,
        tpu.vector_store_idx %arg7[%add3A_349, %add3A_1048], %get3A_1057 : memref<128x129xf32, #tpu.memory_space<vmem>>[vector<16xi32>, vector<16xi32>], vector<16xf32>,
        %add3A_1058 = arith.constant 3 : i32
        %add3A_1059 = arith.addi %add3A_1014, %add3A_1058 : i32
        %broadcast_in_dim3A_1060 = arith.constant 0 : i32
        %broadcast_in_dim3A_1061 = vector.broadcast %broadcast_in_dim3A_1060 : i32 to vector<16xi32>
        %add3A_1062 = vector.broadcast %add3A_1059 : i32 to vector<16xi32>
        %add3A_1063 = arith.addi %broadcast_in_dim3A_1061, %add3A_1062 : vector<16xi32>
        %add3A_1064 = arith.constant 0 : i32
        %add3A_1065 = arith.addi %add3A_1064, %add3A_1059 : i32
        %get3A_1066 = arith.constant 0 : i32
        %get3A_1067 = arith.constant 0 : i32
        %get3A_1068 = tpu.memref_slice %arg6[%rem3A_723, %get3A_1066, %get3A_1067] : memref<2x256x128xf32, #tpu.memory_space<vmem>> -> memref<1x256x128xf32, #tpu.memory_space<vmem>>
        %get3A_1069 = tpu.memref_squeeze %get3A_1068 : memref<1x256x128xf32, #tpu.memory_space<vmem>> -> memref<256x128xf32, #tpu.memory_space<vmem>>
        %get3A_1070 = arith.index_cast %add3A_1065 : i32 to index
        %get3A_1071 = arith.constant 48 : index
        %get3A_1072 = tpu.vector_load %get3A_1069[%get3A_1070, %get3A_1071] {strides = array<i32>} : memref<256x128xf32, #tpu.memory_space<vmem>>, vector<16xf32>,
        tpu.vector_store_idx %arg7[%add3A_349, %add3A_1063], %get3A_1072 : memref<128x129xf32, #tpu.memory_space<vmem>>[vector<16xi32>, vector<16xi32>], vector<16xf32>,
      }
      %scan3A_804 = arith.constant 32 : i32
      %scan3A_805 = arith.constant 0 : i32
      %scan3A_806 = arith.constant 32 : i32
      %scan3A_807 = arith.addi %scan3A_805, %scan3A_806 : i32
      %scan3A_808 = arith.constant 1 : i32
      scf.for %scan3A_1010 = %scan3A_805 to %scan3A_807 step %scan3A_808  : i32 {
        %mul3A_1011 = arith.constant 4 : i32
        %mul3A_1012 = arith.muli %scan3A_1010, %mul3A_1011 : i32
        %add3A_1013 = arith.constant 0 : i32
        %add3A_1014 = arith.addi %add3A_1013, %mul3A_1012 : i32
        %add3A_1015 = arith.constant 0 : i32
        %add3A_1016 = arith.addi %add3A_1014, %add3A_1015 : i32
        %broadcast_in_dim3A = arith.constant 0 : i32
        %broadcast_in_dim3A_1017 = vector.broadcast %broadcast_in_dim3A : i32 to vector<16xi32>
        %add3A_1018 = vector.broadcast %add3A_1016 : i32 to vector<16xi32>
        %add3A_1019 = arith.addi %broadcast_in_dim3A_1017, %add3A_1018 : vector<16xi32>
        %add3A_1020 = arith.constant 128 : i32
        %add3A_1021 = arith.addi %add3A_1020, %add3A_1016 : i32
        %get3A = arith.constant 0 : i32
        %get3A_1022 = arith.constant 0 : i32
        %get3A_1023 = tpu.memref_slice %arg6[%rem3A_723, %get3A, %get3A_1022] : memref<2x256x128xf32, #tpu.memory_space<vmem>> -> memref<1x256x128xf32, #tpu.memory_space<vmem>>
        %get3A_1024 = tpu.memref_squeeze %get3A_1023 : memref<1x256x128xf32, #tpu.memory_space<vmem>> -> memref<256x128xf32, #tpu.memory_space<vmem>>
        %get3A_1025 = arith.index_cast %add3A_1021 : i32 to index
        %get3A_1026 = arith.constant 48 : index
        %get3A_1027 = tpu.vector_load %get3A_1024[%get3A_1025, %get3A_1026] {strides = array<i32>} : memref<256x128xf32, #tpu.memory_space<vmem>>, vector<16xf32>,
        tpu.vector_store_idx %arg7[%add3A_396, %add3A_1019], %get3A_1027 : memref<128x129xf32, #tpu.memory_space<vmem>>[vector<16xi32>, vector<16xi32>], vector<16xf32>,
        %add3A_1028 = arith.constant 1 : i32
        %add3A_1029 = arith.addi %add3A_1014, %add3A_1028 : i32
        %broadcast_in_dim3A_1030 = arith.constant 0 : i32
        %broadcast_in_dim3A_1031 = vector.broadcast %broadcast_in_dim3A_1030 : i32 to vector<16xi32>
        %add3A_1032 = vector.broadcast %add3A_1029 : i32 to vector<16xi32>
        %add3A_1033 = arith.addi %broadcast_in_dim3A_1031, %add3A_1032 : vector<16xi32>
        %add3A_1034 = arith.constant 128 : i32
        %add3A_1035 = arith.addi %add3A_1034, %add3A_1029 : i32
        %get3A_1036 = arith.constant 0 : i32
        %get3A_1037 = arith.constant 0 : i32
        %get3A_1038 = tpu.memref_slice %arg6[%rem3A_723, %get3A_1036, %get3A_1037] : memref<2x256x128xf32, #tpu.memory_space<vmem>> -> memref<1x256x128xf32, #tpu.memory_space<vmem>>
        %get3A_1039 = tpu.memref_squeeze %get3A_1038 : memref<1x256x128xf32, #tpu.memory_space<vmem>> -> memref<256x128xf32, #tpu.memory_space<vmem>>
        %get3A_1040 = arith.index_cast %add3A_1035 : i32 to index
        %get3A_1041 = arith.constant 48 : index
        %get3A_1042 = tpu.vector_load %get3A_1039[%get3A_1040, %get3A_1041] {strides = array<i32>} : memref<256x128xf32, #tpu.memory_space<vmem>>, vector<16xf32>,
        tpu.vector_store_idx %arg7[%add3A_396, %add3A_1033], %get3A_1042 : memref<128x129xf32, #tpu.memory_space<vmem>>[vector<16xi32>, vector<16xi32>], vector<16xf32>,
        %add3A_1043 = arith.constant 2 : i32
        %add3A_1044 = arith.addi %add3A_1014, %add3A_1043 : i32
        %broadcast_in_dim3A_1045 = arith.constant 0 : i32
        %broadcast_in_dim3A_1046 = vector.broadcast %broadcast_in_dim3A_1045 : i32 to vector<16xi32>
        %add3A_1047 = vector.broadcast %add3A_1044 : i32 to vector<16xi32>
        %add3A_1048 = arith.addi %broadcast_in_dim3A_1046, %add3A_1047 : vector<16xi32>
        %add3A_1049 = arith.constant 128 : i32
        %add3A_1050 = arith.addi %add3A_1049, %add3A_1044 : i32
        %get3A_1051 = arith.constant 0 : i32
        %get3A_1052 = arith.constant 0 : i32
        %get3A_1053 = tpu.memref_slice %arg6[%rem3A_723, %get3A_1051, %get3A_1052] : memref<2x256x128xf32, #tpu.memory_space<vmem>> -> memref<1x256x128xf32, #tpu.memory_space<vmem>>
        %get3A_1054 = tpu.memref_squeeze %get3A_1053 : memref<1x256x128xf32, #tpu.memory_space<vmem>> -> memref<256x128xf32, #tpu.memory_space<vmem>>
        %get3A_1055 = arith.index_cast %add3A_1050 : i32 to index
        %get3A_1056 = arith.constant 48 : index
        %get3A_1057 = tpu.vector_load %get3A_1054[%get3A_1055, %get3A_1056] {strides = array<i32>} : memref<256x128xf32, #tpu.memory_space<vmem>>, vector<16xf32>,
        tpu.vector_store_idx %arg7[%add3A_396, %add3A_1048], %get3A_1057 : memref<128x129xf32, #tpu.memory_space<vmem>>[vector<16xi32>, vector<16xi32>], vector<16xf32>,
        %add3A_1058 = arith.constant 3 : i32
        %add3A_1059 = arith.addi %add3A_1014, %add3A_1058 : i32
        %broadcast_in_dim3A_1060 = arith.constant 0 : i32
        %broadcast_in_dim3A_1061 = vector.broadcast %broadcast_in_dim3A_1060 : i32 to vector<16xi32>
        %add3A_1062 = vector.broadcast %add3A_1059 : i32 to vector<16xi32>
        %add3A_1063 = arith.addi %broadcast_in_dim3A_1061, %add3A_1062 : vector<16xi32>
        %add3A_1064 = arith.constant 128 : i32
        %add3A_1065 = arith.addi %add3A_1064, %add3A_1059 : i32
        %get3A_1066 = arith.constant 0 : i32
        %get3A_1067 = arith.constant 0 : i32
        %get3A_1068 = tpu.memref_slice %arg6[%rem3A_723, %get3A_1066, %get3A_1067] : memref<2x256x128xf32, #tpu.memory_space<vmem>> -> memref<1x256x128xf32, #tpu.memory_space<vmem>>
        %get3A_1069 = tpu.memref_squeeze %get3A_1068 : memref<1x256x128xf32, #tpu.memory_space<vmem>> -> memref<256x128xf32, #tpu.memory_space<vmem>>
        %get3A_1070 = arith.index_cast %add3A_1065 : i32 to index
        %get3A_1071 = arith.constant 48 : index
        %get3A_1072 = tpu.vector_load %get3A_1069[%get3A_1070, %get3A_1071] {strides = array<i32>} : memref<256x128xf32, #tpu.memory_space<vmem>>, vector<16xf32>,
        tpu.vector_store_idx %arg7[%add3A_396, %add3A_1063], %get3A_1072 : memref<128x129xf32, #tpu.memory_space<vmem>>[vector<16xi32>, vector<16xi32>], vector<16xf32>,
      }
      %scan3A_809 = arith.constant 32 : i32
      %add3A_810 = arith.addi %mul3A_20, %add3A_721 : i32
      %mul3A_811 = arith.constant 2 : i32
      %mul3A_812 = arith.muli %rem3A_1, %mul3A_811 : i32
      %add3A_813 = arith.constant 0 : i32
      %add3A_814 = arith.addi %add3A_813, %mul3A_812 : i32
      %mul3A_815 = arith.constant 8 : i32
      %mul3A_816 = arith.muli %add3A_814, %mul3A_815 : i32
      %dma_start3A_817 = arith.constant 0 : i32
      %dma_start3A_818 = arith.constant 0 : i32
      %dma_start3A_819 = tpu.memref_slice %arg7[%dma_start3A_817, %dma_start3A_818] : memref<128x129xf32, #tpu.memory_space<vmem>> -> memref<16x128xf32, #tpu.memory_space<vmem>>
      %dma_start3A_820 = arith.constant 0 : i32
      %dma_start3A_821 = arith.constant 0 : i32
      %dma_start3A_822 = tpu.memref_slice %arg4[%add3A_810, %dma_start3A_820, %dma_start3A_821] : memref<200x2048x128xf32, #tpu.memory_space<hbm>> -> memref<1x2048x128xf32, #tpu.memory_space<hbm>>
      %dma_start3A_823 = tpu.memref_squeeze %dma_start3A_822 : memref<1x2048x128xf32, #tpu.memory_space<hbm>> -> memref<2048x128xf32, #tpu.memory_space<hbm>>
      %dma_start3A_824 = arith.constant 0 : i32
      %dma_start3A_825 = tpu.memref_slice %dma_start3A_823[%mul3A_816, %dma_start3A_824] : memref<2048x128xf32, #tpu.memory_space<hbm>> -> memref<16x128xf32, #tpu.memory_space<hbm>>
      %dma_start3A_826 = arith.constant 0 : i32
      %dma_start3A_827 = arith.constant 0 : i32
      %dma_start3A_828 = tpu.memref_slice %arg4[%add3A_810, %dma_start3A_826, %dma_start3A_827] : memref<200x2048x128xf32, #tpu.memory_space<hbm>> -> memref<1x2048x128xf32, #tpu.memory_space<hbm>>
      %dma_start3A_829 = tpu.memref_squeeze %dma_start3A_828 : memref<1x2048x128xf32, #tpu.memory_space<hbm>> -> memref<2048x128xf32, #tpu.memory_space<hbm>>
      %dma_start3A_830 = arith.constant 0 : i32
      %dma_start3A_831 = tpu.memref_slice %dma_start3A_829[%mul3A_816, %dma_start3A_830] : memref<2048x128xf32, #tpu.memory_space<hbm>> -> memref<16x128xf32, #tpu.memory_space<hbm>>
      %dma_start3A_832 = arith.constant 0 : i32
      %dma_start3A_833 = arith.constant 0 : i32
      %dma_start3A_834 = tpu.memref_slice %arg7[%dma_start3A_832, %dma_start3A_833] : memref<128x129xf32, #tpu.memory_space<vmem>> -> memref<16x128xf32, #tpu.memory_space<vmem>>
      tpu.enqueue_dma source(%dma_start3A_834 : memref<16x128xf32, #tpu.memory_space<vmem>>) target(%dma_start3A_831 : memref<16x128xf32, #tpu.memory_space<hbm>>) target_semaphore(%arg10 : memref<!tpu.dma_semaphore, #tpu.memory_space<semaphore_mem>>)
      %add3A_835 = arith.addi %mul3A_20, %add3A_721 : i32
      %mul3A_836 = arith.constant 2 : i32
      %mul3A_837 = arith.muli %rem3A_1, %mul3A_836 : i32
      %add3A_838 = arith.constant 32 : i32
      %add3A_839 = arith.addi %add3A_838, %mul3A_837 : i32
      %mul3A_840 = arith.constant 8 : i32
      %mul3A_841 = arith.muli %add3A_839, %mul3A_840 : i32
      %dma_start3A_842 = arith.constant 16 : i32
      %dma_start3A_843 = arith.constant 0 : i32
      %dma_start3A_844 = tpu.memref_slice %arg7[%dma_start3A_842, %dma_start3A_843] : memref<128x129xf32, #tpu.memory_space<vmem>> -> memref<16x128xf32, #tpu.memory_space<vmem>>
      %dma_start3A_845 = arith.constant 0 : i32
      %dma_start3A_846 = arith.constant 0 : i32
      %dma_start3A_847 = tpu.memref_slice %arg4[%add3A_835, %dma_start3A_845, %dma_start3A_846] : memref<200x2048x128xf32, #tpu.memory_space<hbm>> -> memref<1x2048x128xf32, #tpu.memory_space<hbm>>
      %dma_start3A_848 = tpu.memref_squeeze %dma_start3A_847 : memref<1x2048x128xf32, #tpu.memory_space<hbm>> -> memref<2048x128xf32, #tpu.memory_space<hbm>>
      %dma_start3A_849 = arith.constant 0 : i32
      %dma_start3A_850 = tpu.memref_slice %dma_start3A_848[%mul3A_841, %dma_start3A_849] : memref<2048x128xf32, #tpu.memory_space<hbm>> -> memref<16x128xf32, #tpu.memory_space<hbm>>
      %dma_start3A_851 = arith.constant 0 : i32
      %dma_start3A_852 = arith.constant 0 : i32
      %dma_start3A_853 = tpu.memref_slice %arg4[%add3A_835, %dma_start3A_851, %dma_start3A_852] : memref<200x2048x128xf32, #tpu.memory_space<hbm>> -> memref<1x2048x128xf32, #tpu.memory_space<hbm>>
      %dma_start3A_854 = tpu.memref_squeeze %dma_start3A_853 : memref<1x2048x128xf32, #tpu.memory_space<hbm>> -> memref<2048x128xf32, #tpu.memory_space<hbm>>
      %dma_start3A_855 = arith.constant 0 : i32
      %dma_start3A_856 = tpu.memref_slice %dma_start3A_854[%mul3A_841, %dma_start3A_855] : memref<2048x128xf32, #tpu.memory_space<hbm>> -> memref<16x128xf32, #tpu.memory_space<hbm>>
      %dma_start3A_857 = arith.constant 16 : i32
      %dma_start3A_858 = arith.constant 0 : i32
      %dma_start3A_859 = tpu.memref_slice %arg7[%dma_start3A_857, %dma_start3A_858] : memref<128x129xf32, #tpu.memory_space<vmem>> -> memref<16x128xf32, #tpu.memory_space<vmem>>
      tpu.enqueue_dma source(%dma_start3A_859 : memref<16x128xf32, #tpu.memory_space<vmem>>) target(%dma_start3A_856 : memref<16x128xf32, #tpu.memory_space<hbm>>) target_semaphore(%arg10 : memref<!tpu.dma_semaphore, #tpu.memory_space<semaphore_mem>>)
      %add3A_860 = arith.addi %mul3A_20, %add3A_721 : i32
      %mul3A_861 = arith.constant 2 : i32
      %mul3A_862 = arith.muli %rem3A_1, %mul3A_861 : i32
      %add3A_863 = arith.constant 64 : i32
      %add3A_864 = arith.addi %add3A_863, %mul3A_862 : i32
      %mul3A_865 = arith.constant 8 : i32
      %mul3A_866 = arith.muli %add3A_864, %mul3A_865 : i32
      %dma_start3A_867 = arith.constant 32 : i32
      %dma_start3A_868 = arith.constant 0 : i32
      %dma_start3A_869 = tpu.memref_slice %arg7[%dma_start3A_867, %dma_start3A_868] : memref<128x129xf32, #tpu.memory_space<vmem>> -> memref<16x128xf32, #tpu.memory_space<vmem>>
      %dma_start3A_870 = arith.constant 0 : i32
      %dma_start3A_871 = arith.constant 0 : i32
      %dma_start3A_872 = tpu.memref_slice %arg4[%add3A_860, %dma_start3A_870, %dma_start3A_871] : memref<200x2048x128xf32, #tpu.memory_space<hbm>> -> memref<1x2048x128xf32, #tpu.memory_space<hbm>>
      %dma_start3A_873 = tpu.memref_squeeze %dma_start3A_872 : memref<1x2048x128xf32, #tpu.memory_space<hbm>> -> memref<2048x128xf32, #tpu.memory_space<hbm>>
      %dma_start3A_874 = arith.constant 0 : i32
      %dma_start3A_875 = tpu.memref_slice %dma_start3A_873[%mul3A_866, %dma_start3A_874] : memref<2048x128xf32, #tpu.memory_space<hbm>> -> memref<16x128xf32, #tpu.memory_space<hbm>>
      %dma_start3A_876 = arith.constant 0 : i32
      %dma_start3A_877 = arith.constant 0 : i32
      %dma_start3A_878 = tpu.memref_slice %arg4[%add3A_860, %dma_start3A_876, %dma_start3A_877] : memref<200x2048x128xf32, #tpu.memory_space<hbm>> -> memref<1x2048x128xf32, #tpu.memory_space<hbm>>
      %dma_start3A_879 = tpu.memref_squeeze %dma_start3A_878 : memref<1x2048x128xf32, #tpu.memory_space<hbm>> -> memref<2048x128xf32, #tpu.memory_space<hbm>>
      %dma_start3A_880 = arith.constant 0 : i32
      %dma_start3A_881 = tpu.memref_slice %dma_start3A_879[%mul3A_866, %dma_start3A_880] : memref<2048x128xf32, #tpu.memory_space<hbm>> -> memref<16x128xf32, #tpu.memory_space<hbm>>
      %dma_start3A_882 = arith.constant 32 : i32
      %dma_start3A_883 = arith.constant 0 : i32
      %dma_start3A_884 = tpu.memref_slice %arg7[%dma_start3A_882, %dma_start3A_883] : memref<128x129xf32, #tpu.memory_space<vmem>> -> memref<16x128xf32, #tpu.memory_space<vmem>>
      tpu.enqueue_dma source(%dma_start3A_884 : memref<16x128xf32, #tpu.memory_space<vmem>>) target(%dma_start3A_881 : memref<16x128xf32, #tpu.memory_space<hbm>>) target_semaphore(%arg10 : memref<!tpu.dma_semaphore, #tpu.memory_space<semaphore_mem>>)
      %add3A_885 = arith.addi %mul3A_20, %add3A_721 : i32
      %mul3A_886 = arith.constant 2 : i32
      %mul3A_887 = arith.muli %rem3A_1, %mul3A_886 : i32
      %add3A_888 = arith.constant 96 : i32
      %add3A_889 = arith.addi %add3A_888, %mul3A_887 : i32
      %mul3A_890 = arith.constant 8 : i32
      %mul3A_891 = arith.muli %add3A_889, %mul3A_890 : i32
      %dma_start3A_892 = arith.constant 48 : i32
      %dma_start3A_893 = arith.constant 0 : i32
      %dma_start3A_894 = tpu.memref_slice %arg7[%dma_start3A_892, %dma_start3A_893] : memref<128x129xf32, #tpu.memory_space<vmem>> -> memref<16x128xf32, #tpu.memory_space<vmem>>
      %dma_start3A_895 = arith.constant 0 : i32
      %dma_start3A_896 = arith.constant 0 : i32
      %dma_start3A_897 = tpu.memref_slice %arg4[%add3A_885, %dma_start3A_895, %dma_start3A_896] : memref<200x2048x128xf32, #tpu.memory_space<hbm>> -> memref<1x2048x128xf32, #tpu.memory_space<hbm>>
      %dma_start3A_898 = tpu.memref_squeeze %dma_start3A_897 : memref<1x2048x128xf32, #tpu.memory_space<hbm>> -> memref<2048x128xf32, #tpu.memory_space<hbm>>
      %dma_start3A_899 = arith.constant 0 : i32
      %dma_start3A_900 = tpu.memref_slice %dma_start3A_898[%mul3A_891, %dma_start3A_899] : memref<2048x128xf32, #tpu.memory_space<hbm>> -> memref<16x128xf32, #tpu.memory_space<hbm>>
      %dma_start3A_901 = arith.constant 0 : i32
      %dma_start3A_902 = arith.constant 0 : i32
      %dma_start3A_903 = tpu.memref_slice %arg4[%add3A_885, %dma_start3A_901, %dma_start3A_902] : memref<200x2048x128xf32, #tpu.memory_space<hbm>> -> memref<1x2048x128xf32, #tpu.memory_space<hbm>>
      %dma_start3A_904 = tpu.memref_squeeze %dma_start3A_903 : memref<1x2048x128xf32, #tpu.memory_space<hbm>> -> memref<2048x128xf32, #tpu.memory_space<hbm>>
      %dma_start3A_905 = arith.constant 0 : i32
      %dma_start3A_906 = tpu.memref_slice %dma_start3A_904[%mul3A_891, %dma_start3A_905] : memref<2048x128xf32, #tpu.memory_space<hbm>> -> memref<16x128xf32, #tpu.memory_space<hbm>>
      %dma_start3A_907 = arith.constant 48 : i32
      %dma_start3A_908 = arith.constant 0 : i32
      %dma_start3A_909 = tpu.memref_slice %arg7[%dma_start3A_907, %dma_start3A_908] : memref<128x129xf32, #tpu.memory_space<vmem>> -> memref<16x128xf32, #tpu.memory_space<vmem>>
      tpu.enqueue_dma source(%dma_start3A_909 : memref<16x128xf32, #tpu.memory_space<vmem>>) target(%dma_start3A_906 : memref<16x128xf32, #tpu.memory_space<hbm>>) target_semaphore(%arg10 : memref<!tpu.dma_semaphore, #tpu.memory_space<semaphore_mem>>)
      %add3A_910 = arith.addi %mul3A_20, %add3A_721 : i32
      %mul3A_911 = arith.constant 2 : i32
      %mul3A_912 = arith.muli %rem3A_1, %mul3A_911 : i32
      %add3A_913 = arith.constant 128 : i32
      %add3A_914 = arith.addi %add3A_913, %mul3A_912 : i32
      %mul3A_915 = arith.constant 8 : i32
      %mul3A_916 = arith.muli %add3A_914, %mul3A_915 : i32
      %dma_start3A_917 = arith.constant 64 : i32
      %dma_start3A_918 = arith.constant 0 : i32
      %dma_start3A_919 = tpu.memref_slice %arg7[%dma_start3A_917, %dma_start3A_918] : memref<128x129xf32, #tpu.memory_space<vmem>> -> memref<16x128xf32, #tpu.memory_space<vmem>>
      %dma_start3A_920 = arith.constant 0 : i32
      %dma_start3A_921 = arith.constant 0 : i32
      %dma_start3A_922 = tpu.memref_slice %arg4[%add3A_910, %dma_start3A_920, %dma_start3A_921] : memref<200x2048x128xf32, #tpu.memory_space<hbm>> -> memref<1x2048x128xf32, #tpu.memory_space<hbm>>
      %dma_start3A_923 = tpu.memref_squeeze %dma_start3A_922 : memref<1x2048x128xf32, #tpu.memory_space<hbm>> -> memref<2048x128xf32, #tpu.memory_space<hbm>>
      %dma_start3A_924 = arith.constant 0 : i32
      %dma_start3A_925 = tpu.memref_slice %dma_start3A_923[%mul3A_916, %dma_start3A_924] : memref<2048x128xf32, #tpu.memory_space<hbm>> -> memref<16x128xf32, #tpu.memory_space<hbm>>
      %dma_start3A_926 = arith.constant 0 : i32
      %dma_start3A_927 = arith.constant 0 : i32
      %dma_start3A_928 = tpu.memref_slice %arg4[%add3A_910, %dma_start3A_926, %dma_start3A_927] : memref<200x2048x128xf32, #tpu.memory_space<hbm>> -> memref<1x2048x128xf32, #tpu.memory_space<hbm>>
      %dma_start3A_929 = tpu.memref_squeeze %dma_start3A_928 : memref<1x2048x128xf32, #tpu.memory_space<hbm>> -> memref<2048x128xf32, #tpu.memory_space<hbm>>
      %dma_start3A_930 = arith.constant 0 : i32
      %dma_start3A_931 = tpu.memref_slice %dma_start3A_929[%mul3A_916, %dma_start3A_930] : memref<2048x128xf32, #tpu.memory_space<hbm>> -> memref<16x128xf32, #tpu.memory_space<hbm>>
      %dma_start3A_932 = arith.constant 64 : i32
      %dma_start3A_933 = arith.constant 0 : i32
      %dma_start3A_934 = tpu.memref_slice %arg7[%dma_start3A_932, %dma_start3A_933] : memref<128x129xf32, #tpu.memory_space<vmem>> -> memref<16x128xf32, #tpu.memory_space<vmem>>
      tpu.enqueue_dma source(%dma_start3A_934 : memref<16x128xf32, #tpu.memory_space<vmem>>) target(%dma_start3A_931 : memref<16x128xf32, #tpu.memory_space<hbm>>) target_semaphore(%arg10 : memref<!tpu.dma_semaphore, #tpu.memory_space<semaphore_mem>>)
      %add3A_935 = arith.addi %mul3A_20, %add3A_721 : i32
      %mul3A_936 = arith.constant 2 : i32
      %mul3A_937 = arith.muli %rem3A_1, %mul3A_936 : i32
      %add3A_938 = arith.constant 160 : i32
      %add3A_939 = arith.addi %add3A_938, %mul3A_937 : i32
      %mul3A_940 = arith.constant 8 : i32
      %mul3A_941 = arith.muli %add3A_939, %mul3A_940 : i32
      %dma_start3A_942 = arith.constant 80 : i32
      %dma_start3A_943 = arith.constant 0 : i32
      %dma_start3A_944 = tpu.memref_slice %arg7[%dma_start3A_942, %dma_start3A_943] : memref<128x129xf32, #tpu.memory_space<vmem>> -> memref<16x128xf32, #tpu.memory_space<vmem>>
      %dma_start3A_945 = arith.constant 0 : i32
      %dma_start3A_946 = arith.constant 0 : i32
      %dma_start3A_947 = tpu.memref_slice %arg4[%add3A_935, %dma_start3A_945, %dma_start3A_946] : memref<200x2048x128xf32, #tpu.memory_space<hbm>> -> memref<1x2048x128xf32, #tpu.memory_space<hbm>>
      %dma_start3A_948 = tpu.memref_squeeze %dma_start3A_947 : memref<1x2048x128xf32, #tpu.memory_space<hbm>> -> memref<2048x128xf32, #tpu.memory_space<hbm>>
      %dma_start3A_949 = arith.constant 0 : i32
      %dma_start3A_950 = tpu.memref_slice %dma_start3A_948[%mul3A_941, %dma_start3A_949] : memref<2048x128xf32, #tpu.memory_space<hbm>> -> memref<16x128xf32, #tpu.memory_space<hbm>>
      %dma_start3A_951 = arith.constant 0 : i32
      %dma_start3A_952 = arith.constant 0 : i32
      %dma_start3A_953 = tpu.memref_slice %arg4[%add3A_935, %dma_start3A_951, %dma_start3A_952] : memref<200x2048x128xf32, #tpu.memory_space<hbm>> -> memref<1x2048x128xf32, #tpu.memory_space<hbm>>
      %dma_start3A_954 = tpu.memref_squeeze %dma_start3A_953 : memref<1x2048x128xf32, #tpu.memory_space<hbm>> -> memref<2048x128xf32, #tpu.memory_space<hbm>>
      %dma_start3A_955 = arith.constant 0 : i32
      %dma_start3A_956 = tpu.memref_slice %dma_start3A_954[%mul3A_941, %dma_start3A_955] : memref<2048x128xf32, #tpu.memory_space<hbm>> -> memref<16x128xf32, #tpu.memory_space<hbm>>
      %dma_start3A_957 = arith.constant 80 : i32
      %dma_start3A_958 = arith.constant 0 : i32
      %dma_start3A_959 = tpu.memref_slice %arg7[%dma_start3A_957, %dma_start3A_958] : memref<128x129xf32, #tpu.memory_space<vmem>> -> memref<16x128xf32, #tpu.memory_space<vmem>>
      tpu.enqueue_dma source(%dma_start3A_959 : memref<16x128xf32, #tpu.memory_space<vmem>>) target(%dma_start3A_956 : memref<16x128xf32, #tpu.memory_space<hbm>>) target_semaphore(%arg10 : memref<!tpu.dma_semaphore, #tpu.memory_space<semaphore_mem>>)
      %add3A_960 = arith.addi %mul3A_20, %add3A_721 : i32
      %mul3A_961 = arith.constant 2 : i32
      %mul3A_962 = arith.muli %rem3A_1, %mul3A_961 : i32
      %add3A_963 = arith.constant 192 : i32
      %add3A_964 = arith.addi %add3A_963, %mul3A_962 : i32
      %mul3A_965 = arith.constant 8 : i32
      %mul3A_966 = arith.muli %add3A_964, %mul3A_965 : i32
      %dma_start3A_967 = arith.constant 96 : i32
      %dma_start3A_968 = arith.constant 0 : i32
      %dma_start3A_969 = tpu.memref_slice %arg7[%dma_start3A_967, %dma_start3A_968] : memref<128x129xf32, #tpu.memory_space<vmem>> -> memref<16x128xf32, #tpu.memory_space<vmem>>
      %dma_start3A_970 = arith.constant 0 : i32
      %dma_start3A_971 = arith.constant 0 : i32
      %dma_start3A_972 = tpu.memref_slice %arg4[%add3A_960, %dma_start3A_970, %dma_start3A_971] : memref<200x2048x128xf32, #tpu.memory_space<hbm>> -> memref<1x2048x128xf32, #tpu.memory_space<hbm>>
      %dma_start3A_973 = tpu.memref_squeeze %dma_start3A_972 : memref<1x2048x128xf32, #tpu.memory_space<hbm>> -> memref<2048x128xf32, #tpu.memory_space<hbm>>
      %dma_start3A_974 = arith.constant 0 : i32
      %dma_start3A_975 = tpu.memref_slice %dma_start3A_973[%mul3A_966, %dma_start3A_974] : memref<2048x128xf32, #tpu.memory_space<hbm>> -> memref<16x128xf32, #tpu.memory_space<hbm>>
      %dma_start3A_976 = arith.constant 0 : i32
      %dma_start3A_977 = arith.constant 0 : i32
      %dma_start3A_978 = tpu.memref_slice %arg4[%add3A_960, %dma_start3A_976, %dma_start3A_977] : memref<200x2048x128xf32, #tpu.memory_space<hbm>> -> memref<1x2048x128xf32, #tpu.memory_space<hbm>>
      %dma_start3A_979 = tpu.memref_squeeze %dma_start3A_978 : memref<1x2048x128xf32, #tpu.memory_space<hbm>> -> memref<2048x128xf32, #tpu.memory_space<hbm>>
      %dma_start3A_980 = arith.constant 0 : i32
      %dma_start3A_981 = tpu.memref_slice %dma_start3A_979[%mul3A_966, %dma_start3A_980] : memref<2048x128xf32, #tpu.memory_space<hbm>> -> memref<16x128xf32, #tpu.memory_space<hbm>>
      %dma_start3A_982 = arith.constant 96 : i32
      %dma_start3A_983 = arith.constant 0 : i32
      %dma_start3A_984 = tpu.memref_slice %arg7[%dma_start3A_982, %dma_start3A_983] : memref<128x129xf32, #tpu.memory_space<vmem>> -> memref<16x128xf32, #tpu.memory_space<vmem>>
      tpu.enqueue_dma source(%dma_start3A_984 : memref<16x128xf32, #tpu.memory_space<vmem>>) target(%dma_start3A_981 : memref<16x128xf32, #tpu.memory_space<hbm>>) target_semaphore(%arg10 : memref<!tpu.dma_semaphore, #tpu.memory_space<semaphore_mem>>)
      %add3A_985 = arith.addi %mul3A_20, %add3A_721 : i32
      %mul3A_986 = arith.constant 2 : i32
      %mul3A_987 = arith.muli %rem3A_1, %mul3A_986 : i32
      %add3A_988 = arith.constant 224 : i32
      %add3A_989 = arith.addi %add3A_988, %mul3A_987 : i32
      %mul3A_990 = arith.constant 8 : i32
      %mul3A_991 = arith.muli %add3A_989, %mul3A_990 : i32
      %dma_start3A_992 = arith.constant 112 : i32
      %dma_start3A_993 = arith.constant 0 : i32
      %dma_start3A_994 = tpu.memref_slice %arg7[%dma_start3A_992, %dma_start3A_993] : memref<128x129xf32, #tpu.memory_space<vmem>> -> memref<16x128xf32, #tpu.memory_space<vmem>>
      %dma_start3A_995 = arith.constant 0 : i32
      %dma_start3A_996 = arith.constant 0 : i32
      %dma_start3A_997 = tpu.memref_slice %arg4[%add3A_985, %dma_start3A_995, %dma_start3A_996] : memref<200x2048x128xf32, #tpu.memory_space<hbm>> -> memref<1x2048x128xf32, #tpu.memory_space<hbm>>
      %dma_start3A_998 = tpu.memref_squeeze %dma_start3A_997 : memref<1x2048x128xf32, #tpu.memory_space<hbm>> -> memref<2048x128xf32, #tpu.memory_space<hbm>>
      %dma_start3A_999 = arith.constant 0 : i32
      %dma_start3A_1000 = tpu.memref_slice %dma_start3A_998[%mul3A_991, %dma_start3A_999] : memref<2048x128xf32, #tpu.memory_space<hbm>> -> memref<16x128xf32, #tpu.memory_space<hbm>>
      %dma_start3A_1001 = arith.constant 0 : i32
      %dma_start3A_1002 = arith.constant 0 : i32
      %dma_start3A_1003 = tpu.memref_slice %arg4[%add3A_985, %dma_start3A_1001, %dma_start3A_1002] : memref<200x2048x128xf32, #tpu.memory_space<hbm>> -> memref<1x2048x128xf32, #tpu.memory_space<hbm>>
      %dma_start3A_1004 = tpu.memref_squeeze %dma_start3A_1003 : memref<1x2048x128xf32, #tpu.memory_space<hbm>> -> memref<2048x128xf32, #tpu.memory_space<hbm>>
      %dma_start3A_1005 = arith.constant 0 : i32
      %dma_start3A_1006 = tpu.memref_slice %dma_start3A_1004[%mul3A_991, %dma_start3A_1005] : memref<2048x128xf32, #tpu.memory_space<hbm>> -> memref<16x128xf32, #tpu.memory_space<hbm>>
      %dma_start3A_1007 = arith.constant 112 : i32
      %dma_start3A_1008 = arith.constant 0 : i32
      %dma_start3A_1009 = tpu.memref_slice %arg7[%dma_start3A_1007, %dma_start3A_1008] : memref<128x129xf32, #tpu.memory_space<vmem>> -> memref<16x128xf32, #tpu.memory_space<vmem>>
      tpu.enqueue_dma source(%dma_start3A_1009 : memref<16x128xf32, #tpu.memory_space<vmem>>) target(%dma_start3A_1006 : memref<16x128xf32, #tpu.memory_space<hbm>>) target_semaphore(%arg10 : memref<!tpu.dma_semaphore, #tpu.memory_space<semaphore_mem>>)
    }
    %scan3A_548 = arith.constant 100 : i32
    %dma_wait3A_549 = arith.constant 0 : i32
    %dma_wait3A_550 = arith.constant 0 : i32
    %dma_wait3A_551 = arith.constant 0 : i32
    %dma_wait3A_552 = tpu.memref_slice %arg7[%dma_wait3A_550, %dma_wait3A_551] : memref<128x129xf32, #tpu.memory_space<vmem>> -> memref<16x128xf32, #tpu.memory_space<vmem>>
    %dma_wait3A_553 = arith.constant 0 : i32
    %dma_wait3A_554 = arith.constant 0 : i32
    %dma_wait3A_555 = tpu.memref_slice %arg4[%dma_wait3A_549, %dma_wait3A_553, %dma_wait3A_554] : memref<200x2048x128xf32, #tpu.memory_space<hbm>> -> memref<1x2048x128xf32, #tpu.memory_space<hbm>>
    %dma_wait3A_556 = tpu.memref_squeeze %dma_wait3A_555 : memref<1x2048x128xf32, #tpu.memory_space<hbm>> -> memref<2048x128xf32, #tpu.memory_space<hbm>>
    %dma_wait3A_557 = arith.constant 0 : i32
    %dma_wait3A_558 = arith.constant 0 : i32
    %dma_wait3A_559 = tpu.memref_slice %dma_wait3A_556[%dma_wait3A_557, %dma_wait3A_558] : memref<2048x128xf32, #tpu.memory_space<hbm>> -> memref<16x128xf32, #tpu.memory_space<hbm>>
    %dma_wait3A_560 = arith.constant 0 : i32
    %dma_wait3A_561 = arith.constant 0 : i32
    %dma_wait3A_562 = tpu.memref_slice %arg4[%dma_wait3A_549, %dma_wait3A_560, %dma_wait3A_561] : memref<200x2048x128xf32, #tpu.memory_space<hbm>> -> memref<1x2048x128xf32, #tpu.memory_space<hbm>>
    %dma_wait3A_563 = tpu.memref_squeeze %dma_wait3A_562 : memref<1x2048x128xf32, #tpu.memory_space<hbm>> -> memref<2048x128xf32, #tpu.memory_space<hbm>>
    %dma_wait3A_564 = arith.constant 0 : i32
    %dma_wait3A_565 = arith.constant 0 : i32
    %dma_wait3A_566 = tpu.memref_slice %dma_wait3A_563[%dma_wait3A_564, %dma_wait3A_565] : memref<2048x128xf32, #tpu.memory_space<hbm>> -> memref<16x128xf32, #tpu.memory_space<hbm>>
    %dma_wait3A_567 = arith.constant 0 : i32
    %dma_wait3A_568 = arith.constant 0 : i32
    %dma_wait3A_569 = tpu.memref_slice %arg7[%dma_wait3A_567, %dma_wait3A_568] : memref<128x129xf32, #tpu.memory_space<vmem>> -> memref<16x128xf32, #tpu.memory_space<vmem>>
    tpu.wait_dma2 semaphore(%arg10 : memref<!tpu.dma_semaphore, #tpu.memory_space<semaphore_mem>>) src(%dma_wait3A_569 : memref<16x128xf32, #tpu.memory_space<vmem>>) dst(%dma_wait3A_566 : memref<16x128xf32, #tpu.memory_space<hbm>>)
    %dma_wait3A_570 = arith.constant 0 : i32
    %dma_wait3A_571 = arith.constant 0 : i32
    %dma_wait3A_572 = arith.constant 0 : i32
    %dma_wait3A_573 = tpu.memref_slice %arg7[%dma_wait3A_571, %dma_wait3A_572] : memref<128x129xf32, #tpu.memory_space<vmem>> -> memref<16x128xf32, #tpu.memory_space<vmem>>
    %dma_wait3A_574 = arith.constant 0 : i32
    %dma_wait3A_575 = arith.constant 0 : i32
    %dma_wait3A_576 = tpu.memref_slice %arg4[%dma_wait3A_570, %dma_wait3A_574, %dma_wait3A_575] : memref<200x2048x128xf32, #tpu.memory_space<hbm>> -> memref<1x2048x128xf32, #tpu.memory_space<hbm>>
    %dma_wait3A_577 = tpu.memref_squeeze %dma_wait3A_576 : memref<1x2048x128xf32, #tpu.memory_space<hbm>> -> memref<2048x128xf32, #tpu.memory_space<hbm>>
    %dma_wait3A_578 = arith.constant 0 : i32
    %dma_wait3A_579 = arith.constant 0 : i32
    %dma_wait3A_580 = tpu.memref_slice %dma_wait3A_577[%dma_wait3A_578, %dma_wait3A_579] : memref<2048x128xf32, #tpu.memory_space<hbm>> -> memref<16x128xf32, #tpu.memory_space<hbm>>
    %dma_wait3A_581 = arith.constant 0 : i32
    %dma_wait3A_582 = arith.constant 0 : i32
    %dma_wait3A_583 = tpu.memref_slice %arg4[%dma_wait3A_570, %dma_wait3A_581, %dma_wait3A_582] : memref<200x2048x128xf32, #tpu.memory_space<hbm>> -> memref<1x2048x128xf32, #tpu.memory_space<hbm>>
    %dma_wait3A_584 = tpu.memref_squeeze %dma_wait3A_583 : memref<1x2048x128xf32, #tpu.memory_space<hbm>> -> memref<2048x128xf32, #tpu.memory_space<hbm>>
    %dma_wait3A_585 = arith.constant 0 : i32
    %dma_wait3A_586 = arith.constant 0 : i32
    %dma_wait3A_587 = tpu.memref_slice %dma_wait3A_584[%dma_wait3A_585, %dma_wait3A_586] : memref<2048x128xf32, #tpu.memory_space<hbm>> -> memref<16x128xf32, #tpu.memory_space<hbm>>
    %dma_wait3A_588 = arith.constant 0 : i32
    %dma_wait3A_589 = arith.constant 0 : i32
    %dma_wait3A_590 = tpu.memref_slice %arg7[%dma_wait3A_588, %dma_wait3A_589] : memref<128x129xf32, #tpu.memory_space<vmem>> -> memref<16x128xf32, #tpu.memory_space<vmem>>
    tpu.wait_dma2 semaphore(%arg10 : memref<!tpu.dma_semaphore, #tpu.memory_space<semaphore_mem>>) src(%dma_wait3A_590 : memref<16x128xf32, #tpu.memory_space<vmem>>) dst(%dma_wait3A_587 : memref<16x128xf32, #tpu.memory_space<hbm>>)
    %dma_wait3A_591 = arith.constant 0 : i32
    %dma_wait3A_592 = arith.constant 0 : i32
    %dma_wait3A_593 = arith.constant 0 : i32
    %dma_wait3A_594 = tpu.memref_slice %arg7[%dma_wait3A_592, %dma_wait3A_593] : memref<128x129xf32, #tpu.memory_space<vmem>> -> memref<16x128xf32, #tpu.memory_space<vmem>>
    %dma_wait3A_595 = arith.constant 0 : i32
    %dma_wait3A_596 = arith.constant 0 : i32
    %dma_wait3A_597 = tpu.memref_slice %arg4[%dma_wait3A_591, %dma_wait3A_595, %dma_wait3A_596] : memref<200x2048x128xf32, #tpu.memory_space<hbm>> -> memref<1x2048x128xf32, #tpu.memory_space<hbm>>
    %dma_wait3A_598 = tpu.memref_squeeze %dma_wait3A_597 : memref<1x2048x128xf32, #tpu.memory_space<hbm>> -> memref<2048x128xf32, #tpu.memory_space<hbm>>
    %dma_wait3A_599 = arith.constant 0 : i32
    %dma_wait3A_600 = arith.constant 0 : i32
    %dma_wait3A_601 = tpu.memref_slice %dma_wait3A_598[%dma_wait3A_599, %dma_wait3A_600] : memref<2048x128xf32, #tpu.memory_space<hbm>> -> memref<16x128xf32, #tpu.memory_space<hbm>>
    %dma_wait3A_602 = arith.constant 0 : i32
    %dma_wait3A_603 = arith.constant 0 : i32
    %dma_wait3A_604 = tpu.memref_slice %arg4[%dma_wait3A_591, %dma_wait3A_602, %dma_wait3A_603] : memref<200x2048x128xf32, #tpu.memory_space<hbm>> -> memref<1x2048x128xf32, #tpu.memory_space<hbm>>
    %dma_wait3A_605 = tpu.memref_squeeze %dma_wait3A_604 : memref<1x2048x128xf32, #tpu.memory_space<hbm>> -> memref<2048x128xf32, #tpu.memory_space<hbm>>
    %dma_wait3A_606 = arith.constant 0 : i32
    %dma_wait3A_607 = arith.constant 0 : i32
    %dma_wait3A_608 = tpu.memref_slice %dma_wait3A_605[%dma_wait3A_606, %dma_wait3A_607] : memref<2048x128xf32, #tpu.memory_space<hbm>> -> memref<16x128xf32, #tpu.memory_space<hbm>>
    %dma_wait3A_609 = arith.constant 0 : i32
    %dma_wait3A_610 = arith.constant 0 : i32
    %dma_wait3A_611 = tpu.memref_slice %arg7[%dma_wait3A_609, %dma_wait3A_610] : memref<128x129xf32, #tpu.memory_space<vmem>> -> memref<16x128xf32, #tpu.memory_space<vmem>>
    tpu.wait_dma2 semaphore(%arg10 : memref<!tpu.dma_semaphore, #tpu.memory_space<semaphore_mem>>) src(%dma_wait3A_611 : memref<16x128xf32, #tpu.memory_space<vmem>>) dst(%dma_wait3A_608 : memref<16x128xf32, #tpu.memory_space<hbm>>)
    %dma_wait3A_612 = arith.constant 0 : i32
    %dma_wait3A_613 = arith.constant 0 : i32
    %dma_wait3A_614 = arith.constant 0 : i32
    %dma_wait3A_615 = tpu.memref_slice %arg7[%dma_wait3A_613, %dma_wait3A_614] : memref<128x129xf32, #tpu.memory_space<vmem>> -> memref<16x128xf32, #tpu.memory_space<vmem>>
    %dma_wait3A_616 = arith.constant 0 : i32
    %dma_wait3A_617 = arith.constant 0 : i32
    %dma_wait3A_618 = tpu.memref_slice %arg4[%dma_wait3A_612, %dma_wait3A_616, %dma_wait3A_617] : memref<200x2048x128xf32, #tpu.memory_space<hbm>> -> memref<1x2048x128xf32, #tpu.memory_space<hbm>>
    %dma_wait3A_619 = tpu.memref_squeeze %dma_wait3A_618 : memref<1x2048x128xf32, #tpu.memory_space<hbm>> -> memref<2048x128xf32, #tpu.memory_space<hbm>>
    %dma_wait3A_620 = arith.constant 0 : i32
    %dma_wait3A_621 = arith.constant 0 : i32
    %dma_wait3A_622 = tpu.memref_slice %dma_wait3A_619[%dma_wait3A_620, %dma_wait3A_621] : memref<2048x128xf32, #tpu.memory_space<hbm>> -> memref<16x128xf32, #tpu.memory_space<hbm>>
    %dma_wait3A_623 = arith.constant 0 : i32
    %dma_wait3A_624 = arith.constant 0 : i32
    %dma_wait3A_625 = tpu.memref_slice %arg4[%dma_wait3A_612, %dma_wait3A_623, %dma_wait3A_624] : memref<200x2048x128xf32, #tpu.memory_space<hbm>> -> memref<1x2048x128xf32, #tpu.memory_space<hbm>>
    %dma_wait3A_626 = tpu.memref_squeeze %dma_wait3A_625 : memref<1x2048x128xf32, #tpu.memory_space<hbm>> -> memref<2048x128xf32, #tpu.memory_space<hbm>>
    %dma_wait3A_627 = arith.constant 0 : i32
    %dma_wait3A_628 = arith.constant 0 : i32
    %dma_wait3A_629 = tpu.memref_slice %dma_wait3A_626[%dma_wait3A_627, %dma_wait3A_628] : memref<2048x128xf32, #tpu.memory_space<hbm>> -> memref<16x128xf32, #tpu.memory_space<hbm>>
    %dma_wait3A_630 = arith.constant 0 : i32
    %dma_wait3A_631 = arith.constant 0 : i32
    %dma_wait3A_632 = tpu.memref_slice %arg7[%dma_wait3A_630, %dma_wait3A_631] : memref<128x129xf32, #tpu.memory_space<vmem>> -> memref<16x128xf32, #tpu.memory_space<vmem>>
    tpu.wait_dma2 semaphore(%arg10 : memref<!tpu.dma_semaphore, #tpu.memory_space<semaphore_mem>>) src(%dma_wait3A_632 : memref<16x128xf32, #tpu.memory_space<vmem>>) dst(%dma_wait3A_629 : memref<16x128xf32, #tpu.memory_space<hbm>>)
    %dma_wait3A_633 = arith.constant 0 : i32
    %dma_wait3A_634 = arith.constant 0 : i32
    %dma_wait3A_635 = arith.constant 0 : i32
    %dma_wait3A_636 = tpu.memref_slice %arg7[%dma_wait3A_634, %dma_wait3A_635] : memref<128x129xf32, #tpu.memory_space<vmem>> -> memref<16x128xf32, #tpu.memory_space<vmem>>
    %dma_wait3A_637 = arith.constant 0 : i32
    %dma_wait3A_638 = arith.constant 0 : i32
    %dma_wait3A_639 = tpu.memref_slice %arg4[%dma_wait3A_633, %dma_wait3A_637, %dma_wait3A_638] : memref<200x2048x128xf32, #tpu.memory_space<hbm>> -> memref<1x2048x128xf32, #tpu.memory_space<hbm>>
    %dma_wait3A_640 = tpu.memref_squeeze %dma_wait3A_639 : memref<1x2048x128xf32, #tpu.memory_space<hbm>> -> memref<2048x128xf32, #tpu.memory_space<hbm>>
    %dma_wait3A_641 = arith.constant 0 : i32
    %dma_wait3A_642 = arith.constant 0 : i32
    %dma_wait3A_643 = tpu.memref_slice %dma_wait3A_640[%dma_wait3A_641, %dma_wait3A_642] : memref<2048x128xf32, #tpu.memory_space<hbm>> -> memref<16x128xf32, #tpu.memory_space<hbm>>
    %dma_wait3A_644 = arith.constant 0 : i32
    %dma_wait3A_645 = arith.constant 0 : i32
    %dma_wait3A_646 = tpu.memref_slice %arg4[%dma_wait3A_633, %dma_wait3A_644, %dma_wait3A_645] : memref<200x2048x128xf32, #tpu.memory_space<hbm>> -> memref<1x2048x128xf32, #tpu.memory_space<hbm>>
    %dma_wait3A_647 = tpu.memref_squeeze %dma_wait3A_646 : memref<1x2048x128xf32, #tpu.memory_space<hbm>> -> memref<2048x128xf32, #tpu.memory_space<hbm>>
    %dma_wait3A_648 = arith.constant 0 : i32
    %dma_wait3A_649 = arith.constant 0 : i32
    %dma_wait3A_650 = tpu.memref_slice %dma_wait3A_647[%dma_wait3A_648, %dma_wait3A_649] : memref<2048x128xf32, #tpu.memory_space<hbm>> -> memref<16x128xf32, #tpu.memory_space<hbm>>
    %dma_wait3A_651 = arith.constant 0 : i32
    %dma_wait3A_652 = arith.constant 0 : i32
    %dma_wait3A_653 = tpu.memref_slice %arg7[%dma_wait3A_651, %dma_wait3A_652] : memref<128x129xf32, #tpu.memory_space<vmem>> -> memref<16x128xf32, #tpu.memory_space<vmem>>
    tpu.wait_dma2 semaphore(%arg10 : memref<!tpu.dma_semaphore, #tpu.memory_space<semaphore_mem>>) src(%dma_wait3A_653 : memref<16x128xf32, #tpu.memory_space<vmem>>) dst(%dma_wait3A_650 : memref<16x128xf32, #tpu.memory_space<hbm>>)
    %dma_wait3A_654 = arith.constant 0 : i32
    %dma_wait3A_655 = arith.constant 0 : i32
    %dma_wait3A_656 = arith.constant 0 : i32
    %dma_wait3A_657 = tpu.memref_slice %arg7[%dma_wait3A_655, %dma_wait3A_656] : memref<128x129xf32, #tpu.memory_space<vmem>> -> memref<16x128xf32, #tpu.memory_space<vmem>>
    %dma_wait3A_658 = arith.constant 0 : i32
    %dma_wait3A_659 = arith.constant 0 : i32
    %dma_wait3A_660 = tpu.memref_slice %arg4[%dma_wait3A_654, %dma_wait3A_658, %dma_wait3A_659] : memref<200x2048x128xf32, #tpu.memory_space<hbm>> -> memref<1x2048x128xf32, #tpu.memory_space<hbm>>
    %dma_wait3A_661 = tpu.memref_squeeze %dma_wait3A_660 : memref<1x2048x128xf32, #tpu.memory_space<hbm>> -> memref<2048x128xf32, #tpu.memory_space<hbm>>
    %dma_wait3A_662 = arith.constant 0 : i32
    %dma_wait3A_663 = arith.constant 0 : i32
    %dma_wait3A_664 = tpu.memref_slice %dma_wait3A_661[%dma_wait3A_662, %dma_wait3A_663] : memref<2048x128xf32, #tpu.memory_space<hbm>> -> memref<16x128xf32, #tpu.memory_space<hbm>>
    %dma_wait3A_665 = arith.constant 0 : i32
    %dma_wait3A_666 = arith.constant 0 : i32
    %dma_wait3A_667 = tpu.memref_slice %arg4[%dma_wait3A_654, %dma_wait3A_665, %dma_wait3A_666] : memref<200x2048x128xf32, #tpu.memory_space<hbm>> -> memref<1x2048x128xf32, #tpu.memory_space<hbm>>
    %dma_wait3A_668 = tpu.memref_squeeze %dma_wait3A_667 : memref<1x2048x128xf32, #tpu.memory_space<hbm>> -> memref<2048x128xf32, #tpu.memory_space<hbm>>
    %dma_wait3A_669 = arith.constant 0 : i32
    %dma_wait3A_670 = arith.constant 0 : i32
    %dma_wait3A_671 = tpu.memref_slice %dma_wait3A_668[%dma_wait3A_669, %dma_wait3A_670] : memref<2048x128xf32, #tpu.memory_space<hbm>> -> memref<16x128xf32, #tpu.memory_space<hbm>>
    %dma_wait3A_672 = arith.constant 0 : i32
    %dma_wait3A_673 = arith.constant 0 : i32
    %dma_wait3A_674 = tpu.memref_slice %arg7[%dma_wait3A_672, %dma_wait3A_673] : memref<128x129xf32, #tpu.memory_space<vmem>> -> memref<16x128xf32, #tpu.memory_space<vmem>>
    tpu.wait_dma2 semaphore(%arg10 : memref<!tpu.dma_semaphore, #tpu.memory_space<semaphore_mem>>) src(%dma_wait3A_674 : memref<16x128xf32, #tpu.memory_space<vmem>>) dst(%dma_wait3A_671 : memref<16x128xf32, #tpu.memory_space<hbm>>)
    %dma_wait3A_675 = arith.constant 0 : i32
    %dma_wait3A_676 = arith.constant 0 : i32
    %dma_wait3A_677 = arith.constant 0 : i32
    %dma_wait3A_678 = tpu.memref_slice %arg7[%dma_wait3A_676, %dma_wait3A_677] : memref<128x129xf32, #tpu.memory_space<vmem>> -> memref<16x128xf32, #tpu.memory_space<vmem>>
    %dma_wait3A_679 = arith.constant 0 : i32
    %dma_wait3A_680 = arith.constant 0 : i32
    %dma_wait3A_681 = tpu.memref_slice %arg4[%dma_wait3A_675, %dma_wait3A_679, %dma_wait3A_680] : memref<200x2048x128xf32, #tpu.memory_space<hbm>> -> memref<1x2048x128xf32, #tpu.memory_space<hbm>>
    %dma_wait3A_682 = tpu.memref_squeeze %dma_wait3A_681 : memref<1x2048x128xf32, #tpu.memory_space<hbm>> -> memref<2048x128xf32, #tpu.memory_space<hbm>>
    %dma_wait3A_683 = arith.constant 0 : i32
    %dma_wait3A_684 = arith.constant 0 : i32
    %dma_wait3A_685 = tpu.memref_slice %dma_wait3A_682[%dma_wait3A_683, %dma_wait3A_684] : memref<2048x128xf32, #tpu.memory_space<hbm>> -> memref<16x128xf32, #tpu.memory_space<hbm>>
    %dma_wait3A_686 = arith.constant 0 : i32
    %dma_wait3A_687 = arith.constant 0 : i32
    %dma_wait3A_688 = tpu.memref_slice %arg4[%dma_wait3A_675, %dma_wait3A_686, %dma_wait3A_687] : memref<200x2048x128xf32, #tpu.memory_space<hbm>> -> memref<1x2048x128xf32, #tpu.memory_space<hbm>>
    %dma_wait3A_689 = tpu.memref_squeeze %dma_wait3A_688 : memref<1x2048x128xf32, #tpu.memory_space<hbm>> -> memref<2048x128xf32, #tpu.memory_space<hbm>>
    %dma_wait3A_690 = arith.constant 0 : i32
    %dma_wait3A_691 = arith.constant 0 : i32
    %dma_wait3A_692 = tpu.memref_slice %dma_wait3A_689[%dma_wait3A_690, %dma_wait3A_691] : memref<2048x128xf32, #tpu.memory_space<hbm>> -> memref<16x128xf32, #tpu.memory_space<hbm>>
    %dma_wait3A_693 = arith.constant 0 : i32
    %dma_wait3A_694 = arith.constant 0 : i32
    %dma_wait3A_695 = tpu.memref_slice %arg7[%dma_wait3A_693, %dma_wait3A_694] : memref<128x129xf32, #tpu.memory_space<vmem>> -> memref<16x128xf32, #tpu.memory_space<vmem>>
    tpu.wait_dma2 semaphore(%arg10 : memref<!tpu.dma_semaphore, #tpu.memory_space<semaphore_mem>>) src(%dma_wait3A_695 : memref<16x128xf32, #tpu.memory_space<vmem>>) dst(%dma_wait3A_692 : memref<16x128xf32, #tpu.memory_space<hbm>>)
    %dma_wait3A_696 = arith.constant 0 : i32
    %dma_wait3A_697 = arith.constant 0 : i32
    %dma_wait3A_698 = arith.constant 0 : i32
    %dma_wait3A_699 = tpu.memref_slice %arg7[%dma_wait3A_697, %dma_wait3A_698] : memref<128x129xf32, #tpu.memory_space<vmem>> -> memref<16x128xf32, #tpu.memory_space<vmem>>
    %dma_wait3A_700 = arith.constant 0 : i32
    %dma_wait3A_701 = arith.constant 0 : i32
    %dma_wait3A_702 = tpu.memref_slice %arg4[%dma_wait3A_696, %dma_wait3A_700, %dma_wait3A_701] : memref<200x2048x128xf32, #tpu.memory_space<hbm>> -> memref<1x2048x128xf32, #tpu.memory_space<hbm>>
    %dma_wait3A_703 = tpu.memref_squeeze %dma_wait3A_702 : memref<1x2048x128xf32, #tpu.memory_space<hbm>> -> memref<2048x128xf32, #tpu.memory_space<hbm>>
    %dma_wait3A_704 = arith.constant 0 : i32
    %dma_wait3A_705 = arith.constant 0 : i32
    %dma_wait3A_706 = tpu.memref_slice %dma_wait3A_703[%dma_wait3A_704, %dma_wait3A_705] : memref<2048x128xf32, #tpu.memory_space<hbm>> -> memref<16x128xf32, #tpu.memory_space<hbm>>
    %dma_wait3A_707 = arith.constant 0 : i32
    %dma_wait3A_708 = arith.constant 0 : i32
    %dma_wait3A_709 = tpu.memref_slice %arg4[%dma_wait3A_696, %dma_wait3A_707, %dma_wait3A_708] : memref<200x2048x128xf32, #tpu.memory_space<hbm>> -> memref<1x2048x128xf32, #tpu.memory_space<hbm>>
    %dma_wait3A_710 = tpu.memref_squeeze %dma_wait3A_709 : memref<1x2048x128xf32, #tpu.memory_space<hbm>> -> memref<2048x128xf32, #tpu.memory_space<hbm>>
    %dma_wait3A_711 = arith.constant 0 : i32
    %dma_wait3A_712 = arith.constant 0 : i32
    %dma_wait3A_713 = tpu.memref_slice %dma_wait3A_710[%dma_wait3A_711, %dma_wait3A_712] : memref<2048x128xf32, #tpu.memory_space<hbm>> -> memref<16x128xf32, #tpu.memory_space<hbm>>
    %dma_wait3A_714 = arith.constant 0 : i32
    %dma_wait3A_715 = arith.constant 0 : i32
    %dma_wait3A_716 = tpu.memref_slice %arg7[%dma_wait3A_714, %dma_wait3A_715] : memref<128x129xf32, #tpu.memory_space<vmem>> -> memref<16x128xf32, #tpu.memory_space<vmem>>
    tpu.wait_dma2 semaphore(%arg10 : memref<!tpu.dma_semaphore, #tpu.memory_space<semaphore_mem>>) src(%dma_wait3A_716 : memref<16x128xf32, #tpu.memory_space<vmem>>) dst(%dma_wait3A_713 : memref<16x128xf32, #tpu.memory_space<hbm>>)
    return
  }
}

</mosaic_0001>

<sc_bundles>
// kernel: kernel.3.cloned.1.call-start
scs
__scs_entry_jumppad:
0x0: {  	(pc) =	sbr.rel $0x88, $3  }
0x1: {  	(tag) =	ssettag $0x0;
	lr =	simm.s32 $0x1  }
0x2: {  	[smem:$0x3F9F] =	sst lr;
	_ =	strace $0xD0000000  }
0x3: {  	_ = 	snop  }
0x4: {  	_ = 	snop  }
0x5: {  	_ = 	snop  }
0x6: {  	_ = 	snop  }
0x7: {  	_ = 	snop  }
__scs_overlays_trampoline_lowered:
0x8: {  	[smem:$0x3FAE] =	sst s0  }
0x9: {  	[smem:$0x3FAF] =	sst s1  }
0xa: {  	[smem:$0x3FB0] =	sst s2  }
0xb: {  	[smem:$0x3FB1] =	sst s3  }
0xc: {  	[smem:$0x3FB2] =	sst s4  }
0xd: {  	[smem:$0x3FB3] =	sst s5  }
0xe: {  	[smem:$0x3FB4] =	sst s6  }
0xf: {  	[smem:$0x3FB5] =	sst s7  }
0x10: {  	[smem:$0x3FB6] =	sst s8  }
0x11: {  	[smem:$0x3FB7] =	sst s9;
	s0 =	simm.s32 @!p0 $0x0  }
0x12: {  	s1 =	sld [smem:$0x3F9D];
	s0 =	simm.s32 @p0 $0x1  }
0x13: {  	[smem:$0x3FB8] =	sst s0;
	s0 =	simm.s32 @!p1 $0x0  }
0x14: {  	s2 =	sld [smem:$0x3F9C];
	s0 =	simm.s32 @p1 $0x1  }
0x15: {  	[smem:$0x3FB9] =	sst s0;
	s0 =	simm.s32 @!p2 $0x0  }
0x16: {  	s3 =	sld [smem:$0x3FDB];
	s0 =	simm.s32 @p2 $0x1  }
0x17: {  	s4 =	simm.s32 $0x1BF5;
	[smem:$0x3FBB] =	sst s0  }
0x18: {  	s0 =	sld [smem:$0x3F9E];
	_ =	swait.ge [sflag:s4], $0x0  }
0x19: {  	s7 =	sld [smem:$0x3F9F]  }
0x1a: {  	s8 =	sadd.s32 $0xFFFFE003, lr  }
0x1b: {  	s9 =	sadd.s32 $0xFFFFFEF7, lr;
	s5 =	simm.s32 $0xFFFFFFFF;
	p2 =	slt.u32 s8, $0xFFFFF086  }
0x1c: {  	p1 =	slt.u32 s9, $0xF7A;
	s5 =	simm.s32 @!p2 $0x0  }
0x1d: {  	s5 =	simm.s32 @p1 $0x1;
	p0 =	seq.s32 s7, s2  }
0x1e: {  	s7 =	smul.u32 @!p0 $0xF7A, s2;
	p2 =	seq.s32 @!p0 s5, $0x0  }
0x1f: {  	s9 =	smul.u32 $0xF7A, s1;
	s8 =	simm.s32 @!p0 $0x1BF5;
	p2 =	por !p2, p0  }
0x20: {  	[sflag:s8] =	ssyncset.s32 @!p0 $0xFFFFF086;
	s6 =	sadd.s32 @!p0 s3, s7;
	s7 =	simm.s32 @!p0 $0x108  }
0x21: {  	s3 =	sadd.s32 s3, s9;
	s6 =	sadd.s32 @!p0 $0x88, s6;
	s7 =	simm.s32 @p2 $0x1082  }
0x22: {  	[simem:s7], [sflag:s8] =	dma.local @!p0 [hbm:s6], $0xF7A  }
0x23: {  	s9 =	sor.u32 $0xD0000000, s2;
	s6 =	simm.s32 $0x108;
	_ =	swait.ge @!p0 [sflag:s8], $0x0  }
0x24: {  	s3 =	sadd.s32 $0x88, s3;
	s6 =	simm.s32 @!p1 $0x1082;
	[sflag:s4] =	ssyncset.s32 $0xFFFFF086  }
0x25: {  	[simem:s6], [sflag:s4] =	dma.local [hbm:s3], $0xF7A  }
0x26: {  	[smem:$0x3F9F] =	sst s1;
	(tag) =	ssettag s2;
	_ =	strace s9  }
0x27: {  	s1 =	sld [smem:$0x3FAF]  }
0x28: {  	s2 =	sld [smem:$0x3FB0]  }
0x29: {  	s4 =	sld [smem:$0x3FB2]  }
0x2a: {  	p0 =	seq.s32 s5, $0x0;
	s5 =	sld [smem:$0x3FB3]  }
0x2b: {  	s6 =	sld [smem:$0x3FB4]  }
0x2c: {  	s7 =	sld [smem:$0x3FB5]  }
0x2d: {  	s3 =	simm.s32 $0x108;
	s8 =	sld [smem:$0x3FB6]  }
0x2e: {  	s3 =	simm.s32 @!p0 $0x1082;
	s9 =	sld [smem:$0x3FB7]  }
0x2f: {  	lr =	sadd.s32 s0, s3;
	s0 =	sld [smem:$0x3FAE]  }
0x30: {  	s3 =	sld [smem:$0x3FB1]  }
0x31: {  	[smem:$0x3FBA] =	sst s10  }
0x32: {  	s10 =	sld [smem:$0x3FB8];
	_ =	sdelay $0x3  }
0x33: {  	p0 =	seq.s32 s10, $0x1;
	s10 =	sld [smem:$0x3FBA];
	_ =	sdelay $0x3  }
0x34: {  	[smem:$0x3FBA] =	sst s10  }
0x35: {  	s10 =	sld [smem:$0x3FB9];
	_ =	sdelay $0x3  }
0x36: {  	p1 =	seq.s32 s10, $0x1;
	s10 =	sld [smem:$0x3FBA];
	_ =	sdelay $0x3  }
0x37: {  	[smem:$0x3FBA] =	sst s10  }
0x38: {  	s10 =	sld [smem:$0x3FBB]  }
0x39: {  	_ = 	snop;
	(pc) =	sbr.ind lr, $3  }
0x3a: {  	_ = 	snop  }
0x3b: {  	_ = 	snop  }
0x3c: {  	p2 =	seq.s32 s10, $0x1;
	s10 =	sld [smem:$0x3FBA]  }
0x3d: {  	_ =	shalt  }
0x3e: {  	_ =	shalt  }
0x3f: {  	_ =	shalt  }
0x40: {  	_ =	shalt  }
0x41: {  	_ =	shalt  }
0x42: {  	_ =	shalt  }
0x43: {  	_ =	shalt  }
0x44: {  	_ =	shalt  }
0x45: {  	_ =	shalt  }
0x46: {  	_ =	shalt  }
0x47: {  	_ =	shalt  }
0x48: {  	_ =	shalt  }
0x49: {  	_ =	shalt  }
0x4a: {  	_ =	shalt  }
0x4b: {  	_ =	shalt  }
0x4c: {  	_ =	shalt  }
0x4d: {  	_ =	shalt  }
0x4e: {  	_ =	shalt  }
0x4f: {  	_ =	shalt  }
0x50: {  	_ =	shalt  }
0x51: {  	_ =	shalt  }
0x52: {  	_ =	shalt  }
0x53: {  	_ =	shalt  }
0x54: {  	_ =	shalt  }
0x55: {  	_ =	shalt  }
0x56: {  	_ =	shalt  }
0x57: {  	_ =	shalt  }
0x58: {  	_ =	shalt  }
0x59: {  	_ =	shalt  }
0x5a: {  	_ =	shalt  }
0x5b: {  	_ =	shalt  }
0x5c: {  	_ =	shalt  }
0x5d: {  	_ =	shalt  }
0x5e: {  	_ =	shalt  }
0x5f: {  	_ =	shalt  }
0x60: {  	_ =	shalt  }
0x61: {  	_ =	shalt  }
0x62: {  	_ =	shalt  }
0x63: {  	_ =	shalt  }
0x64: {  	_ =	shalt  }
0x65: {  	_ =	shalt  }
0x66: {  	_ =	shalt  }
0x67: {  	_ =	shalt  }
0x68: {  	_ =	shalt  }
0x69: {  	_ =	shalt  }
0x6a: {  	_ =	shalt  }
0x6b: {  	_ =	shalt  }
0x6c: {  	_ =	shalt  }
0x6d: {  	_ =	shalt  }
0x6e: {  	_ =	shalt  }
0x6f: {  	_ =	shalt  }
0x70: {  	_ =	shalt  }
0x71: {  	_ =	shalt  }
0x72: {  	_ =	shalt  }
0x73: {  	_ =	shalt  }
0x74: {  	_ =	shalt  }
0x75: {  	_ =	shalt  }
0x76: {  	_ =	shalt  }
0x77: {  	_ =	shalt  }
0x78: {  	_ =	shalt  }
0x79: {  	_ =	shalt  }
0x7a: {  	_ =	shalt  }
0x7b: {  	_ =	shalt  }
0x7c: {  	_ =	shalt  }
0x7d: {  	_ =	shalt  }
0x7e: {  	_ =	shalt  }
0x7f: {  	_ =	shalt  }
0x80: {  	_ =	shalt  }
0x81: {  	_ =	shalt  }
0x82: {  	_ =	shalt  }
0x83: {  	_ =	shalt  }
0x84: {  	_ =	shalt  }
0x85: {  	_ =	shalt  }
0x86: {  	_ =	shalt  }
0x87: {  	_ =	shalt  }
.Lfunc_end0:
.L_simem_size_0:
called_computation_lowered:
.L_overlay_start_0:
0x88: {  	s2 =	sld [smem:$0x3FD9]  }
0x89: {  	s3 =	sld [smem:$0x3FFE];
	_ =	sdelay $0x1  }
0x8a: {  	s1 =	srdreg.scid  }
0x8b: {  	s0 =	sand.u32 $0x1, s1  }
0x8c: {  	s17 =	sshll.u32 s0, $0xA;
	s2 =	sadd.s32 s3, s2  }
0x8d: {  	s2 =	sadd.s32 s2, s17  }
0x8e: {  	[smem:$0x3FC6] =	sst s2  }
0x8f: {  	_ = 	snop  }
0x90: {  	s2 =	sld [smem:$0x3FC9]  }
0x91: {  	s18 =	sld [smem:$0x3FD0];
	(tm) =	ssettm $0x1  }
0x92: {  	s4 =	sld [smem:$0x3FFB];
	_ =	sdelay $0x3  }
0x93: {  	_ =	strace s4  }
0x94: {  	s4 =	sld [smem:$0x3FFC];
	_ =	sdelay $0x3  }
0x95: {  	_ =	strace s4  }
0x96: {  	s4 =	sld [smem:$0x3FFD];
	_ =	sdelay $0x3  }
0x97: {  	_ =	strace s4  }
0x98: {  	_ =	strace $0x8FFFFFFF  }
0x99: {  	s19 =	sld [smem:$0x3FDB];
	_ =	sdelay $0x1  }
0x9a: {  	s5 =	simm.s32 $_scs_section_size  }
0x9b: {  	s6 =	simm.s32 $_size__tile_overlayer_lowered;
	s7 =	simm.s32 $_tile_overlayer_lowered  }
0x9c: {  	s22 =	simm.s32 $0x1BFF;
	s21 =	sshll.u32 s7, $0x1;
	s4 =	sadd.s32 s5, s19  }
0x9d: {  	s8 =	simm.s32 $0x0;
	s20 =	sshll.u32 s6, $0x1;
	s6 =	sadd.s32 s21, s4  }
0x9e: {  	[timem:s8], [sflag:s22] =	dma.local [hbm:s6], s20  }
0x9f: {  	_ =	swait.ge [sflag:s22], s20  }
0xa0: {  	s5 =	ssub.s32 $0x0, s20;
	[sflag:s22] =	ssyncset.done $0x0  }
0xa1: {  	[sflag:s22] =	ssyncadd.s32 s5;
	_ =	sdelay $0x1  }
0xa2: {  	s23 =	simm.s32 $0x1B8B  }
0xa3: {  	_ =	swait.ge [sflag:s23], $0x1  }
0xa4: {  	[sflag:s23] =	ssyncset.done $0x0  }
0xa5: {  	s25 =	simm.s32 $0x1B8E;
	s24 =	sld [smem:$0x3FFE];
	[sflag:s23] =	ssyncadd.s32 $0xFFFFFFFF  }
0xa6: {  	s26 =	simm.s32 $execute0_lowered;
	[smem:$0x3FD2] =	sst s25  }
0xa7: {  	s6 =	sshll.u32 s26, $0x1;
	_ =	strace $0x80000046;
	[dreg:$0x1] =	wrdreg $0xFFFFFFFF  }
0xa8: {  	s28 =	simm.s32 $_size_execute0_lowered;
	s4 =	sadd.s32 s4, s6;
	[dreg:$0x0] =	wrdreg $0x0  }
0xa9: {  	s6 =	sshll.u32 s28, $0x1;
	[dreg:$0x2] =	wrdreg s4  }
0xaa: {  	[dreg:$0x3] =	wrdreg s6  }
0xab: {  	[dreg:$0x4] =	wrdreg $0xC0  }
0xac: {  	_ =	task [dreg:s8], $0x5FFFF  }
0xad: {  	[dreg:$0x1] =	wrdreg $0xFFFFFFFF  }
0xae: {  	[dreg:$0x0] =	wrdreg $0x60  }
0xaf: {  	[dreg:$0x2] =	wrdreg s24  }
0xb0: {  	[dreg:$0x3] =	wrdreg s2  }
0xb1: {  	[dreg:$0x4] =	wrdreg s18  }
0xb2: {  	[dreg:$0x5] =	wrdreg $0x9  }
0xb3: {  	_ =	task.clear_ibuf [dreg:s8], $0x6FFFF;
	_ =	strace $0x90000046  }
0xb4: {  	s29 =	simm.s32 $0x9;
	_ =	strace $0x80000048  }
0xb5: {  	_ =	swait.ge [sflag:s29], $0x1  }
0xb6: {  	[sflag:s29] =	ssyncadd.s32 $0xFFFFFFFF  }
0xb7: {  	_ =	strace $0x90000048  }
0xb8: {  	_ =	sfence  }
0xb9: {  	s30 =	sld [smem:$0x0];
	_ =	sdelay $0x2  }
0xba: {  	s31 =	sshll.u32 s1, $0xD;
	s1 =	sshrl.u32 s1, $0x2  }
0xbb: {  	s3 =	sand.u32 $0x4000, s31;
	s1 =	sadd.s32 s1, s30  }
0xbc: {  	s0 =	sor.u32 s3, s0;
	s1 =	sshll.u32 s1, $0x11  }
0xbd: {  	s0 =	sor.u32 s1, s0  }
0xbe: {  	s0 =	sadd.s32 $0x8F2B, s0  }
0xbf: {  	[sflag:s0] =	ssyncadd.remote.s32 $0x1  }
0xc0: {  	_ =	sfence.sel $0xFFFF  }
0xc1: {  	[dreg:$0x0] =	wrdreg $0xFFFFFFFF;
	(pc) =	sbr.abs _section_cstart, $3  }
0xc2: {  	[dreg:$0x1] =	wrdreg $0xFFFFFFFF  }
0xc3: {  	_ =	task.clear_ibuf [dreg:s8], $0x2FFFF;
	_ =	strace $0x9FFFFFFF  }
0xc4: {  	(tm) =	ssettm $0x7FFFFFFF  }
0xc5: {  	_ =	shalt  }
tec
execute0_lowered:
.L_overlay_start_1:
0x0: {  	(tag) =	ssettag $0x1  }
0x1: {  	v0 =	vimm.s32 $0xC38;
	vm11 =	vcmask $0x300  }
0x2: {  	v1 =	vimm.s32 $0x1078;
	vm12 =	vcmask $0x704;
	vm13 =	vcmask $0xB08  }
0x3: {  	vm14 =	vcmask $0xF0C;
	vm10 =	vcmask $0x1310;
	vm0 =	vcmask $0x1714  }
0x4: {  	vm1 =	vcmask $0x1B18;
	vm2 =	vcmask $0x1F1C;
	vm3 =	vcmask $0x2320  }
0x5: {  	vm4 =	vcmask $0x2724;
	vm5 =	vcmask $0x2B28;
	vm6 =	vcmask $0x2F2C  }
0x6: {  	vm7 =	vcmask $0x3330;
	vm8 =	vcmask $0x3734;
	vm9 =	vcmask $0x3B38  }
0x7: {  	v2 =	vimm.s32 $0x1D38;
	v3 =	vimm.s32 $0x2178;
	v4 =	vimm.s32 $0x2E38  }
0x8: {  	v5 =	vimm.s32 $0x3278;
	v6 =	vimm.s32 $0x3F38;
	v7 =	vimm.s32 $0x4378  }
0x9: {  	v0 =	vsel vm11, $0x0, v0;
	v1 =	vsel vm11, $0x440, v1;
	v2 =	vsel vm11, $0x1100, v2  }
0xa: {  	v3 =	vsel vm11, $0x1540, v3;
	v4 =	vsel vm11, $0x2200, v4;
	v5 =	vsel vm11, $0x2640, v5  }
0xb: {  	v6 =	vsel vm11, $0x3300, v6;
	v7 =	vsel vm11, $0x3740, v7;
	v0 =	vsel vm12, $0x88, v0  }
0xc: {  	v1 =	vsel vm12, $0x4C8, v1;
	v2 =	vsel vm12, $0x1188, v2;
	v3 =	vsel vm12, $0x15C8, v3  }
0xd: {  	v4 =	vsel vm12, $0x2288, v4;
	v5 =	vsel vm12, $0x26C8, v5;
	v6 =	vsel vm12, $0x3388, v6  }
0xe: {  	v7 =	vsel vm12, $0x37C8, v7;
	v0 =	vsel vm13, $0x110, v0;
	v1 =	vsel vm13, $0x550, v1  }
0xf: {  	v2 =	vsel vm13, $0x1210, v2;
	v3 =	vsel vm13, $0x1650, v3;
	v4 =	vsel vm13, $0x2310, v4  }
0x10: {  	v5 =	vsel vm13, $0x2750, v5;
	v6 =	vsel vm13, $0x3410, v6;
	v7 =	vsel vm13, $0x3850, v7  }
0x11: {  	v0 =	vsel vm14, $0x198, v0;
	v1 =	vsel vm14, $0x5D8, v1;
	v2 =	vsel vm14, $0x1298, v2  }
0x12: {  	v3 =	vsel vm14, $0x16D8, v3;
	v4 =	vsel vm14, $0x2398, v4;
	v5 =	vsel vm14, $0x27D8, v5  }
0x13: {  	v6 =	vsel vm14, $0x3498, v6;
	v7 =	vsel vm14, $0x38D8, v7;
	v0 =	vsel vm10, $0x220, v0  }
0x14: {  	v1 =	vsel vm10, $0x660, v1;
	v2 =	vsel vm10, $0x1320, v2;
	v3 =	vsel vm10, $0x1760, v3  }
0x15: {  	v4 =	vsel vm10, $0x2420, v4;
	v5 =	vsel vm10, $0x2860, v5;
	v6 =	vsel vm10, $0x3520, v6  }
0x16: {  	v7 =	vsel vm10, $0x3960, v7;
	v0 =	vsel vm0, $0x2A8, v0;
	v1 =	vsel vm0, $0x6E8, v1  }
0x17: {  	v2 =	vsel vm0, $0x13A8, v2;
	v3 =	vsel vm0, $0x17E8, v3;
	v4 =	vsel vm0, $0x24A8, v4  }
0x18: {  	v5 =	vsel vm0, $0x28E8, v5;
	v6 =	vsel vm0, $0x35A8, v6;
	v7 =	vsel vm0, $0x39E8, v7  }
0x19: {  	v0 =	vsel vm1, $0x330, v0;
	v1 =	vsel vm1, $0x770, v1;
	v2 =	vsel vm1, $0x1430, v2  }
0x1a: {  	v3 =	vsel vm1, $0x1870, v3;
	v4 =	vsel vm1, $0x2530, v4;
	v5 =	vsel vm1, $0x2970, v5  }
0x1b: {  	v6 =	vsel vm1, $0x3630, v6;
	v7 =	vsel vm1, $0x3A70, v7;
	v0 =	vsel vm2, $0x3B8, v0  }
0x1c: {  	v1 =	vsel vm2, $0x7F8, v1;
	v2 =	vsel vm2, $0x14B8, v2;
	v3 =	vsel vm2, $0x18F8, v3  }
0x1d: {  	v4 =	vsel vm2, $0x25B8, v4;
	v5 =	vsel vm2, $0x29F8, v5;
	v6 =	vsel vm2, $0x36B8, v6  }
0x1e: {  	v7 =	vsel vm2, $0x3AF8, v7;
	v0 =	vsel vm3, $0x880, v0;
	v1 =	vsel vm3, $0xCC0, v1  }
0x1f: {  	v2 =	vsel vm3, $0x1980, v2;
	v3 =	vsel vm3, $0x1DC0, v3;
	v4 =	vsel vm3, $0x2A80, v4  }
0x20: {  	s0 =	rddreg [dreg:$0x0];
	v5 =	vsel vm3, $0x2EC0, v5;
	v6 =	vsel vm3, $0x3B80, v6;
	v7 =	vsel vm3, $0x3FC0, v7  }
0x21: {  	s9 =	rddreg [dreg:$0x1];
	v0 =	vsel vm4, $0x908, v0;
	v1 =	vsel vm4, $0xD48, v1;
	v2 =	vsel vm4, $0x1A08, v2  }
0x22: {  	s3 =	stileid.u32;
	s2 =	srdreg.scid;
	v3 =	vsel vm4, $0x1E48, v3;
	v4 =	vsel vm4, $0x2B08, v4;
	v5 =	vsel vm4, $0x2F48, v5  }
0x23: {  	s4 =	simm.s32 $0x0;
	s25 =	simm.s32 $0x2;
	s26 =	simm.s32 $0x10300;
	v6 =	vsel vm4, $0x3C08, v6;
	v7 =	vsel vm4, $0x4048, v7;
	v0 =	vsel vm5, $0x990, v0  }
0x24: {  	s31 =	simm.s32 $0x14458;
	s22 =	simm.s32 $0x145F0;
	s1 =	sshrl.u32 s3, $0x3;
	v1 =	vsel vm5, $0xDD0, v1;
	v2 =	vsel vm5, $0x1A90, v2;
	v3 =	vsel vm5, $0x1ED0, v3  }
0x25: {  	s23 =	simm.s32 $0x14678;
	s3 =	sshll.u32 s3, $0x1;
	s5 =	smul.u32 $0x64000, s1;
	v4 =	vsel vm5, $0x2B90, v4;
	v5 =	vsel vm5, $0x2FD0, v5;
	v6 =	vsel vm5, $0x3C90, v6  }
0x26: {  	s2 =	sand.u32 $0x1, s2;
	[smem:$0x7FF] =	sst s4;
	s3 =	sand.u32 $0xE, s3;
	v7 =	vsel vm5, $0x40D0, v7;
	v0 =	vsel vm6, $0xA18, v0;
	v1 =	vsel vm6, $0xE58, v1  }
0x27: {  	s7 =	sshll.u32 s1, $0x9;
	s3 =	sor.u32 s2, s3;
	s6 =	sand.u32 $0x78000, s5;
	v2 =	vsel vm6, $0x1B18, v2;
	v3 =	vsel vm6, $0x1F58, v3;
	v4 =	vsel vm6, $0x2C18, v4  }
0x28: {  	s2 =	ssub.s32 $0x2, s2;
	s5 =	sshll.u32 s3, $0xB;
	s6 =	sor.u32 s7, s6;
	v5 =	vsel vm6, $0x3058, v5;
	v6 =	vsel vm6, $0x3D18, v6;
	v7 =	vsel vm6, $0x4158, v7  }
0x29: {  	_ =	strace $0x80000047;
	s28 =	sshrl.u32 s2, $0x1;
	s7 =	sor.u32 s5, s6;
	v0 =	vsel vm7, $0xAA0, v0;
	v1 =	vsel vm7, $0xEE0, v1;
	v2 =	vsel vm7, $0x1BA0, v2  }
0x2a: {  	s6 =	sadd.s32 $0xF42800, s0;
	s0 =	ssub.s32 s2, s28;
	s8 =	sshrl.u32 s7, $0x3;
	v3 =	vsel vm7, $0x1FE0, v3;
	v4 =	vsel vm7, $0x2CA0, v4;
	v5 =	vsel vm7, $0x30E0, v5  }
0x2b: {  	s7 =	sshll.u32 s3, $0x8;
	s0 =	smax.u32 s0, $0x1;
	s29 =	sadd.s32 s9, s8;
	v6 =	vsel vm7, $0x3DA0, v6;
	v7 =	vsel vm7, $0x41E0, v7;
	v0 =	vsel vm8, $0xB28, v0  }
0x2c: {  	s9 =	smul.u32 $0x64, s1;
	s11 =	sor.u32 $0x1000, s7;
	s12 =	sor.u32 $0x2000, s7;
	v1 =	vsel vm8, $0xF68, v1;
	v2 =	vsel vm8, $0x1C28, v2;
	v3 =	vsel vm8, $0x2068, v3  }
0x2d: {  	s13 =	sor.u32 $0x3000, s7;
	s14 =	sor.u32 $0x4000, s7;
	s15 =	sor.u32 $0x5000, s7;
	v4 =	vsel vm8, $0x2D28, v4;
	v5 =	vsel vm8, $0x3168, v5;
	v6 =	vsel vm8, $0x3E28, v6  }
0x2e: {  	s16 =	sor.u32 $0x6000, s7;
	s17 =	sor.u32 $0x7000, s7;
	[dreg:$0x6] =	wrdreg s0;
	v7 =	vsel vm8, $0x4268, v7;
	v0 =	vsel vm9, $0xBB0, v0;
	v1 =	vsel vm9, $0xFF0, v1  }
0x2f: {  	s0 =	simm.s32 $0x144E0;
	[dreg:$0x4] =	wrdreg s29;
	s30 =	sadd.s32 $0x10, s29;
	v2 =	vsel vm9, $0x1CB0, v2;
	v3 =	vsel vm9, $0x20F0, v3;
	v4 =	vsel vm9, $0x2DB0, v4  }
0x30: {  	s1 =	simm.s32 $0x14568;
	s8 =	simm.s32 $0x0;
	[dreg:$0x5] =	wrdreg s30;
	v5 =	vsel vm9, $0x31F0, v5;
	v6 =	vsel vm9, $0x3EB0, v6;
	v7 =	vsel vm9, $0x42F0, v7  }
.LBB2_1:
0x31: {  	[dreg:$0x7] =	wrdreg s8  }
0x32: {  	s2 =	rddreg [dreg:$0x4]  }
0x33: {  	s3 =	simm.s32 $0x80;
	s21 =	simm.s32 $0x400;
	s24 =	simm.s32 $0x1  }
0x34: {  	[tilespmem:s4], [sflag:$0x1] =	stream.strided.gather [hbm4b:s2+s3], $0x100, s21, s3, $0x38;
	[tilespmem:$0x14700] =	vst v63  }
0x35: {  	_ =	swait.ge [sflag:s24], $0x100  }
0x36: {  	[sflag:s24] =	ssyncset.done $0x0  }
0x37: {  	s10 =	simm.s32 $0x100;
	s28 =	rddreg [dreg:$0x5];
	[sflag:s24] =	ssyncadd.s32 $0xFFFFFF00  }
0x38: {  	[tilespmem:s10], [sflag:$0x1] =	stream.strided.gather [hbm4b:s28+s3], $0x100, s21, s3, $0x38;
	[tilespmem:$0x14700] =	vst v63  }
0x39: {  	s29 =	simm.s32 $0x300  }
0x3a: {  	[tilespmem:s29], [sflag:$0x2] =	stream.indirect.gather [hbm4b:s6+s3], $0x80, s4, s3, $0xb8;
	[tilespmem:$0x14700] =	vst v63  }
0x3b: {  	s30 =	simm.s32 $0x4300;
	p0 =	por $0x0, $0x0;
	s24 =	simm.s32 $0x0  }
0x3c: {  	[tilespmem:s30], [sflag:$0x2] =	stream.indirect.gather [hbm4b:s6+s3], $0x80, s3, s3, $0xb8;
	[tilespmem:$0x14700] =	vst v63  }
.LBB2_2:
0x3d: {  	p1 =	seq.s32 s24, $0x63  }
0x3e: {  	s2 =	sadd.s32 @!p1 $0x1, s24  }
0x3f: {  	s3 =	sand.u32 @!p1 $0xFF, s2  }
0x40: {  	s3 =	smul.u32 @!p1 $0xAB, s3;
	_ =	sdelay $0x1  }
0x41: {  	s3 =	sshrl.u32 @!p1 s3, $0x9  }
0x42: {  	s8 =	simm.s32 @!p1 $0x1;
	s3 =	smul.u32 @!p1 $0x3, s3  }
0x43: {  	s10 =	sand.u32 $0x1, s24;
	p2 =	sgt.u32 @!p1 s24, $0x61;
	_ =	swait.ge @!p1 [sflag:s8], $0x100  }
0x44: {  	p2 =	por p2, p1;
	[sflag:s8] =	ssyncset.done @!p1 $0x0;
	s2 =	ssub.s32 @!p1 s2, s3  }
0x45: {  	[sflag:s8] =	ssyncadd.s32 @!p1 $0xFFFFFF00;
	s3 =	sshll.u32 @!p1 s10, $0xF;
	s2 =	sand.u32 @!p1 $0xFF, s2  }
0x46: {  	s10 =	simm.s32 @!p1 $0x80;
	s8 =	sxor.u32 @!p1 $0x8300, s3;
	s2 =	sshll.u32 @!p1 s2, $0x8  }
0x47: {  	[tilespmem:s8], [sflag:$0x2] =	stream.indirect.gather @!p1 [hbm4b:s6+s10], $0x80, s2, s10, $0xb8;
	[tilespmem:$0x14700] =	vst v63  }
0x48: {  	s8 =	sadd.s32 @!p2 $0x2, s24  }
0x49: {  	s3 =	sxor.u32 @!p1 $0xC300, s3;
	s2 =	sor.u32 @!p1 $0x80, s2;
	s18 =	smul.u32 @!p2 $0xAB, s8  }
0x4a: {  	[tilespmem:s3], [sflag:$0x2] =	stream.indirect.gather @!p1 [hbm4b:s6+s10], $0x80, s2, s10, $0xb8;
	[tilespmem:$0x14700] =	vst v63  }
0x4b: {  	s3 =	sadd.s32 @!p2 s9, s8;
	s2 =	sshrl.u32 @!p2 s18, $0x9  }
0x4c: {  	s10 =	sshll.u32 @!p2 s3, $0x7;
	s3 =	sshll.u32 @!p2 s3, $0xC;
	s2 =	sand.u32 @!p2 $0x7F, s2  }
0x4d: {  	s10 =	sand.u32 @!p2 $0x380, s10;
	s3 =	sand.u32 @!p2 $0x1F8000, s3;
	s2 =	smul.u32 @!p2 $0x3, s2  }
0x4e: {  	s3 =	sor.u32 @!p2 s3, s10  }
0x4f: {  	s10 =	simm.s32 @!p2 $0x400;
	s3 =	sor.u32 @!p2 s5, s3;
	s2 =	ssub.s32 @!p2 s8, s2  }
0x50: {  	s3 =	sshrl.u32 @!p2 s3, $0x3;
	s8 =	rddreg [dreg:$0x1];
	s2 =	sand.u32 @!p2 $0xFF, s2  }
0x51: {  	s3 =	sadd.s32 @!p2 s8, s3;
	s8 =	simm.s32 @!p2 $0x80;
	s2 =	sshll.u32 @!p2 s2, $0x8  }
0x52: {  	[tilespmem:s2], [sflag:$0x1] =	stream.strided.gather @!p2 [hbm4b:s3+s8], $0x100, s10, s8, $0x38;
	[tilespmem:$0x14700] =	vst v63  }
0x53: {  	_ =	swait.ge [sflag:s25], $0x4000  }
0x54: {  	[sflag:s25] =	ssyncset.done $0x0  }
0x55: {  	[sflag:s25] =	ssyncadd.s32 $0xFFFFC000  }
0x56: {  	_ =	swait.ge [sflag:s25], $0x4000  }
0x57: {  	p1 =	seq.s32 s24, $0x0;
	[sflag:s25] =	ssyncset.done $0x0  }
0x58: {  	s3 =	simm.s32 @!p1 $0x3;
	[sflag:s25] =	ssyncadd.s32 $0xFFFFC000  }
0x59: {  	_ =	swait.ge @!p1 [sflag:s3], $0x800  }
0x5a: {  	[sflag:s3] =	ssyncset.done @!p1 $0x0  }
0x5b: {  	[sflag:s3] =	ssyncadd.s32 @!p1 $0xFFFFF800  }
0x5c: {  	_ =	swait.ge @!p1 [sflag:s3], $0x800  }
0x5d: {  	[sflag:s3] =	ssyncset.done @!p1 $0x0  }
0x5e: {  	[sflag:s3] =	ssyncadd.s32 @!p1 $0xFFFFF800  }
0x5f: {  	_ =	swait.ge @!p1 [sflag:s3], $0x800  }
0x60: {  	[sflag:s3] =	ssyncset.done @!p1 $0x0  }
0x61: {  	[sflag:s3] =	ssyncadd.s32 @!p1 $0xFFFFF800  }
0x62: {  	_ =	swait.ge @!p1 [sflag:s3], $0x800  }
0x63: {  	[sflag:s3] =	ssyncset.done @!p1 $0x0  }
0x64: {  	[sflag:s3] =	ssyncadd.s32 @!p1 $0xFFFFF800  }
0x65: {  	_ =	swait.ge @!p1 [sflag:s3], $0x800  }
0x66: {  	[sflag:s3] =	ssyncset.done @!p1 $0x0  }
0x67: {  	[sflag:s3] =	ssyncadd.s32 @!p1 $0xFFFFF800  }
0x68: {  	_ =	swait.ge @!p1 [sflag:s3], $0x800  }
0x69: {  	[sflag:s3] =	ssyncset.done @!p1 $0x0  }
0x6a: {  	[sflag:s3] =	ssyncadd.s32 @!p1 $0xFFFFF800  }
0x6b: {  	_ =	swait.ge @!p1 [sflag:s3], $0x800  }
0x6c: {  	[sflag:s3] =	ssyncset.done @!p1 $0x0  }
0x6d: {  	s2 =	simm.s32 $0x1;
	[sflag:s3] =	ssyncadd.s32 @!p1 $0xFFFFF800  }
0x6e: {  	s19 =	simm.s32 $0x0;
	s2 =	simm.s32 @!p0 $0x0;
	_ =	swait.ge @!p1 [sflag:s3], $0x800  }
0x6f: {  	v8 =	vmov s19;
	s29 =	sshll.u32 s2, $0xF;
	[sflag:s3] =	ssyncset.done @!p1 $0x0  }
0x70: {  	v8 =	vand.u32 $0x7C, v8;
	s2 =	sor.u32 $0x400, s29;
	[sflag:s3] =	ssyncadd.s32 @!p1 $0xFFFFF800  }
0x71: {  	v8 =	vadd.s32 v0, v8;
	v9 =	vld [tilespmem:s2+$0xFFFFFF00];
	_ =	sdelay $0x2  }
0x72: {  	s20 =	simm.s32 $0x1  }
0x73: {  	v10 =	vmov s20  }
0x74: {  	[tilespmem:v8+s26+$0x0] =	vst.idx.msk $0xffff, v9;
	v8 =	vand.u32 $0x7D, v10  }
0x75: {  	v9 =	vld [tilespmem:s2+$0xFFFFFF80];
	v8 =	vadd.s32 v0, v8;
	_ =	sdelay $0x2  }
0x76: {  	s21 =	simm.s32 $0x2  }
0x77: {  	v10 =	vmov s21  }
0x78: {  	[tilespmem:v8+s26+$0x0] =	vst.idx.msk $0xffff, v9;
	v8 =	vand.u32 $0x7E, v10  }
0x79: {  	v9 =	vld [tilespmem:s2+$0x0];
	v8 =	vadd.s32 v0, v8;
	_ =	sdelay $0x2  }
0x7a: {  	s30 =	simm.s32 $0x3  }
0x7b: {  	v10 =	vmov s30  }
0x7c: {  	[tilespmem:v8+s26+$0x0] =	vst.idx.msk $0xffff, v9;
	v9 =	vand.u32 $0x7F, v10  }
0x7d: {  	v8 =	vld [tilespmem:s2+$0x80];
	v9 =	vadd.s32 v0, v9;
	_ =	sdelay $0x1  }
0x7e: {  	s28 =	simm.s32 $0x4;
	s20 =	sor.u32 $0x44B0, s29;
	s10 =	sor.u32 $0x430, s29  }
0x7f: {  	s18 =	sor.u32 $0x44A0, s29;
	s8 =	sor.u32 $0x420, s29;
	s19 =	sor.u32 $0x410, s29  }
0x80: {  	s3 =	sor.u32 $0x4480, s29;
	s21 =	sor.u32 $0x4490, s29;
	s29 =	simm.s32 $0x8;
	v10 =	vmov s28  }
.LBB2_3:
0x81: {  	p1 =	sne.s32 s29, $0x7C;
	v10 =	vand.u32 $0x7C, v10;
	[tilespmem:v9+s26+$0x0] =	vst.idx.msk $0xffff, v8;
	s2 =	sadd.s32 $0x200, s2  }
0x82: {  	v8 =	vld [tilespmem:s2+$0xFFFFFF00];
	v9 =	vadd.s32 v0, v10;
	_ =	sdelay $0x2  }
0x83: {  	s30 =	sadd.s32 $0x1, s28  }
0x84: {  	v10 =	vmov s30  }
0x85: {  	[tilespmem:v9+s26+$0x0] =	vst.idx.msk $0xffff, v8;
	v8 =	vand.u32 $0x7D, v10  }
0x86: {  	v9 =	vld [tilespmem:s2+$0xFFFFFF80];
	v8 =	vadd.s32 v0, v8;
	_ =	sdelay $0x2  }
0x87: {  	s30 =	sadd.s32 $0x2, s28  }
0x88: {  	v10 =	vmov s30  }
0x89: {  	[tilespmem:v8+s26+$0x0] =	vst.idx.msk $0xffff, v9;
	v8 =	vand.u32 $0x7E, v10  }
0x8a: {  	v9 =	vld [tilespmem:s2+$0x0];
	v8 =	vadd.s32 v0, v8;
	_ =	sdelay $0x2  }
0x8b: {  	s30 =	sadd.s32 $0x3, s28;
	s28 =	smov.u32 s29  }
0x8c: {  	v10 =	vmov s30  }
0x8d: {  	[tilespmem:v8+s26+$0x0] =	vst.idx.msk $0xffff, v9;
	v9 =	vand.u32 $0x7F, v10  }
.Ltmp0:
0x8e: {  	v8 =	vld [tilespmem:s2+$0x80];
	v9 =	vadd.s32 v0, v9;
	(pc) =	sbr.rel @p1 .LBB2_3-.Ltmp0, $2  }
0x8f: {  	_ =	sdelay $0x2  }
0x90: {  	s29 =	sadd.s32 $0x4, s29;
	v10 =	vmov s28  }
0x91: {  	_ =	sdelay $0x3  }
0x92: {  	v10 =	vand.u32 $0x7C, v10;
	[tilespmem:v9+s26+$0x0] =	vst.idx.msk $0xffff, v8;
	s2 =	sadd.s32 $0x200, s2  }
0x93: {  	v8 =	vld [tilespmem:s2+$0xFFFFFF00];
	v9 =	vadd.s32 v0, v10;
	_ =	sdelay $0x2  }
0x94: {  	s29 =	sadd.s32 $0x1, s28  }
0x95: {  	v10 =	vmov s29  }
0x96: {  	[tilespmem:v9+s26+$0x0] =	vst.idx.msk $0xffff, v8;
	v8 =	vand.u32 $0x7D, v10  }
0x97: {  	v9 =	vld [tilespmem:s2+$0xFFFFFF80];
	v8 =	vadd.s32 v0, v8;
	_ =	sdelay $0x2  }
0x98: {  	s29 =	sadd.s32 $0x2, s28  }
0x99: {  	v10 =	vmov s29  }
0x9a: {  	[tilespmem:v8+s26+$0x0] =	vst.idx.msk $0xffff, v9;
	v8 =	vand.u32 $0x7E, v10  }
0x9b: {  	v9 =	vld [tilespmem:s2+$0x0];
	v8 =	vadd.s32 v0, v8;
	_ =	sdelay $0x2  }
0x9c: {  	s28 =	sadd.s32 $0x3, s28  }
0x9d: {  	v10 =	vmov s28  }
0x9e: {  	[tilespmem:v8+s26+$0x0] =	vst.idx.msk $0xffff, v9;
	v8 =	vand.u32 $0x7F, v10  }
0x9f: {  	v9 =	vld [tilespmem:s2+$0x80];
	v8 =	vadd.s32 v0, v8;
	_ =	sdelay $0x2  }
0xa0: {  	s30 =	simm.s32 $0x0  }
0xa1: {  	v10 =	vmov s30  }
0xa2: {  	[tilespmem:v8+s26+$0x0] =	vst.idx.msk $0xffff, v9;
	v8 =	vand.u32 $0x7C, v10  }
0xa3: {  	v9 =	vld [tilespmem:s3+$0xFFFFFE80];
	v8 =	vadd.s32 v1, v8;
	_ =	sdelay $0x2  }
0xa4: {  	s30 =	simm.s32 $0x1  }
0xa5: {  	v10 =	vmov s30  }
0xa6: {  	[tilespmem:v8+s26+$0x0] =	vst.idx.msk $0xffff, v9;
	v8 =	vand.u32 $0x7D, v10  }
0xa7: {  	v9 =	vld [tilespmem:s3+$0xFFFFFF00];
	v8 =	vadd.s32 v1, v8;
	_ =	sdelay $0x2  }
0xa8: {  	s30 =	simm.s32 $0x2  }
0xa9: {  	v10 =	vmov s30  }
0xaa: {  	[tilespmem:v8+s26+$0x0] =	vst.idx.msk $0xffff, v9;
	v8 =	vand.u32 $0x7E, v10  }
0xab: {  	v9 =	vld [tilespmem:s3+$0xFFFFFF80];
	v8 =	vadd.s32 v1, v8;
	_ =	sdelay $0x2  }
0xac: {  	s30 =	simm.s32 $0x3  }
0xad: {  	v10 =	vmov s30  }
0xae: {  	[tilespmem:v8+s26+$0x0] =	vst.idx.msk $0xffff, v9;
	v9 =	vand.u32 $0x7F, v10  }
0xaf: {  	v8 =	vld [tilespmem:s3+$0x0];
	v9 =	vadd.s32 v1, v9;
	_ =	sdelay $0x2  }
0xb0: {  	s29 =	simm.s32 $0x4;
	s28 =	simm.s32 $0xB;
	s2 =	simm.s32 $0x7  }
.LBB2_5:
0xb1: {  	p1 =	sne.s32 s28, $0x7F;
	v10 =	vmov s29  }
0xb2: {  	s3 =	sadd.s32 $0x200, s3;
	v10 =	vand.u32 $0x7C, v10;
	[tilespmem:v9+s26+$0x0] =	vst.idx.msk $0xffff, v8  }
0xb3: {  	v8 =	vld [tilespmem:s3+$0xFFFFFE80];
	v9 =	vadd.s32 v1, v10;
	_ =	sdelay $0x2  }
0xb4: {  	s29 =	sadd.s32 $0xFFFFFFFE, s2  }
0xb5: {  	v10 =	vmov s29  }
0xb6: {  	[tilespmem:v9+s26+$0x0] =	vst.idx.msk $0xffff, v8;
	v8 =	vand.u32 $0x7D, v10  }
0xb7: {  	v9 =	vld [tilespmem:s3+$0xFFFFFF00];
	v8 =	vadd.s32 v1, v8;
	_ =	sdelay $0x2  }
0xb8: {  	s29 =	sadd.s32 $0xFFFFFFFF, s2  }
0xb9: {  	v10 =	vmov s29  }
0xba: {  	[tilespmem:v8+s26+$0x0] =	vst.idx.msk $0xffff, v9;
	v8 =	vand.u32 $0x7E, v10  }
0xbb: {  	v9 =	vld [tilespmem:s3+$0xFFFFFF80];
	v8 =	vadd.s32 v1, v8;
	_ =	sdelay $0x3  }
0xbc: {  	v10 =	vmov s2;
	s2 =	smov.u32 s28  }
.Ltmp1:
0xbd: {  	[tilespmem:v8+s26+$0x0] =	vst.idx.msk $0xffff, v9;
	v9 =	vand.u32 $0x7F, v10;
	(pc) =	sbr.rel @p1 .LBB2_5-.Ltmp1, $2  }
0xbe: {  	v8 =	vld [tilespmem:s3+$0x0];
	v9 =	vadd.s32 v1, v9;
	_ =	sdelay $0x2  }
0xbf: {  	s28 =	sadd.s32 $0x4, s28;
	s29 =	sadd.s32 $0xFFFFFFFD, s2  }
0xc0: {  	_ =	sdelay $0x2  }
0xc1: {  	v10 =	vmov s29  }
0xc2: {  	s3 =	sadd.s32 $0x200, s3;
	v10 =	vand.u32 $0x7C, v10;
	[tilespmem:v9+s26+$0x0] =	vst.idx.msk $0xffff, v8  }
0xc3: {  	v8 =	vld [tilespmem:s3+$0xFFFFFE80];
	v9 =	vadd.s32 v1, v10;
	_ =	sdelay $0x2  }
0xc4: {  	s28 =	sadd.s32 $0xFFFFFFFE, s2  }
0xc5: {  	v10 =	vmov s28  }
0xc6: {  	[tilespmem:v9+s26+$0x0] =	vst.idx.msk $0xffff, v8;
	v8 =	vand.u32 $0x7D, v10  }
0xc7: {  	v9 =	vld [tilespmem:s3+$0xFFFFFF00];
	v8 =	vadd.s32 v1, v8;
	_ =	sdelay $0x2  }
0xc8: {  	s30 =	sadd.s32 $0xFFFFFFFF, s2  }
0xc9: {  	v10 =	vmov s30  }
0xca: {  	[tilespmem:v8+s26+$0x0] =	vst.idx.msk $0xffff, v9;
	v8 =	vand.u32 $0x7E, v10  }
0xcb: {  	v9 =	vld [tilespmem:s3+$0xFFFFFF80];
	v8 =	vadd.s32 v1, v8;
	_ =	sdelay $0x3  }
0xcc: {  	v10 =	vmov s2  }
0xcd: {  	[tilespmem:v8+s26+$0x0] =	vst.idx.msk $0xffff, v9;
	v8 =	vand.u32 $0x7F, v10  }
0xce: {  	v9 =	vld [tilespmem:s3+$0x0];
	v8 =	vadd.s32 v1, v8;
	_ =	sdelay $0x2  }
0xcf: {  	s3 =	simm.s32 $0x0  }
0xd0: {  	v10 =	vmov s3  }
0xd1: {  	[tilespmem:v8+s26+$0x0] =	vst.idx.msk $0xffff, v9;
	v8 =	vand.u32 $0x7C, v10  }
0xd2: {  	v9 =	vld [tilespmem:s19+$0xFFFFFF00];
	v8 =	vadd.s32 v2, v8;
	_ =	sdelay $0x2  }
0xd3: {  	s28 =	simm.s32 $0x1  }
0xd4: {  	v10 =	vmov s28  }
0xd5: {  	[tilespmem:v8+s26+$0x0] =	vst.idx.msk $0xffff, v9;
	v8 =	vand.u32 $0x7D, v10  }
0xd6: {  	v9 =	vld [tilespmem:s19+$0xFFFFFF80];
	v8 =	vadd.s32 v2, v8;
	_ =	sdelay $0x2  }
0xd7: {  	s29 =	simm.s32 $0x2  }
0xd8: {  	v10 =	vmov s29  }
0xd9: {  	[tilespmem:v8+s26+$0x0] =	vst.idx.msk $0xffff, v9;
	v8 =	vand.u32 $0x7E, v10  }
0xda: {  	v9 =	vld [tilespmem:s19+$0x0];
	v8 =	vadd.s32 v2, v8;
	_ =	sdelay $0x2  }
0xdb: {  	s30 =	simm.s32 $0x3  }
0xdc: {  	v10 =	vmov s30  }
0xdd: {  	[tilespmem:v8+s26+$0x0] =	vst.idx.msk $0xffff, v9;
	v9 =	vand.u32 $0x7F, v10  }
0xde: {  	v8 =	vld [tilespmem:s19+$0x80];
	v9 =	vadd.s32 v2, v9;
	_ =	sdelay $0x2  }
0xdf: {  	s2 =	simm.s32 $0x4  }
0xe0: {  	s3 =	simm.s32 $0x8;
	v10 =	vmov s2  }
.LBB2_7:
0xe1: {  	p1 =	sne.s32 s3, $0x7C;
	v10 =	vand.u32 $0x7C, v10;
	[tilespmem:v9+s26+$0x0] =	vst.idx.msk $0xffff, v8;
	s19 =	sadd.s32 $0x200, s19  }
0xe2: {  	v8 =	vld [tilespmem:s19+$0xFFFFFF00];
	v9 =	vadd.s32 v2, v10;
	_ =	sdelay $0x2  }
0xe3: {  	s28 =	sadd.s32 $0x1, s2  }
0xe4: {  	v10 =	vmov s28  }
0xe5: {  	[tilespmem:v9+s26+$0x0] =	vst.idx.msk $0xffff, v8;
	v8 =	vand.u32 $0x7D, v10  }
0xe6: {  	v9 =	vld [tilespmem:s19+$0xFFFFFF80];
	v8 =	vadd.s32 v2, v8;
	_ =	sdelay $0x2  }
0xe7: {  	s28 =	sadd.s32 $0x2, s2  }
0xe8: {  	v10 =	vmov s28  }
0xe9: {  	[tilespmem:v8+s26+$0x0] =	vst.idx.msk $0xffff, v9;
	v8 =	vand.u32 $0x7E, v10  }
0xea: {  	v9 =	vld [tilespmem:s19+$0x0];
	v8 =	vadd.s32 v2, v8;
	_ =	sdelay $0x2  }
0xeb: {  	s28 =	sadd.s32 $0x3, s2;
	s2 =	smov.u32 s3  }
0xec: {  	v10 =	vmov s28  }
0xed: {  	[tilespmem:v8+s26+$0x0] =	vst.idx.msk $0xffff, v9;
	v9 =	vand.u32 $0x7F, v10  }
.Ltmp2:
0xee: {  	v8 =	vld [tilespmem:s19+$0x80];
	v9 =	vadd.s32 v2, v9;
	(pc) =	sbr.rel @p1 .LBB2_7-.Ltmp2, $2  }
0xef: {  	_ =	sdelay $0x2  }
0xf0: {  	s3 =	sadd.s32 $0x4, s3;
	v10 =	vmov s2  }
0xf1: {  	_ =	sdelay $0x3  }
0xf2: {  	v10 =	vand.u32 $0x7C, v10;
	[tilespmem:v9+s26+$0x0] =	vst.idx.msk $0xffff, v8;
	s3 =	sadd.s32 $0x200, s19  }
0xf3: {  	v8 =	vld [tilespmem:s3+$0xFFFFFF00];
	v9 =	vadd.s32 v2, v10;
	_ =	sdelay $0x2  }
0xf4: {  	s28 =	sadd.s32 $0x1, s2  }
0xf5: {  	v10 =	vmov s28  }
0xf6: {  	[tilespmem:v9+s26+$0x0] =	vst.idx.msk $0xffff, v8;
	v8 =	vand.u32 $0x7D, v10  }
0xf7: {  	v9 =	vld [tilespmem:s3+$0xFFFFFF80];
	v8 =	vadd.s32 v2, v8;
	_ =	sdelay $0x2  }
0xf8: {  	s29 =	sadd.s32 $0x2, s2  }
0xf9: {  	v10 =	vmov s29  }
0xfa: {  	[tilespmem:v8+s26+$0x0] =	vst.idx.msk $0xffff, v9;
	v8 =	vand.u32 $0x7E, v10  }
0xfb: {  	v9 =	vld [tilespmem:s3+$0x0];
	v8 =	vadd.s32 v2, v8;
	_ =	sdelay $0x2  }
0xfc: {  	s30 =	sadd.s32 $0x3, s2  }
0xfd: {  	v10 =	vmov s30  }
0xfe: {  	[tilespmem:v8+s26+$0x0] =	vst.idx.msk $0xffff, v9;
	v8 =	vand.u32 $0x7F, v10  }
0xff: {  	v9 =	vld [tilespmem:s3+$0x80];
	v8 =	vadd.s32 v2, v8;
	_ =	sdelay $0x2  }
0x100: {  	s19 =	simm.s32 $0x0  }
0x101: {  	v10 =	vmov s19  }
0x102: {  	[tilespmem:v8+s26+$0x0] =	vst.idx.msk $0xffff, v9;
	v8 =	vand.u32 $0x7C, v10  }
0x103: {  	v9 =	vld [tilespmem:s21+$0xFFFFFE80];
	v8 =	vadd.s32 v3, v8;
	_ =	sdelay $0x2  }
0x104: {  	s28 =	simm.s32 $0x1  }
0x105: {  	v10 =	vmov s28  }
0x106: {  	[tilespmem:v8+s26+$0x0] =	vst.idx.msk $0xffff, v9;
	v8 =	vand.u32 $0x7D, v10  }
0x107: {  	v9 =	vld [tilespmem:s21+$0xFFFFFF00];
	v8 =	vadd.s32 v3, v8;
	_ =	sdelay $0x2  }
0x108: {  	s29 =	simm.s32 $0x2  }
0x109: {  	v10 =	vmov s29  }
0x10a: {  	[tilespmem:v8+s26+$0x0] =	vst.idx.msk $0xffff, v9;
	v8 =	vand.u32 $0x7E, v10  }
0x10b: {  	v9 =	vld [tilespmem:s21+$0xFFFFFF80];
	v8 =	vadd.s32 v3, v8;
	_ =	sdelay $0x2  }
0x10c: {  	s30 =	simm.s32 $0x3  }
0x10d: {  	v10 =	vmov s30  }
0x10e: {  	[tilespmem:v8+s26+$0x0] =	vst.idx.msk $0xffff, v9;
	v9 =	vand.u32 $0x7F, v10  }
0x10f: {  	v8 =	vld [tilespmem:s21+$0x0];
	v9 =	vadd.s32 v3, v9;
	_ =	sdelay $0x2  }
0x110: {  	s2 =	simm.s32 $0x7;
	s19 =	simm.s32 $0x4;
	s3 =	simm.s32 $0xB  }
.LBB2_9:
0x111: {  	p1 =	sne.s32 s3, $0x7F;
	v10 =	vmov s19  }
0x112: {  	s21 =	sadd.s32 $0x200, s21;
	v10 =	vand.u32 $0x7C, v10;
	[tilespmem:v9+s26+$0x0] =	vst.idx.msk $0xffff, v8  }
0x113: {  	v8 =	vld [tilespmem:s21+$0xFFFFFE80];
	v9 =	vadd.s32 v3, v10;
	_ =	sdelay $0x2  }
0x114: {  	s19 =	sadd.s32 $0xFFFFFFFE, s2  }
0x115: {  	v10 =	vmov s19  }
0x116: {  	[tilespmem:v9+s26+$0x0] =	vst.idx.msk $0xffff, v8;
	v8 =	vand.u32 $0x7D, v10  }
0x117: {  	v9 =	vld [tilespmem:s21+$0xFFFFFF00];
	v8 =	vadd.s32 v3, v8;
	_ =	sdelay $0x2  }
0x118: {  	s19 =	sadd.s32 $0xFFFFFFFF, s2  }
0x119: {  	v10 =	vmov s19  }
0x11a: {  	[tilespmem:v8+s26+$0x0] =	vst.idx.msk $0xffff, v9;
	v8 =	vand.u32 $0x7E, v10  }
0x11b: {  	v9 =	vld [tilespmem:s21+$0xFFFFFF80];
	v8 =	vadd.s32 v3, v8;
	_ =	sdelay $0x3  }
0x11c: {  	v10 =	vmov s2;
	s2 =	smov.u32 s3  }
.Ltmp3:
0x11d: {  	[tilespmem:v8+s26+$0x0] =	vst.idx.msk $0xffff, v9;
	v9 =	vand.u32 $0x7F, v10;
	(pc) =	sbr.rel @p1 .LBB2_9-.Ltmp3, $2  }
0x11e: {  	v8 =	vld [tilespmem:s21+$0x0];
	v9 =	vadd.s32 v3, v9;
	_ =	sdelay $0x2  }
0x11f: {  	s3 =	sadd.s32 $0x4, s3;
	s19 =	sadd.s32 $0xFFFFFFFD, s2  }
0x120: {  	_ =	sdelay $0x2  }
0x121: {  	v10 =	vmov s19  }
0x122: {  	s3 =	sadd.s32 $0x200, s21;
	v10 =	vand.u32 $0x7C, v10;
	[tilespmem:v9+s26+$0x0] =	vst.idx.msk $0xffff, v8  }
0x123: {  	v8 =	vld [tilespmem:s3+$0xFFFFFE80];
	v9 =	vadd.s32 v3, v10;
	_ =	sdelay $0x2  }
0x124: {  	s29 =	sadd.s32 $0xFFFFFFFE, s2  }
0x125: {  	v10 =	vmov s29  }
0x126: {  	[tilespmem:v9+s26+$0x0] =	vst.idx.msk $0xffff, v8;
	v8 =	vand.u32 $0x7D, v10  }
0x127: {  	v9 =	vld [tilespmem:s3+$0xFFFFFF00];
	v8 =	vadd.s32 v3, v8;
	_ =	sdelay $0x2  }
0x128: {  	s30 =	sadd.s32 $0xFFFFFFFF, s2  }
0x129: {  	v10 =	vmov s30  }
0x12a: {  	[tilespmem:v8+s26+$0x0] =	vst.idx.msk $0xffff, v9;
	v8 =	vand.u32 $0x7E, v10  }
0x12b: {  	v9 =	vld [tilespmem:s3+$0xFFFFFF80];
	v8 =	vadd.s32 v3, v8;
	_ =	sdelay $0x3  }
0x12c: {  	v10 =	vmov s2  }
0x12d: {  	[tilespmem:v8+s26+$0x0] =	vst.idx.msk $0xffff, v9;
	v8 =	vand.u32 $0x7F, v10  }
0x12e: {  	v9 =	vld [tilespmem:s3+$0x0];
	v8 =	vadd.s32 v3, v8;
	_ =	sdelay $0x2  }
0x12f: {  	s21 =	simm.s32 $0x0  }
0x130: {  	v10 =	vmov s21  }
0x131: {  	[tilespmem:v8+s26+$0x0] =	vst.idx.msk $0xffff, v9;
	v8 =	vand.u32 $0x7C, v10  }
0x132: {  	v9 =	vld [tilespmem:s8+$0xFFFFFF00];
	v8 =	vadd.s32 v4, v8;
	_ =	sdelay $0x2  }
0x133: {  	s28 =	simm.s32 $0x1  }
0x134: {  	v10 =	vmov s28  }
0x135: {  	[tilespmem:v8+s26+$0x0] =	vst.idx.msk $0xffff, v9;
	v8 =	vand.u32 $0x7D, v10  }
0x136: {  	v9 =	vld [tilespmem:s8+$0xFFFFFF80];
	v8 =	vadd.s32 v4, v8;
	_ =	sdelay $0x2  }
0x137: {  	s29 =	simm.s32 $0x2  }
0x138: {  	v10 =	vmov s29  }
0x139: {  	[tilespmem:v8+s26+$0x0] =	vst.idx.msk $0xffff, v9;
	v8 =	vand.u32 $0x7E, v10  }
0x13a: {  	v9 =	vld [tilespmem:s8+$0x0];
	v8 =	vadd.s32 v4, v8;
	_ =	sdelay $0x2  }
0x13b: {  	s30 =	simm.s32 $0x3  }
0x13c: {  	v10 =	vmov s30  }
0x13d: {  	[tilespmem:v8+s26+$0x0] =	vst.idx.msk $0xffff, v9;
	v9 =	vand.u32 $0x7F, v10  }
0x13e: {  	v8 =	vld [tilespmem:s8+$0x80];
	v9 =	vadd.s32 v4, v9;
	_ =	sdelay $0x2  }
0x13f: {  	s2 =	simm.s32 $0x4  }
0x140: {  	s3 =	simm.s32 $0x8;
	v10 =	vmov s2  }
.LBB2_11:
0x141: {  	p1 =	sne.s32 s3, $0x7C;
	v10 =	vand.u32 $0x7C, v10;
	[tilespmem:v9+s26+$0x0] =	vst.idx.msk $0xffff, v8;
	s8 =	sadd.s32 $0x200, s8  }
0x142: {  	v8 =	vld [tilespmem:s8+$0xFFFFFF00];
	v9 =	vadd.s32 v4, v10;
	_ =	sdelay $0x2  }
0x143: {  	s19 =	sadd.s32 $0x1, s2  }
0x144: {  	v10 =	vmov s19  }
0x145: {  	[tilespmem:v9+s26+$0x0] =	vst.idx.msk $0xffff, v8;
	v8 =	vand.u32 $0x7D, v10  }
0x146: {  	v9 =	vld [tilespmem:s8+$0xFFFFFF80];
	v8 =	vadd.s32 v4, v8;
	_ =	sdelay $0x2  }
0x147: {  	s19 =	sadd.s32 $0x2, s2  }
0x148: {  	v10 =	vmov s19  }
0x149: {  	[tilespmem:v8+s26+$0x0] =	vst.idx.msk $0xffff, v9;
	v8 =	vand.u32 $0x7E, v10  }
0x14a: {  	v9 =	vld [tilespmem:s8+$0x0];
	v8 =	vadd.s32 v4, v8;
	_ =	sdelay $0x2  }
0x14b: {  	s19 =	sadd.s32 $0x3, s2;
	s2 =	smov.u32 s3  }
0x14c: {  	v10 =	vmov s19  }
0x14d: {  	[tilespmem:v8+s26+$0x0] =	vst.idx.msk $0xffff, v9;
	v9 =	vand.u32 $0x7F, v10  }
.Ltmp4:
0x14e: {  	v8 =	vld [tilespmem:s8+$0x80];
	v9 =	vadd.s32 v4, v9;
	(pc) =	sbr.rel @p1 .LBB2_11-.Ltmp4, $2  }
0x14f: {  	_ =	sdelay $0x2  }
0x150: {  	s3 =	sadd.s32 $0x4, s3;
	v10 =	vmov s2  }
0x151: {  	_ =	sdelay $0x3  }
0x152: {  	v10 =	vand.u32 $0x7C, v10;
	[tilespmem:v9+s26+$0x0] =	vst.idx.msk $0xffff, v8;
	s3 =	sadd.s32 $0x200, s8  }
0x153: {  	v8 =	vld [tilespmem:s3+$0xFFFFFF00];
	v9 =	vadd.s32 v4, v10;
	_ =	sdelay $0x2  }
0x154: {  	s29 =	sadd.s32 $0x1, s2  }
0x155: {  	v10 =	vmov s29  }
0x156: {  	[tilespmem:v9+s26+$0x0] =	vst.idx.msk $0xffff, v8;
	v8 =	vand.u32 $0x7D, v10  }
0x157: {  	v9 =	vld [tilespmem:s3+$0xFFFFFF80];
	v8 =	vadd.s32 v4, v8;
	_ =	sdelay $0x2  }
0x158: {  	s30 =	sadd.s32 $0x2, s2  }
0x159: {  	v10 =	vmov s30  }
0x15a: {  	[tilespmem:v8+s26+$0x0] =	vst.idx.msk $0xffff, v9;
	v8 =	vand.u32 $0x7E, v10  }
0x15b: {  	v9 =	vld [tilespmem:s3+$0x0];
	v8 =	vadd.s32 v4, v8;
	_ =	sdelay $0x2  }
0x15c: {  	s19 =	sadd.s32 $0x3, s2  }
0x15d: {  	v10 =	vmov s19  }
0x15e: {  	[tilespmem:v8+s26+$0x0] =	vst.idx.msk $0xffff, v9;
	v8 =	vand.u32 $0x7F, v10  }
0x15f: {  	v9 =	vld [tilespmem:s3+$0x80];
	v8 =	vadd.s32 v4, v8;
	_ =	sdelay $0x2  }
0x160: {  	s21 =	simm.s32 $0x0  }
0x161: {  	v10 =	vmov s21  }
0x162: {  	[tilespmem:v8+s26+$0x0] =	vst.idx.msk $0xffff, v9;
	v8 =	vand.u32 $0x7C, v10  }
0x163: {  	v9 =	vld [tilespmem:s18+$0xFFFFFE80];
	v8 =	vadd.s32 v5, v8;
	_ =	sdelay $0x2  }
0x164: {  	s28 =	simm.s32 $0x1  }
0x165: {  	v10 =	vmov s28  }
0x166: {  	[tilespmem:v8+s26+$0x0] =	vst.idx.msk $0xffff, v9;
	v8 =	vand.u32 $0x7D, v10  }
0x167: {  	v9 =	vld [tilespmem:s18+$0xFFFFFF00];
	v8 =	vadd.s32 v5, v8;
	_ =	sdelay $0x2  }
0x168: {  	s29 =	simm.s32 $0x2  }
0x169: {  	v10 =	vmov s29  }
0x16a: {  	[tilespmem:v8+s26+$0x0] =	vst.idx.msk $0xffff, v9;
	v8 =	vand.u32 $0x7E, v10  }
0x16b: {  	v9 =	vld [tilespmem:s18+$0xFFFFFF80];
	v8 =	vadd.s32 v5, v8;
	_ =	sdelay $0x2  }
0x16c: {  	s30 =	simm.s32 $0x3  }
0x16d: {  	v10 =	vmov s30  }
0x16e: {  	[tilespmem:v8+s26+$0x0] =	vst.idx.msk $0xffff, v9;
	v9 =	vand.u32 $0x7F, v10  }
0x16f: {  	v8 =	vld [tilespmem:s18+$0x0];
	v9 =	vadd.s32 v5, v9;
	_ =	sdelay $0x2  }
0x170: {  	s2 =	simm.s32 $0x7;
	s8 =	simm.s32 $0x4;
	s3 =	simm.s32 $0xB  }
.LBB2_13:
0x171: {  	p1 =	sne.s32 s3, $0x7F;
	v10 =	vmov s8  }
0x172: {  	s18 =	sadd.s32 $0x200, s18;
	v10 =	vand.u32 $0x7C, v10;
	[tilespmem:v9+s26+$0x0] =	vst.idx.msk $0xffff, v8  }
0x173: {  	v8 =	vld [tilespmem:s18+$0xFFFFFE80];
	v9 =	vadd.s32 v5, v10;
	_ =	sdelay $0x2  }
0x174: {  	s8 =	sadd.s32 $0xFFFFFFFE, s2  }
0x175: {  	v10 =	vmov s8  }
0x176: {  	[tilespmem:v9+s26+$0x0] =	vst.idx.msk $0xffff, v8;
	v8 =	vand.u32 $0x7D, v10  }
0x177: {  	v9 =	vld [tilespmem:s18+$0xFFFFFF00];
	v8 =	vadd.s32 v5, v8;
	_ =	sdelay $0x2  }
0x178: {  	s8 =	sadd.s32 $0xFFFFFFFF, s2  }
0x179: {  	v10 =	vmov s8  }
0x17a: {  	[tilespmem:v8+s26+$0x0] =	vst.idx.msk $0xffff, v9;
	v8 =	vand.u32 $0x7E, v10  }
0x17b: {  	v9 =	vld [tilespmem:s18+$0xFFFFFF80];
	v8 =	vadd.s32 v5, v8;
	_ =	sdelay $0x3  }
0x17c: {  	v10 =	vmov s2;
	s2 =	smov.u32 s3  }
.Ltmp5:
0x17d: {  	[tilespmem:v8+s26+$0x0] =	vst.idx.msk $0xffff, v9;
	v9 =	vand.u32 $0x7F, v10;
	(pc) =	sbr.rel @p1 .LBB2_13-.Ltmp5, $2  }
0x17e: {  	v8 =	vld [tilespmem:s18+$0x0];
	v9 =	vadd.s32 v5, v9;
	_ =	sdelay $0x2  }
0x17f: {  	s3 =	sadd.s32 $0x4, s3;
	s8 =	sadd.s32 $0xFFFFFFFD, s2  }
0x180: {  	_ =	sdelay $0x2  }
0x181: {  	v10 =	vmov s8  }
0x182: {  	s3 =	sadd.s32 $0x200, s18;
	v10 =	vand.u32 $0x7C, v10;
	[tilespmem:v9+s26+$0x0] =	vst.idx.msk $0xffff, v8  }
0x183: {  	v8 =	vld [tilespmem:s3+$0xFFFFFE80];
	v9 =	vadd.s32 v5, v10;
	_ =	sdelay $0x2  }
0x184: {  	s18 =	sadd.s32 $0xFFFFFFFE, s2  }
0x185: {  	v10 =	vmov s18  }
0x186: {  	[tilespmem:v9+s26+$0x0] =	vst.idx.msk $0xffff, v8;
	v8 =	vand.u32 $0x7D, v10  }
0x187: {  	v9 =	vld [tilespmem:s3+$0xFFFFFF00];
	v8 =	vadd.s32 v5, v8;
	_ =	sdelay $0x2  }
0x188: {  	s19 =	sadd.s32 $0xFFFFFFFF, s2  }
0x189: {  	v10 =	vmov s19  }
0x18a: {  	[tilespmem:v8+s26+$0x0] =	vst.idx.msk $0xffff, v9;
	v8 =	vand.u32 $0x7E, v10  }
0x18b: {  	v9 =	vld [tilespmem:s3+$0xFFFFFF80];
	v8 =	vadd.s32 v5, v8;
	_ =	sdelay $0x3  }
0x18c: {  	v10 =	vmov s2  }
0x18d: {  	[tilespmem:v8+s26+$0x0] =	vst.idx.msk $0xffff, v9;
	v8 =	vand.u32 $0x7F, v10  }
0x18e: {  	v9 =	vld [tilespmem:s3+$0x0];
	v8 =	vadd.s32 v5, v8;
	_ =	sdelay $0x2  }
0x18f: {  	s21 =	simm.s32 $0x0  }
0x190: {  	v10 =	vmov s21  }
0x191: {  	[tilespmem:v8+s26+$0x0] =	vst.idx.msk $0xffff, v9;
	v8 =	vand.u32 $0x7C, v10  }
0x192: {  	v9 =	vld [tilespmem:s10+$0xFFFFFF00];
	v8 =	vadd.s32 v6, v8;
	_ =	sdelay $0x2  }
0x193: {  	s28 =	simm.s32 $0x1  }
0x194: {  	v10 =	vmov s28  }
0x195: {  	[tilespmem:v8+s26+$0x0] =	vst.idx.msk $0xffff, v9;
	v8 =	vand.u32 $0x7D, v10  }
0x196: {  	v9 =	vld [tilespmem:s10+$0xFFFFFF80];
	v8 =	vadd.s32 v6, v8;
	_ =	sdelay $0x2  }
0x197: {  	s29 =	simm.s32 $0x2  }
0x198: {  	v10 =	vmov s29  }
0x199: {  	[tilespmem:v8+s26+$0x0] =	vst.idx.msk $0xffff, v9;
	v8 =	vand.u32 $0x7E, v10  }
0x19a: {  	v9 =	vld [tilespmem:s10+$0x0];
	v8 =	vadd.s32 v6, v8;
	_ =	sdelay $0x2  }
0x19b: {  	s30 =	simm.s32 $0x3  }
0x19c: {  	v10 =	vmov s30  }
0x19d: {  	[tilespmem:v8+s26+$0x0] =	vst.idx.msk $0xffff, v9;
	v9 =	vand.u32 $0x7F, v10  }
0x19e: {  	v8 =	vld [tilespmem:s10+$0x80];
	v9 =	vadd.s32 v6, v9;
	_ =	sdelay $0x2  }
0x19f: {  	s2 =	simm.s32 $0x4  }
0x1a0: {  	s3 =	simm.s32 $0x8;
	v10 =	vmov s2  }
.LBB2_15:
0x1a1: {  	p1 =	sne.s32 s3, $0x7C;
	v10 =	vand.u32 $0x7C, v10;
	[tilespmem:v9+s26+$0x0] =	vst.idx.msk $0xffff, v8;
	s10 =	sadd.s32 $0x200, s10  }
0x1a2: {  	v8 =	vld [tilespmem:s10+$0xFFFFFF00];
	v9 =	vadd.s32 v6, v10;
	_ =	sdelay $0x2  }
0x1a3: {  	s8 =	sadd.s32 $0x1, s2  }
0x1a4: {  	v10 =	vmov s8  }
0x1a5: {  	[tilespmem:v9+s26+$0x0] =	vst.idx.msk $0xffff, v8;
	v8 =	vand.u32 $0x7D, v10  }
0x1a6: {  	v9 =	vld [tilespmem:s10+$0xFFFFFF80];
	v8 =	vadd.s32 v6, v8;
	_ =	sdelay $0x2  }
0x1a7: {  	s8 =	sadd.s32 $0x2, s2  }
0x1a8: {  	v10 =	vmov s8  }
0x1a9: {  	[tilespmem:v8+s26+$0x0] =	vst.idx.msk $0xffff, v9;
	v8 =	vand.u32 $0x7E, v10  }
0x1aa: {  	v9 =	vld [tilespmem:s10+$0x0];
	v8 =	vadd.s32 v6, v8;
	_ =	sdelay $0x2  }
0x1ab: {  	s8 =	sadd.s32 $0x3, s2;
	s2 =	smov.u32 s3  }
0x1ac: {  	v10 =	vmov s8  }
0x1ad: {  	[tilespmem:v8+s26+$0x0] =	vst.idx.msk $0xffff, v9;
	v9 =	vand.u32 $0x7F, v10  }
.Ltmp6:
0x1ae: {  	v8 =	vld [tilespmem:s10+$0x80];
	v9 =	vadd.s32 v6, v9;
	(pc) =	sbr.rel @p1 .LBB2_15-.Ltmp6, $2  }
0x1af: {  	_ =	sdelay $0x2  }
0x1b0: {  	s3 =	sadd.s32 $0x4, s3;
	v10 =	vmov s2  }
0x1b1: {  	_ =	sdelay $0x3  }
0x1b2: {  	v10 =	vand.u32 $0x7C, v10;
	[tilespmem:v9+s26+$0x0] =	vst.idx.msk $0xffff, v8;
	s3 =	sadd.s32 $0x200, s10  }
0x1b3: {  	v8 =	vld [tilespmem:s3+$0xFFFFFF00];
	v9 =	vadd.s32 v6, v10;
	_ =	sdelay $0x2  }
0x1b4: {  	s8 =	sadd.s32 $0x1, s2  }
0x1b5: {  	v10 =	vmov s8  }
0x1b6: {  	[tilespmem:v9+s26+$0x0] =	vst.idx.msk $0xffff, v8;
	v8 =	vand.u32 $0x7D, v10  }
0x1b7: {  	v9 =	vld [tilespmem:s3+$0xFFFFFF80];
	v8 =	vadd.s32 v6, v8;
	_ =	sdelay $0x2  }
0x1b8: {  	s18 =	sadd.s32 $0x2, s2  }
0x1b9: {  	v10 =	vmov s18  }
0x1ba: {  	[tilespmem:v8+s26+$0x0] =	vst.idx.msk $0xffff, v9;
	v8 =	vand.u32 $0x7E, v10  }
0x1bb: {  	v9 =	vld [tilespmem:s3+$0x0];
	v8 =	vadd.s32 v6, v8;
	_ =	sdelay $0x2  }
0x1bc: {  	s19 =	sadd.s32 $0x3, s2  }
0x1bd: {  	v10 =	vmov s19  }
0x1be: {  	[tilespmem:v8+s26+$0x0] =	vst.idx.msk $0xffff, v9;
	v8 =	vand.u32 $0x7F, v10  }
0x1bf: {  	v9 =	vld [tilespmem:s3+$0x80];
	v8 =	vadd.s32 v6, v8;
	_ =	sdelay $0x2  }
0x1c0: {  	s21 =	simm.s32 $0x0  }
0x1c1: {  	v10 =	vmov s21  }
0x1c2: {  	[tilespmem:v8+s26+$0x0] =	vst.idx.msk $0xffff, v9;
	v8 =	vand.u32 $0x7C, v10  }
0x1c3: {  	v9 =	vld [tilespmem:s20+$0xFFFFFE80];
	v8 =	vadd.s32 v7, v8;
	_ =	sdelay $0x2  }
0x1c4: {  	s28 =	simm.s32 $0x1  }
0x1c5: {  	v10 =	vmov s28  }
0x1c6: {  	[tilespmem:v8+s26+$0x0] =	vst.idx.msk $0xffff, v9;
	v8 =	vand.u32 $0x7D, v10  }
0x1c7: {  	v9 =	vld [tilespmem:s20+$0xFFFFFF00];
	v8 =	vadd.s32 v7, v8;
	_ =	sdelay $0x2  }
0x1c8: {  	s29 =	simm.s32 $0x2  }
0x1c9: {  	v10 =	vmov s29  }
0x1ca: {  	[tilespmem:v8+s26+$0x0] =	vst.idx.msk $0xffff, v9;
	v8 =	vand.u32 $0x7E, v10  }
0x1cb: {  	v9 =	vld [tilespmem:s20+$0xFFFFFF80];
	v8 =	vadd.s32 v7, v8;
	_ =	sdelay $0x2  }
0x1cc: {  	s30 =	simm.s32 $0x3  }
0x1cd: {  	v10 =	vmov s30  }
0x1ce: {  	[tilespmem:v8+s26+$0x0] =	vst.idx.msk $0xffff, v9;
	v9 =	vand.u32 $0x7F, v10  }
0x1cf: {  	v8 =	vld [tilespmem:s20+$0x0];
	v9 =	vadd.s32 v7, v9;
	_ =	sdelay $0x2  }
0x1d0: {  	s2 =	simm.s32 $0x7;
	s8 =	simm.s32 $0x4;
	s3 =	simm.s32 $0xB  }
.LBB2_17:
0x1d1: {  	p1 =	sne.s32 s3, $0x7F;
	v10 =	vmov s8  }
0x1d2: {  	s20 =	sadd.s32 $0x200, s20;
	v10 =	vand.u32 $0x7C, v10;
	[tilespmem:v9+s26+$0x0] =	vst.idx.msk $0xffff, v8  }
0x1d3: {  	v8 =	vld [tilespmem:s20+$0xFFFFFE80];
	v9 =	vadd.s32 v7, v10;
	_ =	sdelay $0x2  }
0x1d4: {  	s8 =	sadd.s32 $0xFFFFFFFE, s2  }
0x1d5: {  	v10 =	vmov s8  }
0x1d6: {  	[tilespmem:v9+s26+$0x0] =	vst.idx.msk $0xffff, v8;
	v8 =	vand.u32 $0x7D, v10  }
0x1d7: {  	v9 =	vld [tilespmem:s20+$0xFFFFFF00];
	v8 =	vadd.s32 v7, v8;
	_ =	sdelay $0x2  }
0x1d8: {  	s8 =	sadd.s32 $0xFFFFFFFF, s2  }
0x1d9: {  	v10 =	vmov s8  }
0x1da: {  	[tilespmem:v8+s26+$0x0] =	vst.idx.msk $0xffff, v9;
	v8 =	vand.u32 $0x7E, v10  }
0x1db: {  	v9 =	vld [tilespmem:s20+$0xFFFFFF80];
	v8 =	vadd.s32 v7, v8;
	_ =	sdelay $0x3  }
0x1dc: {  	v10 =	vmov s2;
	s2 =	smov.u32 s3  }
.Ltmp7:
0x1dd: {  	[tilespmem:v8+s26+$0x0] =	vst.idx.msk $0xffff, v9;
	v9 =	vand.u32 $0x7F, v10;
	(pc) =	sbr.rel @p1 .LBB2_17-.Ltmp7, $2  }
0x1de: {  	v8 =	vld [tilespmem:s20+$0x0];
	v9 =	vadd.s32 v7, v9;
	_ =	sdelay $0x2  }
0x1df: {  	s3 =	sadd.s32 $0x4, s3;
	s8 =	sadd.s32 $0xFFFFFFFD, s2  }
0x1e0: {  	_ =	sdelay $0x2  }
0x1e1: {  	v10 =	vmov s8  }
0x1e2: {  	s3 =	sadd.s32 $0x200, s20;
	v10 =	vand.u32 $0x7C, v10;
	[tilespmem:v9+s26+$0x0] =	vst.idx.msk $0xffff, v8  }
0x1e3: {  	v8 =	vld [tilespmem:s3+$0xFFFFFE80];
	v60 =	vadd.s32 v7, v10;
	_ =	sdelay $0x2  }
0x1e4: {  	s20 =	sadd.s32 $0xFFFFFFFE, s2  }
0x1e5: {  	v61 =	vmov s20  }
0x1e6: {  	[tilespmem:v60+s26+$0x0] =	vst.idx.msk $0xffff, v8;
	v8 =	vand.u32 $0x7D, v61  }
0x1e7: {  	v9 =	vld [tilespmem:s3+$0xFFFFFF00];
	v8 =	vadd.s32 v7, v8;
	_ =	sdelay $0x2  }
0x1e8: {  	s21 =	sadd.s32 $0xFFFFFFFF, s2  }
0x1e9: {  	v62 =	vmov s21  }
0x1ea: {  	[tilespmem:v8+s26+$0x0] =	vst.idx.msk $0xffff, v9;
	v8 =	vand.u32 $0x7E, v62  }
0x1eb: {  	v9 =	vld [tilespmem:s3+$0xFFFFFF80];
	v8 =	vadd.s32 v7, v8;
	_ =	sdelay $0x3  }
0x1ec: {  	v63 =	vmov s2  }
0x1ed: {  	[tilespmem:v8+s26+$0x0] =	vst.idx.msk $0xffff, v9;
	v8 =	vand.u32 $0x7F, v63  }
0x1ee: {  	v9 =	vld [tilespmem:s3+$0x0];
	v8 =	vadd.s32 v7, v8;
	_ =	sdelay $0x1  }
0x1ef: {  	s28 =	sadd.s32 s9, s24  }
0x1f0: {  	s29 =	rddreg [dreg:$0x2];
	s2 =	sshll.u32 s28, $0xF  }
0x1f1: {  	s8 =	sadd.s32 s29, s2  }
0x1f2: {  	s2 =	sadd.s32 s7, s8;
	[tilespmem:v8+s26+$0x0] =	vst.idx.msk $0xffff, v9  }
0x1f3: {  	[hbm4b:s2+s4] =	stream.linear.scatter [tilespmem:s26], [sflag:$0x3], $0x80, $0x38;
	[tilespmem:$0x14700] =	vst v63  }
0x1f4: {  	s10 =	simm.s32 $0x10388;
	s30 =	sadd.s32 $0x10, s2  }
0x1f5: {  	[hbm4b:s30+s4] =	stream.linear.scatter [tilespmem:s10], [sflag:$0x3], $0x80, $0x38;
	[tilespmem:$0x14700] =	vst v63  }
0x1f6: {  	s18 =	simm.s32 $0x10410;
	s10 =	sadd.s32 $0x20, s2  }
0x1f7: {  	[hbm4b:s10+s4] =	stream.linear.scatter [tilespmem:s18], [sflag:$0x3], $0x80, $0x38;
	[tilespmem:$0x14700] =	vst v63  }
0x1f8: {  	s20 =	simm.s32 $0x10498;
	s19 =	sadd.s32 $0x30, s2  }
0x1f9: {  	[hbm4b:s19+s4] =	stream.linear.scatter [tilespmem:s20], [sflag:$0x3], $0x80, $0x38;
	[tilespmem:$0x14700] =	vst v63  }
0x1fa: {  	s28 =	simm.s32 $0x10520;
	s21 =	sadd.s32 $0x40, s2  }
0x1fb: {  	[hbm4b:s21+s4] =	stream.linear.scatter [tilespmem:s28], [sflag:$0x3], $0x80, $0x38;
	[tilespmem:$0x14700] =	vst v63  }
0x1fc: {  	s29 =	sadd.s32 $0x50, s2;
	s30 =	simm.s32 $0x105A8  }
0x1fd: {  	[hbm4b:s29+s4] =	stream.linear.scatter [tilespmem:s30], [sflag:$0x3], $0x80, $0x38;
	[tilespmem:$0x14700] =	vst v63  }
0x1fe: {  	s10 =	sadd.s32 $0x60, s2;
	s18 =	simm.s32 $0x10630  }
0x1ff: {  	[hbm4b:s10+s4] =	stream.linear.scatter [tilespmem:s18], [sflag:$0x3], $0x80, $0x38;
	[tilespmem:$0x14700] =	vst v63  }
0x200: {  	s19 =	sadd.s32 $0x70, s2;
	s20 =	simm.s32 $0x106B8  }
0x201: {  	[hbm4b:s19+s4] =	stream.linear.scatter [tilespmem:s20], [sflag:$0x3], $0x80, $0x38;
	[tilespmem:$0x14700] =	vst v63  }
0x202: {  	s21 =	sadd.s32 $0x80, s2;
	s28 =	simm.s32 $0x10740  }
0x203: {  	[hbm4b:s21+s4] =	stream.linear.scatter [tilespmem:s28], [sflag:$0x3], $0x80, $0x38;
	[tilespmem:$0x14700] =	vst v63  }
0x204: {  	s29 =	sadd.s32 $0x90, s2;
	s30 =	simm.s32 $0x107C8  }
0x205: {  	[hbm4b:s29+s4] =	stream.linear.scatter [tilespmem:s30], [sflag:$0x3], $0x80, $0x38;
	[tilespmem:$0x14700] =	vst v63  }
0x206: {  	s10 =	sadd.s32 $0xA0, s2;
	s18 =	simm.s32 $0x10850  }
0x207: {  	[hbm4b:s10+s4] =	stream.linear.scatter [tilespmem:s18], [sflag:$0x3], $0x80, $0x38;
	[tilespmem:$0x14700] =	vst v63  }
0x208: {  	s19 =	sadd.s32 $0xB0, s2;
	s20 =	simm.s32 $0x108D8  }
0x209: {  	[hbm4b:s19+s4] =	stream.linear.scatter [tilespmem:s20], [sflag:$0x3], $0x80, $0x38;
	[tilespmem:$0x14700] =	vst v63  }
0x20a: {  	s21 =	sadd.s32 $0xC0, s2;
	s28 =	simm.s32 $0x10960  }
0x20b: {  	[hbm4b:s21+s4] =	stream.linear.scatter [tilespmem:s28], [sflag:$0x3], $0x80, $0x38;
	[tilespmem:$0x14700] =	vst v63  }
0x20c: {  	s29 =	sadd.s32 $0xD0, s2;
	s30 =	simm.s32 $0x109E8  }
0x20d: {  	[hbm4b:s29+s4] =	stream.linear.scatter [tilespmem:s30], [sflag:$0x3], $0x80, $0x38;
	[tilespmem:$0x14700] =	vst v63  }
0x20e: {  	s10 =	sadd.s32 $0xE0, s2;
	s18 =	simm.s32 $0x10A70  }
0x20f: {  	[hbm4b:s10+s4] =	stream.linear.scatter [tilespmem:s18], [sflag:$0x3], $0x80, $0x38;
	[tilespmem:$0x14700] =	vst v63  }
0x210: {  	s2 =	sadd.s32 $0xF0, s2;
	s19 =	simm.s32 $0x10AF8  }
0x211: {  	[hbm4b:s2+s4] =	stream.linear.scatter [tilespmem:s19], [sflag:$0x3], $0x80, $0x38;
	[tilespmem:$0x14700] =	vst v63  }
0x212: {  	s20 =	simm.s32 $0x10B80;
	s2 =	sadd.s32 s8, s11  }
0x213: {  	[hbm4b:s2+s4] =	stream.linear.scatter [tilespmem:s20], [sflag:$0x3], $0x80, $0x38;
	[tilespmem:$0x14700] =	vst v63  }
0x214: {  	s28 =	simm.s32 $0x10C08;
	s21 =	sadd.s32 $0x10, s2  }
0x215: {  	[hbm4b:s21+s4] =	stream.linear.scatter [tilespmem:s28], [sflag:$0x3], $0x80, $0x38;
	[tilespmem:$0x14700] =	vst v63  }
0x216: {  	s30 =	simm.s32 $0x10C90;
	s29 =	sadd.s32 $0x20, s2  }
0x217: {  	[hbm4b:s29+s4] =	stream.linear.scatter [tilespmem:s30], [sflag:$0x3], $0x80, $0x38;
	[tilespmem:$0x14700] =	vst v63  }
0x218: {  	s18 =	simm.s32 $0x10D18;
	s10 =	sadd.s32 $0x30, s2  }
0x219: {  	[hbm4b:s10+s4] =	stream.linear.scatter [tilespmem:s18], [sflag:$0x3], $0x80, $0x38;
	[tilespmem:$0x14700] =	vst v63  }
0x21a: {  	s19 =	sadd.s32 $0x40, s2;
	s20 =	simm.s32 $0x10DA0  }
0x21b: {  	[hbm4b:s19+s4] =	stream.linear.scatter [tilespmem:s20], [sflag:$0x3], $0x80, $0x38;
	[tilespmem:$0x14700] =	vst v63  }
0x21c: {  	s21 =	sadd.s32 $0x50, s2;
	s28 =	simm.s32 $0x10E28  }
0x21d: {  	[hbm4b:s21+s4] =	stream.linear.scatter [tilespmem:s28], [sflag:$0x3], $0x80, $0x38;
	[tilespmem:$0x14700] =	vst v63  }
0x21e: {  	s29 =	sadd.s32 $0x60, s2;
	s30 =	simm.s32 $0x10EB0  }
0x21f: {  	[hbm4b:s29+s4] =	stream.linear.scatter [tilespmem:s30], [sflag:$0x3], $0x80, $0x38;
	[tilespmem:$0x14700] =	vst v63  }
0x220: {  	s10 =	sadd.s32 $0x70, s2;
	s18 =	simm.s32 $0x10F38  }
0x221: {  	[hbm4b:s10+s4] =	stream.linear.scatter [tilespmem:s18], [sflag:$0x3], $0x80, $0x38;
	[tilespmem:$0x14700] =	vst v63  }
0x222: {  	s19 =	sadd.s32 $0x80, s2;
	s20 =	simm.s32 $0x10FC0  }
0x223: {  	[hbm4b:s19+s4] =	stream.linear.scatter [tilespmem:s20], [sflag:$0x3], $0x80, $0x38;
	[tilespmem:$0x14700] =	vst v63  }
0x224: {  	s21 =	sadd.s32 $0x90, s2;
	s28 =	simm.s32 $0x11048  }
0x225: {  	[hbm4b:s21+s4] =	stream.linear.scatter [tilespmem:s28], [sflag:$0x3], $0x80, $0x38;
	[tilespmem:$0x14700] =	vst v63  }
0x226: {  	s29 =	sadd.s32 $0xA0, s2;
	s30 =	simm.s32 $0x110D0  }
0x227: {  	[hbm4b:s29+s4] =	stream.linear.scatter [tilespmem:s30], [sflag:$0x3], $0x80, $0x38;
	[tilespmem:$0x14700] =	vst v63  }
0x228: {  	s10 =	sadd.s32 $0xB0, s2;
	s18 =	simm.s32 $0x11158  }
0x229: {  	[hbm4b:s10+s4] =	stream.linear.scatter [tilespmem:s18], [sflag:$0x3], $0x80, $0x38;
	[tilespmem:$0x14700] =	vst v63  }
0x22a: {  	s19 =	sadd.s32 $0xC0, s2;
	s20 =	simm.s32 $0x111E0  }
0x22b: {  	[hbm4b:s19+s4] =	stream.linear.scatter [tilespmem:s20], [sflag:$0x3], $0x80, $0x38;
	[tilespmem:$0x14700] =	vst v63  }
0x22c: {  	s21 =	sadd.s32 $0xD0, s2;
	s28 =	simm.s32 $0x11268  }
0x22d: {  	[hbm4b:s21+s4] =	stream.linear.scatter [tilespmem:s28], [sflag:$0x3], $0x80, $0x38;
	[tilespmem:$0x14700] =	vst v63  }
0x22e: {  	s29 =	sadd.s32 $0xE0, s2;
	s30 =	simm.s32 $0x112F0  }
0x22f: {  	[hbm4b:s29+s4] =	stream.linear.scatter [tilespmem:s30], [sflag:$0x3], $0x80, $0x38;
	[tilespmem:$0x14700] =	vst v63  }
0x230: {  	s2 =	sadd.s32 $0xF0, s2;
	s10 =	simm.s32 $0x11378  }
0x231: {  	[hbm4b:s2+s4] =	stream.linear.scatter [tilespmem:s10], [sflag:$0x3], $0x80, $0x38;
	[tilespmem:$0x14700] =	vst v63  }
0x232: {  	s18 =	simm.s32 $0x11400;
	s2 =	sadd.s32 s8, s12  }
0x233: {  	[hbm4b:s2+s4] =	stream.linear.scatter [tilespmem:s18], [sflag:$0x3], $0x80, $0x38;
	[tilespmem:$0x14700] =	vst v63  }
0x234: {  	s20 =	simm.s32 $0x11488;
	s19 =	sadd.s32 $0x10, s2  }
0x235: {  	[hbm4b:s19+s4] =	stream.linear.scatter [tilespmem:s20], [sflag:$0x3], $0x80, $0x38;
	[tilespmem:$0x14700] =	vst v63  }
0x236: {  	s28 =	simm.s32 $0x11510;
	s21 =	sadd.s32 $0x20, s2  }
0x237: {  	[hbm4b:s21+s4] =	stream.linear.scatter [tilespmem:s28], [sflag:$0x3], $0x80, $0x38;
	[tilespmem:$0x14700] =	vst v63  }
0x238: {  	s30 =	simm.s32 $0x11598;
	s29 =	sadd.s32 $0x30, s2  }
0x239: {  	[hbm4b:s29+s4] =	stream.linear.scatter [tilespmem:s30], [sflag:$0x3], $0x80, $0x38;
	[tilespmem:$0x14700] =	vst v63  }
0x23a: {  	s10 =	sadd.s32 $0x40, s2;
	s18 =	simm.s32 $0x11620  }
0x23b: {  	[hbm4b:s10+s4] =	stream.linear.scatter [tilespmem:s18], [sflag:$0x3], $0x80, $0x38;
	[tilespmem:$0x14700] =	vst v63  }
0x23c: {  	s19 =	sadd.s32 $0x50, s2;
	s20 =	simm.s32 $0x116A8  }
0x23d: {  	[hbm4b:s19+s4] =	stream.linear.scatter [tilespmem:s20], [sflag:$0x3], $0x80, $0x38;
	[tilespmem:$0x14700] =	vst v63  }
0x23e: {  	s21 =	sadd.s32 $0x60, s2;
	s28 =	simm.s32 $0x11730  }
0x23f: {  	[hbm4b:s21+s4] =	stream.linear.scatter [tilespmem:s28], [sflag:$0x3], $0x80, $0x38;
	[tilespmem:$0x14700] =	vst v63  }
0x240: {  	s29 =	sadd.s32 $0x70, s2;
	s30 =	simm.s32 $0x117B8  }
0x241: {  	[hbm4b:s29+s4] =	stream.linear.scatter [tilespmem:s30], [sflag:$0x3], $0x80, $0x38;
	[tilespmem:$0x14700] =	vst v63  }
0x242: {  	s10 =	sadd.s32 $0x80, s2;
	s18 =	simm.s32 $0x11840  }
0x243: {  	[hbm4b:s10+s4] =	stream.linear.scatter [tilespmem:s18], [sflag:$0x3], $0x80, $0x38;
	[tilespmem:$0x14700] =	vst v63  }
0x244: {  	s19 =	sadd.s32 $0x90, s2;
	s20 =	simm.s32 $0x118C8  }
0x245: {  	[hbm4b:s19+s4] =	stream.linear.scatter [tilespmem:s20], [sflag:$0x3], $0x80, $0x38;
	[tilespmem:$0x14700] =	vst v63  }
0x246: {  	s21 =	sadd.s32 $0xA0, s2;
	s28 =	simm.s32 $0x11950  }
0x247: {  	[hbm4b:s21+s4] =	stream.linear.scatter [tilespmem:s28], [sflag:$0x3], $0x80, $0x38;
	[tilespmem:$0x14700] =	vst v63  }
0x248: {  	s29 =	sadd.s32 $0xB0, s2;
	s30 =	simm.s32 $0x119D8  }
0x249: {  	[hbm4b:s29+s4] =	stream.linear.scatter [tilespmem:s30], [sflag:$0x3], $0x80, $0x38;
	[tilespmem:$0x14700] =	vst v63  }
0x24a: {  	s10 =	sadd.s32 $0xC0, s2;
	s18 =	simm.s32 $0x11A60  }
0x24b: {  	[hbm4b:s10+s4] =	stream.linear.scatter [tilespmem:s18], [sflag:$0x3], $0x80, $0x38;
	[tilespmem:$0x14700] =	vst v63  }
0x24c: {  	s19 =	sadd.s32 $0xD0, s2;
	s20 =	simm.s32 $0x11AE8  }
0x24d: {  	[hbm4b:s19+s4] =	stream.linear.scatter [tilespmem:s20], [sflag:$0x3], $0x80, $0x38;
	[tilespmem:$0x14700] =	vst v63  }
0x24e: {  	s21 =	sadd.s32 $0xE0, s2;
	s28 =	simm.s32 $0x11B70  }
0x24f: {  	[hbm4b:s21+s4] =	stream.linear.scatter [tilespmem:s28], [sflag:$0x3], $0x80, $0x38;
	[tilespmem:$0x14700] =	vst v63  }
0x250: {  	s2 =	sadd.s32 $0xF0, s2;
	s29 =	simm.s32 $0x11BF8  }
0x251: {  	[hbm4b:s2+s4] =	stream.linear.scatter [tilespmem:s29], [sflag:$0x3], $0x80, $0x38;
	[tilespmem:$0x14700] =	vst v63  }
0x252: {  	s30 =	simm.s32 $0x11C80;
	s2 =	sadd.s32 s8, s13  }
0x253: {  	[hbm4b:s2+s4] =	stream.linear.scatter [tilespmem:s30], [sflag:$0x3], $0x80, $0x38;
	[tilespmem:$0x14700] =	vst v63  }
0x254: {  	s18 =	simm.s32 $0x11D08;
	s10 =	sadd.s32 $0x10, s2  }
0x255: {  	[hbm4b:s10+s4] =	stream.linear.scatter [tilespmem:s18], [sflag:$0x3], $0x80, $0x38;
	[tilespmem:$0x14700] =	vst v63  }
0x256: {  	s20 =	simm.s32 $0x11D90;
	s19 =	sadd.s32 $0x20, s2  }
0x257: {  	[hbm4b:s19+s4] =	stream.linear.scatter [tilespmem:s20], [sflag:$0x3], $0x80, $0x38;
	[tilespmem:$0x14700] =	vst v63  }
0x258: {  	s28 =	simm.s32 $0x11E18;
	s21 =	sadd.s32 $0x30, s2  }
0x259: {  	[hbm4b:s21+s4] =	stream.linear.scatter [tilespmem:s28], [sflag:$0x3], $0x80, $0x38;
	[tilespmem:$0x14700] =	vst v63  }
0x25a: {  	s29 =	sadd.s32 $0x40, s2;
	s30 =	simm.s32 $0x11EA0  }
0x25b: {  	[hbm4b:s29+s4] =	stream.linear.scatter [tilespmem:s30], [sflag:$0x3], $0x80, $0x38;
	[tilespmem:$0x14700] =	vst v63  }
0x25c: {  	s10 =	sadd.s32 $0x50, s2;
	s18 =	simm.s32 $0x11F28  }
0x25d: {  	[hbm4b:s10+s4] =	stream.linear.scatter [tilespmem:s18], [sflag:$0x3], $0x80, $0x38;
	[tilespmem:$0x14700] =	vst v63  }
0x25e: {  	s19 =	sadd.s32 $0x60, s2;
	s20 =	simm.s32 $0x11FB0  }
0x25f: {  	[hbm4b:s19+s4] =	stream.linear.scatter [tilespmem:s20], [sflag:$0x3], $0x80, $0x38;
	[tilespmem:$0x14700] =	vst v63  }
0x260: {  	s21 =	sadd.s32 $0x70, s2;
	s28 =	simm.s32 $0x12038  }
0x261: {  	[hbm4b:s21+s4] =	stream.linear.scatter [tilespmem:s28], [sflag:$0x3], $0x80, $0x38;
	[tilespmem:$0x14700] =	vst v63  }
0x262: {  	s29 =	sadd.s32 $0x80, s2;
	s30 =	simm.s32 $0x120C0  }
0x263: {  	[hbm4b:s29+s4] =	stream.linear.scatter [tilespmem:s30], [sflag:$0x3], $0x80, $0x38;
	[tilespmem:$0x14700] =	vst v63  }
0x264: {  	s10 =	sadd.s32 $0x90, s2;
	s18 =	simm.s32 $0x12148  }
0x265: {  	[hbm4b:s10+s4] =	stream.linear.scatter [tilespmem:s18], [sflag:$0x3], $0x80, $0x38;
	[tilespmem:$0x14700] =	vst v63  }
0x266: {  	s19 =	sadd.s32 $0xA0, s2;
	s20 =	simm.s32 $0x121D0  }
0x267: {  	[hbm4b:s19+s4] =	stream.linear.scatter [tilespmem:s20], [sflag:$0x3], $0x80, $0x38;
	[tilespmem:$0x14700] =	vst v63  }
0x268: {  	s21 =	sadd.s32 $0xB0, s2;
	s28 =	simm.s32 $0x12258  }
0x269: {  	[hbm4b:s21+s4] =	stream.linear.scatter [tilespmem:s28], [sflag:$0x3], $0x80, $0x38;
	[tilespmem:$0x14700] =	vst v63  }
0x26a: {  	s29 =	sadd.s32 $0xC0, s2;
	s30 =	simm.s32 $0x122E0  }
0x26b: {  	[hbm4b:s29+s4] =	stream.linear.scatter [tilespmem:s30], [sflag:$0x3], $0x80, $0x38;
	[tilespmem:$0x14700] =	vst v63  }
0x26c: {  	s10 =	sadd.s32 $0xD0, s2;
	s18 =	simm.s32 $0x12368  }
0x26d: {  	[hbm4b:s10+s4] =	stream.linear.scatter [tilespmem:s18], [sflag:$0x3], $0x80, $0x38;
	[tilespmem:$0x14700] =	vst v63  }
0x26e: {  	s19 =	sadd.s32 $0xE0, s2;
	s20 =	simm.s32 $0x123F0  }
0x26f: {  	[hbm4b:s19+s4] =	stream.linear.scatter [tilespmem:s20], [sflag:$0x3], $0x80, $0x38;
	[tilespmem:$0x14700] =	vst v63  }
0x270: {  	s2 =	sadd.s32 $0xF0, s2;
	s21 =	simm.s32 $0x12478  }
0x271: {  	[hbm4b:s2+s4] =	stream.linear.scatter [tilespmem:s21], [sflag:$0x3], $0x80, $0x38;
	[tilespmem:$0x14700] =	vst v63  }
0x272: {  	s28 =	simm.s32 $0x12500;
	s2 =	sadd.s32 s8, s14  }
0x273: {  	[hbm4b:s2+s4] =	stream.linear.scatter [tilespmem:s28], [sflag:$0x3], $0x80, $0x38;
	[tilespmem:$0x14700] =	vst v63  }
0x274: {  	s30 =	simm.s32 $0x12588;
	s29 =	sadd.s32 $0x10, s2  }
0x275: {  	[hbm4b:s29+s4] =	stream.linear.scatter [tilespmem:s30], [sflag:$0x3], $0x80, $0x38;
	[tilespmem:$0x14700] =	vst v63  }
0x276: {  	s18 =	simm.s32 $0x12610;
	s10 =	sadd.s32 $0x20, s2  }
0x277: {  	[hbm4b:s10+s4] =	stream.linear.scatter [tilespmem:s18], [sflag:$0x3], $0x80, $0x38;
	[tilespmem:$0x14700] =	vst v63  }
0x278: {  	s20 =	simm.s32 $0x12698;
	s19 =	sadd.s32 $0x30, s2  }
0x279: {  	[hbm4b:s19+s4] =	stream.linear.scatter [tilespmem:s20], [sflag:$0x3], $0x80, $0x38;
	[tilespmem:$0x14700] =	vst v63  }
0x27a: {  	s21 =	sadd.s32 $0x40, s2;
	s28 =	simm.s32 $0x12720  }
0x27b: {  	[hbm4b:s21+s4] =	stream.linear.scatter [tilespmem:s28], [sflag:$0x3], $0x80, $0x38;
	[tilespmem:$0x14700] =	vst v63  }
0x27c: {  	s29 =	sadd.s32 $0x50, s2;
	s30 =	simm.s32 $0x127A8  }
0x27d: {  	[hbm4b:s29+s4] =	stream.linear.scatter [tilespmem:s30], [sflag:$0x3], $0x80, $0x38;
	[tilespmem:$0x14700] =	vst v63  }
0x27e: {  	s10 =	sadd.s32 $0x60, s2;
	s18 =	simm.s32 $0x12830  }
0x27f: {  	[hbm4b:s10+s4] =	stream.linear.scatter [tilespmem:s18], [sflag:$0x3], $0x80, $0x38;
	[tilespmem:$0x14700] =	vst v63  }
0x280: {  	s19 =	sadd.s32 $0x70, s2;
	s20 =	simm.s32 $0x128B8  }
0x281: {  	[hbm4b:s19+s4] =	stream.linear.scatter [tilespmem:s20], [sflag:$0x3], $0x80, $0x38;
	[tilespmem:$0x14700] =	vst v63  }
0x282: {  	s21 =	sadd.s32 $0x80, s2;
	s28 =	simm.s32 $0x12940  }
0x283: {  	[hbm4b:s21+s4] =	stream.linear.scatter [tilespmem:s28], [sflag:$0x3], $0x80, $0x38;
	[tilespmem:$0x14700] =	vst v63  }
0x284: {  	s29 =	sadd.s32 $0x90, s2;
	s30 =	simm.s32 $0x129C8  }
0x285: {  	[hbm4b:s29+s4] =	stream.linear.scatter [tilespmem:s30], [sflag:$0x3], $0x80, $0x38;
	[tilespmem:$0x14700] =	vst v63  }
0x286: {  	s10 =	sadd.s32 $0xA0, s2;
	s18 =	simm.s32 $0x12A50  }
0x287: {  	[hbm4b:s10+s4] =	stream.linear.scatter [tilespmem:s18], [sflag:$0x3], $0x80, $0x38;
	[tilespmem:$0x14700] =	vst v63  }
0x288: {  	s19 =	sadd.s32 $0xB0, s2;
	s20 =	simm.s32 $0x12AD8  }
0x289: {  	[hbm4b:s19+s4] =	stream.linear.scatter [tilespmem:s20], [sflag:$0x3], $0x80, $0x38;
	[tilespmem:$0x14700] =	vst v63  }
0x28a: {  	s21 =	sadd.s32 $0xC0, s2;
	s28 =	simm.s32 $0x12B60  }
0x28b: {  	[hbm4b:s21+s4] =	stream.linear.scatter [tilespmem:s28], [sflag:$0x3], $0x80, $0x38;
	[tilespmem:$0x14700] =	vst v63  }
0x28c: {  	s29 =	sadd.s32 $0xD0, s2;
	s30 =	simm.s32 $0x12BE8  }
0x28d: {  	[hbm4b:s29+s4] =	stream.linear.scatter [tilespmem:s30], [sflag:$0x3], $0x80, $0x38;
	[tilespmem:$0x14700] =	vst v63  }
0x28e: {  	s10 =	sadd.s32 $0xE0, s2;
	s18 =	simm.s32 $0x12C70  }
0x28f: {  	[hbm4b:s10+s4] =	stream.linear.scatter [tilespmem:s18], [sflag:$0x3], $0x80, $0x38;
	[tilespmem:$0x14700] =	vst v63  }
0x290: {  	s2 =	sadd.s32 $0xF0, s2;
	s19 =	simm.s32 $0x12CF8  }
0x291: {  	[hbm4b:s2+s4] =	stream.linear.scatter [tilespmem:s19], [sflag:$0x3], $0x80, $0x38;
	[tilespmem:$0x14700] =	vst v63  }
0x292: {  	s20 =	simm.s32 $0x12D80;
	s2 =	sadd.s32 s8, s15  }
0x293: {  	[hbm4b:s2+s4] =	stream.linear.scatter [tilespmem:s20], [sflag:$0x3], $0x80, $0x38;
	[tilespmem:$0x14700] =	vst v63  }
0x294: {  	s28 =	simm.s32 $0x12E08;
	s21 =	sadd.s32 $0x10, s2  }
0x295: {  	[hbm4b:s21+s4] =	stream.linear.scatter [tilespmem:s28], [sflag:$0x3], $0x80, $0x38;
	[tilespmem:$0x14700] =	vst v63  }
0x296: {  	s30 =	simm.s32 $0x12E90;
	s29 =	sadd.s32 $0x20, s2  }
0x297: {  	[hbm4b:s29+s4] =	stream.linear.scatter [tilespmem:s30], [sflag:$0x3], $0x80, $0x38;
	[tilespmem:$0x14700] =	vst v63  }
0x298: {  	s18 =	simm.s32 $0x12F18;
	s10 =	sadd.s32 $0x30, s2  }
0x299: {  	[hbm4b:s10+s4] =	stream.linear.scatter [tilespmem:s18], [sflag:$0x3], $0x80, $0x38;
	[tilespmem:$0x14700] =	vst v63  }
0x29a: {  	s19 =	sadd.s32 $0x40, s2;
	s20 =	simm.s32 $0x12FA0  }
0x29b: {  	[hbm4b:s19+s4] =	stream.linear.scatter [tilespmem:s20], [sflag:$0x3], $0x80, $0x38;
	[tilespmem:$0x14700] =	vst v63  }
0x29c: {  	s21 =	sadd.s32 $0x50, s2;
	s28 =	simm.s32 $0x13028  }
0x29d: {  	[hbm4b:s21+s4] =	stream.linear.scatter [tilespmem:s28], [sflag:$0x3], $0x80, $0x38;
	[tilespmem:$0x14700] =	vst v63  }
0x29e: {  	s29 =	sadd.s32 $0x60, s2;
	s30 =	simm.s32 $0x130B0  }
0x29f: {  	[hbm4b:s29+s4] =	stream.linear.scatter [tilespmem:s30], [sflag:$0x3], $0x80, $0x38;
	[tilespmem:$0x14700] =	vst v63  }
0x2a0: {  	s10 =	sadd.s32 $0x70, s2;
	s18 =	simm.s32 $0x13138  }
0x2a1: {  	[hbm4b:s10+s4] =	stream.linear.scatter [tilespmem:s18], [sflag:$0x3], $0x80, $0x38;
	[tilespmem:$0x14700] =	vst v63  }
0x2a2: {  	s19 =	sadd.s32 $0x80, s2;
	s20 =	simm.s32 $0x131C0  }
0x2a3: {  	[hbm4b:s19+s4] =	stream.linear.scatter [tilespmem:s20], [sflag:$0x3], $0x80, $0x38;
	[tilespmem:$0x14700] =	vst v63  }
0x2a4: {  	s21 =	sadd.s32 $0x90, s2;
	s28 =	simm.s32 $0x13248  }
0x2a5: {  	[hbm4b:s21+s4] =	stream.linear.scatter [tilespmem:s28], [sflag:$0x3], $0x80, $0x38;
	[tilespmem:$0x14700] =	vst v63  }
0x2a6: {  	s29 =	sadd.s32 $0xA0, s2;
	s30 =	simm.s32 $0x132D0  }
0x2a7: {  	[hbm4b:s29+s4] =	stream.linear.scatter [tilespmem:s30], [sflag:$0x3], $0x80, $0x38;
	[tilespmem:$0x14700] =	vst v63  }
0x2a8: {  	s10 =	sadd.s32 $0xB0, s2;
	s18 =	simm.s32 $0x13358  }
0x2a9: {  	[hbm4b:s10+s4] =	stream.linear.scatter [tilespmem:s18], [sflag:$0x3], $0x80, $0x38;
	[tilespmem:$0x14700] =	vst v63  }
0x2aa: {  	s19 =	sadd.s32 $0xC0, s2;
	s20 =	simm.s32 $0x133E0  }
0x2ab: {  	[hbm4b:s19+s4] =	stream.linear.scatter [tilespmem:s20], [sflag:$0x3], $0x80, $0x38;
	[tilespmem:$0x14700] =	vst v63  }
0x2ac: {  	s21 =	sadd.s32 $0xD0, s2;
	s28 =	simm.s32 $0x13468  }
0x2ad: {  	[hbm4b:s21+s4] =	stream.linear.scatter [tilespmem:s28], [sflag:$0x3], $0x80, $0x38;
	[tilespmem:$0x14700] =	vst v63  }
0x2ae: {  	s29 =	sadd.s32 $0xE0, s2;
	s30 =	simm.s32 $0x134F0  }
0x2af: {  	[hbm4b:s29+s4] =	stream.linear.scatter [tilespmem:s30], [sflag:$0x3], $0x80, $0x38;
	[tilespmem:$0x14700] =	vst v63  }
0x2b0: {  	s2 =	sadd.s32 $0xF0, s2;
	s10 =	simm.s32 $0x13578  }
0x2b1: {  	[hbm4b:s2+s4] =	stream.linear.scatter [tilespmem:s10], [sflag:$0x3], $0x80, $0x38;
	[tilespmem:$0x14700] =	vst v63  }
0x2b2: {  	s18 =	simm.s32 $0x13600;
	s2 =	sadd.s32 s8, s16  }
0x2b3: {  	[hbm4b:s2+s4] =	stream.linear.scatter [tilespmem:s18], [sflag:$0x3], $0x80, $0x38;
	[tilespmem:$0x14700] =	vst v63  }
0x2b4: {  	s20 =	simm.s32 $0x13688;
	s19 =	sadd.s32 $0x10, s2  }
0x2b5: {  	[hbm4b:s19+s4] =	stream.linear.scatter [tilespmem:s20], [sflag:$0x3], $0x80, $0x38;
	[tilespmem:$0x14700] =	vst v63  }
0x2b6: {  	s28 =	simm.s32 $0x13710;
	s21 =	sadd.s32 $0x20, s2  }
0x2b7: {  	[hbm4b:s21+s4] =	stream.linear.scatter [tilespmem:s28], [sflag:$0x3], $0x80, $0x38;
	[tilespmem:$0x14700] =	vst v63  }
0x2b8: {  	s30 =	simm.s32 $0x13798;
	s29 =	sadd.s32 $0x30, s2  }
0x2b9: {  	[hbm4b:s29+s4] =	stream.linear.scatter [tilespmem:s30], [sflag:$0x3], $0x80, $0x38;
	[tilespmem:$0x14700] =	vst v63  }
0x2ba: {  	s10 =	sadd.s32 $0x40, s2;
	s18 =	simm.s32 $0x13820  }
0x2bb: {  	[hbm4b:s10+s4] =	stream.linear.scatter [tilespmem:s18], [sflag:$0x3], $0x80, $0x38;
	[tilespmem:$0x14700] =	vst v63  }
0x2bc: {  	s19 =	sadd.s32 $0x50, s2;
	s20 =	simm.s32 $0x138A8  }
0x2bd: {  	[hbm4b:s19+s4] =	stream.linear.scatter [tilespmem:s20], [sflag:$0x3], $0x80, $0x38;
	[tilespmem:$0x14700] =	vst v63  }
0x2be: {  	s21 =	sadd.s32 $0x60, s2;
	s28 =	simm.s32 $0x13930  }
0x2bf: {  	[hbm4b:s21+s4] =	stream.linear.scatter [tilespmem:s28], [sflag:$0x3], $0x80, $0x38;
	[tilespmem:$0x14700] =	vst v63  }
0x2c0: {  	s29 =	sadd.s32 $0x70, s2;
	s30 =	simm.s32 $0x139B8  }
0x2c1: {  	[hbm4b:s29+s4] =	stream.linear.scatter [tilespmem:s30], [sflag:$0x3], $0x80, $0x38;
	[tilespmem:$0x14700] =	vst v63  }
0x2c2: {  	s10 =	sadd.s32 $0x80, s2;
	s18 =	simm.s32 $0x13A40  }
0x2c3: {  	[hbm4b:s10+s4] =	stream.linear.scatter [tilespmem:s18], [sflag:$0x3], $0x80, $0x38;
	[tilespmem:$0x14700] =	vst v63  }
0x2c4: {  	s19 =	sadd.s32 $0x90, s2;
	s20 =	simm.s32 $0x13AC8  }
0x2c5: {  	[hbm4b:s19+s4] =	stream.linear.scatter [tilespmem:s20], [sflag:$0x3], $0x80, $0x38;
	[tilespmem:$0x14700] =	vst v63  }
0x2c6: {  	s21 =	sadd.s32 $0xA0, s2;
	s28 =	simm.s32 $0x13B50  }
0x2c7: {  	[hbm4b:s21+s4] =	stream.linear.scatter [tilespmem:s28], [sflag:$0x3], $0x80, $0x38;
	[tilespmem:$0x14700] =	vst v63  }
0x2c8: {  	s29 =	sadd.s32 $0xB0, s2;
	s30 =	simm.s32 $0x13BD8  }
0x2c9: {  	[hbm4b:s29+s4] =	stream.linear.scatter [tilespmem:s30], [sflag:$0x3], $0x80, $0x38;
	[tilespmem:$0x14700] =	vst v63  }
0x2ca: {  	s18 =	sadd.s32 $0xC0, s2;
	s19 =	simm.s32 $0x13C60  }
0x2cb: {  	[hbm4b:s18+s4] =	stream.linear.scatter [tilespmem:s19], [sflag:$0x3], $0x80, $0x38;
	[tilespmem:$0x14700] =	vst v63  }
0x2cc: {  	s20 =	sadd.s32 $0xD0, s2;
	s21 =	simm.s32 $0x13CE8  }
0x2cd: {  	[hbm4b:s20+s4] =	stream.linear.scatter [tilespmem:s21], [sflag:$0x3], $0x80, $0x38;
	[tilespmem:$0x14700] =	vst v63  }
0x2ce: {  	s28 =	sadd.s32 $0xE0, s2;
	s29 =	simm.s32 $0x13D70  }
0x2cf: {  	[hbm4b:s28+s4] =	stream.linear.scatter [tilespmem:s29], [sflag:$0x3], $0x80, $0x38;
	[tilespmem:$0x14700] =	vst v63  }
0x2d0: {  	s2 =	sadd.s32 $0xF0, s2;
	s30 =	simm.s32 $0x13DF8  }
0x2d1: {  	[hbm4b:s2+s4] =	stream.linear.scatter [tilespmem:s30], [sflag:$0x3], $0x80, $0x38;
	[tilespmem:$0x14700] =	vst v63  }
0x2d2: {  	s2 =	sadd.s32 s8, s17;
	s8 =	simm.s32 $0x13E80  }
0x2d3: {  	[hbm4b:s2+s4] =	stream.linear.scatter [tilespmem:s8], [sflag:$0x3], $0x80, $0x38;
	[tilespmem:$0x14700] =	vst v63  }
0x2d4: {  	s18 =	simm.s32 $0x13F08;
	s10 =	sadd.s32 $0x10, s2  }
0x2d5: {  	[hbm4b:s10+s4] =	stream.linear.scatter [tilespmem:s18], [sflag:$0x3], $0x80, $0x38;
	[tilespmem:$0x14700] =	vst v63  }
0x2d6: {  	s20 =	simm.s32 $0x13F90;
	s19 =	sadd.s32 $0x20, s2  }
0x2d7: {  	[hbm4b:s19+s4] =	stream.linear.scatter [tilespmem:s20], [sflag:$0x3], $0x80, $0x38;
	[tilespmem:$0x14700] =	vst v63  }
0x2d8: {  	s28 =	simm.s32 $0x14018;
	s21 =	sadd.s32 $0x30, s2  }
0x2d9: {  	[hbm4b:s21+s4] =	stream.linear.scatter [tilespmem:s28], [sflag:$0x3], $0x80, $0x38;
	[tilespmem:$0x14700] =	vst v63  }
0x2da: {  	s30 =	simm.s32 $0x140A0;
	s29 =	sadd.s32 $0x40, s2  }
0x2db: {  	[hbm4b:s29+s4] =	stream.linear.scatter [tilespmem:s30], [sflag:$0x3], $0x80, $0x38;
	[tilespmem:$0x14700] =	vst v63  }
0x2dc: {  	s10 =	sadd.s32 $0x50, s2;
	s18 =	simm.s32 $0x14128  }
0x2dd: {  	[hbm4b:s10+s4] =	stream.linear.scatter [tilespmem:s18], [sflag:$0x3], $0x80, $0x38;
	[tilespmem:$0x14700] =	vst v63  }
0x2de: {  	s19 =	sadd.s32 $0x60, s2;
	s20 =	simm.s32 $0x141B0  }
0x2df: {  	[hbm4b:s19+s4] =	stream.linear.scatter [tilespmem:s20], [sflag:$0x3], $0x80, $0x38;
	[tilespmem:$0x14700] =	vst v63  }
0x2e0: {  	s21 =	sadd.s32 $0x70, s2;
	s28 =	simm.s32 $0x14238  }
0x2e1: {  	[hbm4b:s21+s4] =	stream.linear.scatter [tilespmem:s28], [sflag:$0x3], $0x80, $0x38;
	[tilespmem:$0x14700] =	vst v63  }
0x2e2: {  	s29 =	sadd.s32 $0x80, s2;
	s30 =	simm.s32 $0x142C0  }
0x2e3: {  	[hbm4b:s29+s4] =	stream.linear.scatter [tilespmem:s30], [sflag:$0x3], $0x80, $0x38;
	[tilespmem:$0x14700] =	vst v63  }
0x2e4: {  	s10 =	sadd.s32 $0x90, s2;
	s18 =	simm.s32 $0x14348  }
0x2e5: {  	[hbm4b:s10+s4] =	stream.linear.scatter [tilespmem:s18], [sflag:$0x3], $0x80, $0x38;
	[tilespmem:$0x14700] =	vst v63  }
0x2e6: {  	s19 =	sadd.s32 $0xA0, s2;
	s20 =	simm.s32 $0x143D0  }
0x2e7: {  	[hbm4b:s19+s4] =	stream.linear.scatter [tilespmem:s20], [sflag:$0x3], $0x80, $0x38;
	[tilespmem:$0x14700] =	vst v63  }
0x2e8: {  	s21 =	sadd.s32 $0xB0, s2  }
0x2e9: {  	[hbm4b:s21+s4] =	stream.linear.scatter [tilespmem:s31], [sflag:$0x3], $0x80, $0x38;
	[tilespmem:$0x14700] =	vst v63  }
0x2ea: {  	s24 =	sadd.s32 $0x1, s24;
	s28 =	sadd.s32 $0xC0, s2  }
0x2eb: {  	[hbm4b:s28+s4] =	stream.linear.scatter [tilespmem:s0], [sflag:$0x3], $0x80, $0x38;
	[tilespmem:$0x14700] =	vst v63  }
0x2ec: {  	p1 =	sne.s32 s24, $0x64;
	s29 =	sadd.s32 $0xD0, s2  }
0x2ed: {  	[hbm4b:s29+s4] =	stream.linear.scatter [tilespmem:s1], [sflag:$0x3], $0x80, $0x38;
	[tilespmem:$0x14700] =	vst v63  }
.Ltmp8:
0x2ee: {  	_ = 	snop;
	(pc) =	sbr.rel @p1 .LBB2_2-.Ltmp8, $4  }
0x2ef: {  	s30 =	sadd.s32 $0xE0, s2  }
0x2f0: {  	[hbm4b:s30+s4] =	stream.linear.scatter [tilespmem:s22], [sflag:$0x3], $0x80, $0x38;
	[tilespmem:$0x14700] =	vst v63  }
0x2f1: {  	p0 =	por !p0, !p0;
	s2 =	sadd.s32 $0xF0, s2  }
0x2f2: {  	[hbm4b:s2+s4] =	stream.linear.scatter [tilespmem:s23], [sflag:$0x3], $0x80, $0x38;
	[tilespmem:$0x14700] =	vst v63  }
0x2f3: {  	s3 =	simm.s32 $0x3  }
0x2f4: {  	_ =	swait.ge [sflag:s3], $0x800  }
0x2f5: {  	[sflag:s3] =	ssyncset.done $0x0  }
0x2f6: {  	[sflag:s3] =	ssyncadd.s32 $0xFFFFF800  }
0x2f7: {  	_ =	swait.ge [sflag:s3], $0x800  }
0x2f8: {  	[sflag:s3] =	ssyncset.done $0x0  }
0x2f9: {  	[sflag:s3] =	ssyncadd.s32 $0xFFFFF800  }
0x2fa: {  	_ =	swait.ge [sflag:s3], $0x800  }
0x2fb: {  	[sflag:s3] =	ssyncset.done $0x0  }
0x2fc: {  	[sflag:s3] =	ssyncadd.s32 $0xFFFFF800  }
0x2fd: {  	_ =	swait.ge [sflag:s3], $0x800  }
0x2fe: {  	[sflag:s3] =	ssyncset.done $0x0  }
0x2ff: {  	[sflag:s3] =	ssyncadd.s32 $0xFFFFF800  }
0x300: {  	_ =	swait.ge [sflag:s3], $0x800  }
0x301: {  	[sflag:s3] =	ssyncset.done $0x0  }
0x302: {  	[sflag:s3] =	ssyncadd.s32 $0xFFFFF800  }
0x303: {  	_ =	swait.ge [sflag:s3], $0x800  }
0x304: {  	[sflag:s3] =	ssyncset.done $0x0  }
0x305: {  	[sflag:s3] =	ssyncadd.s32 $0xFFFFF800  }
0x306: {  	_ =	swait.ge [sflag:s3], $0x800  }
0x307: {  	[sflag:s3] =	ssyncset.done $0x0  }
0x308: {  	[sflag:s3] =	ssyncadd.s32 $0xFFFFF800  }
0x309: {  	_ =	swait.ge [sflag:s3], $0x800  }
0x30a: {  	s8 =	rddreg [dreg:$0x7]  }
0x30b: {  	s2 =	rddreg [dreg:$0x6];
	s8 =	sadd.s32 $0x1, s8  }
0x30c: {  	p0 =	sne.s32 s8, s2  }
.Ltmp9:
0x30d: {  	_ = 	snop;
	(pc) =	sbr.rel @p0 .LBB2_1-.Ltmp9, $3  }
0x30e: {  	_ =	sdelay $0x1  }
0x30f: {  	[sflag:s3] =	ssyncset.done $0x0  }
0x310: {  	[sflag:s3] =	ssyncadd.s32 $0xFFFFF800  }
0x311: {  	_ =	sfence.sel $0x180000  }
0x312: {  	[bflag:$0x0] =	sbarrier.arrive $0xFFFF  }
0x313: {  	_ =	strace $0x90000047  }
0x314: {  	s0 =	stileid.u32;
	[bflag:$0x2] =	sbarrier.arrive $0xFFFF  }
0x315: {  	p0 =	sne.s32 s0, $0x0;
	s0 =	rddreg [dreg:$0x3]  }
0x316: {  	s0 =	sadd.s32 @!p0 $0x100000, s0  }
0x317: {  	[sflag:s0] =	ssyncadd.tile.s32 @!p0 $0x1;
	_ =	shalt  }
.Lfunc_end2:
_tile_overlayer_lowered:
.L_overlay_start_2:
0x318: {  	(tag) =	ssettag $0x2  }
0x319: {  	s0 =	rddreg [dreg:$0x0];
	s2 =	stileid.u32  }
0x31a: {  	s1 =	rddreg [dreg:$0x1];
	p0 =	sne.s32 s2, $0x0  }
0x31b: {  	s3 =	rddreg [dreg:$0x2];
	[bflag:$0x3] =	sbarrier.arrive $0xFFFF;
	s2 =	simm.s32 @!p0 $0x1C04  }
0x31c: {  	[timem:s3], [sflag:s2] =	dma.local @!p0 [hbm:s0], s1  }
0x31d: {  	s0 =	simm.s32 @!p0 $0x4  }
0x31e: {  	_ =	swait.ge @!p0 [sflag:s0], s1  }
0x31f: {  	s1 =	ssub.s32 @!p0 $0x0, s1;
	[sflag:s0] =	ssyncset.done @!p0 $0x0  }
0x320: {  	[sflag:s0] =	ssyncadd.s32 @!p0 s1  }
0x321: {  	[bflag:$0x3] =	sbarrier.arrive $0xFFFF  }
0x322: {  	_ =	shalt  }

</sc_bundles>
